<compile_context>
chip_gen: v7x
topology: tpu7x:2x2x1
jax: 0.10.2.dev20260603
libtpu: 0.0.44.dev20260713+nightly
codegen_flags: <defaults>
</compile_context>

<pallas_src>
import dataclasses
import functools

import jax
import jax.numpy as jnp
from jax import lax
from jax.experimental import pallas as pl
from jax.experimental.pallas import tpu as pltpu
from jax.experimental.pallas import tpu_sc as plsc

N = 10000
D = 128
E = 320000
L = 16
NC = 2
NS = 16
NW = NC * NS
BE = 128
NB = 80
NB0 = 152
NB1 = 2 * NB - NB0
HNB = 64
EP = NW * NB * BE
IDXR = EP // BE + HNB
NA = 10112
WB = NA // NS
NAC = 10240
NAR = NAC // 128
XT = 10
XN = NAC // XT

_mesh = plsc.VectorSubcoreMesh(core_axis_name="c", subcore_axis_name="s")

_cp = pltpu.CompilerParams()
if "needs_layout_passes" in pltpu.CompilerParams.__dataclass_fields__:
    _cp = dataclasses.replace(_cp, needs_layout_passes=False)


def _fill(buf, nrows, value):
    ncols = buf.shape[1]

    @pl.loop(0, nrows)
    def _(i):
        @pl.loop(0, ncols, step=L)
        def _(j):
            buf.at[pl.ds(i, 1), pl.ds(j, L)][...] = jnp.full((1, L), value,
                                                             jnp.float32)


def _zero_acc_slice(buf, acc, sid):
    nfull = WB // BE
    rem = WB - nfull * BE
    _fill(buf, BE, 0.0)

    @pl.loop(0, nfull)
    def _(i):
        pltpu.sync_copy(buf, acc.at[pl.ds(sid * WB + i * BE, BE)])

    if rem:
        pltpu.sync_copy(buf.at[pl.ds(0, rem)],
                        acc.at[pl.ds(sid * WB + nfull * BE, rem)])


@functools.partial(
    pl.kernel,
    out_type=jax.ShapeDtypeStruct((NC * NAC * L,), jnp.float32),
    mesh=_mesh,
    compiler_params=_cp,
    scratch_types=[
        pltpu.VMEM((EP // NW,), jnp.int32),
        pltpu.VMEM((NAR // 8, 8, 128), jnp.float32),
        pltpu.VMEM((NS, 8, 128), jnp.float32),
        pltpu.VMEM((8, 128), jnp.float32),
        pltpu.VMEM((XN * L,), jnp.float32),
        pltpu.VMEM_SHARED((NS * (NAR // 8), 8, 128), jnp.float32),
        pltpu.SemaphoreType.DMA,
    ],
)
def _sc_counts(dst_hbm, out_hbm, dst_v, hist_v, red_v, mrg_v, exp_v, sh, sem):
    cid = lax.axis_index("c")
    sid = lax.axis_index("s")
    wid = cid * NS + sid
    ept = EP // NW

    @pl.loop(0, NAR // 8)
    def _(i):
        @pl.loop(0, 8)
        def _(r):
            @pl.loop(0, 128, step=L)
            def _(j):
                hist_v.at[i, r, pl.ds(j, L)][...] = jnp.zeros((L,), jnp.float32)

    pltpu.sync_copy(dst_hbm.at[pl.ds(wid * ept, ept)], dst_v)
    ones = jnp.ones((L,), jnp.float32)

    @pl.loop(0, ept, step=L)
    def _(k):
        idx = dst_v.at[pl.ds(k, L)][...]
        plsc.addupdate_scatter(
            hist_v,
            [lax.shift_right_logical(idx, 10),
             lax.bitwise_and(lax.shift_right_logical(idx, 7), 7),
             lax.bitwise_and(idx, 127)],
            ones)

    pltpu.sync_copy(hist_v, sh.at[pl.ds(sid * (NAR // 8), NAR // 8)])
    plsc.subcore_barrier()

    @pl.when(sid < XT)
    def _():
        for t in range(NS):
            pltpu.sync_copy(sh.at[pl.ds(t * (NAR // 8) + sid, 1)],
                            red_v.at[pl.ds(t, 1)])

        @pl.loop(0, 8)
        def _(r):
            @pl.loop(0, 128, step=L)
            def _(j):
                def body(t, s):
                    return s + red_v.at[t, r, pl.ds(j, L)][...]
                mrg_v.at[r, pl.ds(j, L)][...] = lax.fori_loop(
                    0, NS, body, jnp.zeros((L,), jnp.float32))

        @pl.loop(0, XN, step=L)
        def _(n0):
            c16 = mrg_v.at[lax.shift_right_logical(n0, 7),
                           pl.ds(lax.bitwise_and(n0, 127), L)][...]
            for i in range(L):
                exp_v.at[pl.ds((n0 + i) * L, L)][...] = jnp.broadcast_to(
                    c16[i], (L,))

        pltpu.sync_copy(
            exp_v, out_hbm.at[pl.ds((cid * NAC + sid * XN) * L, XN * L)])


@functools.partial(
    pl.kernel,
    out_type=jax.ShapeDtypeStruct((NC * NA, D), jnp.float32),
    mesh=_mesh,
    scratch_types=[
        pltpu.VMEM((HNB, BE), jnp.int32),
        pltpu.VMEM((HNB, BE), jnp.int32),
        pltpu.VMEM((BE, D), jnp.float32),
        pltpu.VMEM((BE, D), jnp.float32),
        pltpu.VMEM_SHARED((NA, D), jnp.float32),
        pltpu.SemaphoreType.DMA,
        pltpu.SemaphoreType.DMA,
        pltpu.SemaphoreType.DMA,
        pltpu.SemaphoreType.DMA,
    ],
)
def _sc_segsum(y_hbm, src_hbm, dst_hbm, out_hbm, src_v, dst_v, rows_a, rows_b,
               acc_sh, sga, sgb, ssa, ssb):
    cid = lax.axis_index("c")
    sid = lax.axis_index("s")
    nb = jnp.where(cid == 0, NB0, NB1)
    base = pl.multiple_of(
        jnp.where(cid == 0, sid * NB0, NS * NB0 + sid * NB1), 8)
    _zero_acc_slice(rows_a, acc_sh, sid)
    pltpu.sync_copy(src_hbm.at[pl.ds(base, HNB)], src_v)
    pltpu.sync_copy(dst_hbm.at[pl.ds(base, HNB)], dst_v)
    plsc.subcore_barrier()

    pltpu.async_copy(y_hbm.at[src_v.at[0]], rows_a, sga)
    pltpu.async_copy(y_hbm.at[src_v.at[1]], rows_b, sgb)

    @pl.loop(0, nb, step=2)
    def _(j):
        rj = lax.rem(j, HNB)
        pltpu.make_async_copy(y_hbm.at[src_v.at[0]], rows_a, sga).wait()
        pltpu.async_copy(rows_a, acc_sh.at[dst_v.at[rj]], ssa, add=True)
        pltpu.make_async_copy(y_hbm.at[src_v.at[0]], rows_b, sgb).wait()
        pltpu.async_copy(rows_b, acc_sh.at[dst_v.at[rj + 1]], ssb, add=True)

        @pl.when(j + 2 < nb)
        def _():
            r = lax.rem(j + 2, HNB)
            pltpu.make_async_copy(rows_a, acc_sh.at[dst_v.at[rj]], ssa).wait()
            pltpu.make_async_copy(rows_b, acc_sh.at[dst_v.at[rj + 1]],
                                  ssb).wait()

            @pl.when(r == 0)
            def _():
                off = pl.multiple_of(base + j + 2, 8)
                pltpu.sync_copy(src_hbm.at[pl.ds(off, HNB)], src_v)
                pltpu.sync_copy(dst_hbm.at[pl.ds(off, HNB)], dst_v)

            pltpu.async_copy(y_hbm.at[src_v.at[r]], rows_a, sga)
            pltpu.async_copy(y_hbm.at[src_v.at[r + 1]], rows_b, sgb)

    rl = lax.rem(nb - 2, HNB)
    pltpu.make_async_copy(rows_a, acc_sh.at[dst_v.at[rl]], ssa).wait()
    pltpu.make_async_copy(rows_b, acc_sh.at[dst_v.at[rl + 1]], ssb).wait()
    plsc.subcore_barrier()
    pltpu.sync_copy(acc_sh.at[pl.ds(sid * WB, WB)],
                    out_hbm.at[pl.ds(cid * NA + sid * WB, WB)])


_BN = 1000


def _dot(a, b):
    return lax.dot_general(a, b, (((1,), (0,)), ((), ())),
                           precision=lax.Precision.HIGHEST,
                           preferred_element_type=jnp.float32)


def _tc_first_body(c_ref, x_ref, w_ref, y_ref, dv_ref):
    c = c_ref[0][:, 0:1] + c_ref[1][:, 0:1]
    dinv = lax.rsqrt(1.0 + c)
    y_ref[...] = _dot(x_ref[...] * dinv, w_ref[...])
    dv_ref[...] = jnp.broadcast_to(dinv, (_BN, L))


def _tc_mid_body(s_ref, y_ref, dv_ref, b_ref, w_ref, o_ref):
    dinv = dv_ref[:, 0:1]
    t = (s_ref[0] + s_ref[1] + y_ref[...]) * dinv + b_ref[...]
    t = jnp.maximum(t, 0.0)
    o_ref[...] = _dot(t * dinv, w_ref[...])


def _tc_last_body(s_ref, y_ref, dv_ref, b_ref, ls_ref, h_ref):
    dinv = dv_ref[:, 0:1]
    h = (s_ref[0] + s_ref[1] + y_ref[...]) * dinv + b_ref[...]
    h = jnp.maximum(h, 0.0)
    m = jnp.max(h, axis=1, keepdims=True)
    ls_ref[...] = (h - m) - jnp.log(jnp.sum(jnp.exp(h - m), axis=1,
                                            keepdims=True))
    h_ref[...] = h


def _row_spec(width):
    return pl.BlockSpec((_BN, width), lambda i: (i, 0))


def _pair_spec(width):
    return pl.BlockSpec((2, _BN, width), lambda i: (0, i, 0))


def _full_spec(shape):
    return pl.BlockSpec(shape, lambda i: tuple(0 for _ in shape))


_tc_first = pl.pallas_call(
    _tc_first_body,
    grid=(N // _BN,),
    in_specs=[_pair_spec(L), _row_spec(D), _full_spec((D, D))],
    out_specs=[_row_spec(D), _row_spec(L)],
    out_shape=[
        jax.ShapeDtypeStruct((N, D), jnp.float32),
        jax.ShapeDtypeStruct((N, L), jnp.float32),
    ],
)

_tc_mid = pl.pallas_call(
    _tc_mid_body,
    grid=(N // _BN,),
    in_specs=[_pair_spec(D), _row_spec(D), _row_spec(L), _full_spec((1, D)),
              _full_spec((D, D))],
    out_specs=_row_spec(D),
    out_shape=jax.ShapeDtypeStruct((N, D), jnp.float32),
)

_tc_last = pl.pallas_call(
    _tc_last_body,
    grid=(N // _BN,),
    in_specs=[_pair_spec(D), _row_spec(D), _row_spec(L), _full_spec((1, D))],
    out_specs=[_row_spec(D), _row_spec(D)],
    out_shape=[
        jax.ShapeDtypeStruct((N, D), jnp.float32),
        jax.ShapeDtypeStruct((N, D), jnp.float32),
    ],
)


def kernel(x, edge_index, W1, b1, W2, b2):
    pad = IDXR * BE - E
    src2 = jnp.concatenate(
        [edge_index[0], jnp.zeros((pad,), edge_index.dtype)]).reshape(-1, BE)
    pad_dst = N + jnp.arange(pad, dtype=edge_index.dtype) % (NA - N)
    dst2 = jnp.concatenate([edge_index[1], pad_dst]).reshape(-1, BE)
    counts = _sc_counts(dst2[:EP // BE].reshape(-1)).reshape(2, NAC, L)
    y1, dv = _tc_first(counts, x, W1)
    s1 = _sc_segsum(y1, src2, dst2).reshape(2, NA, D)
    y2 = _tc_mid(s1, y1, dv, b1.reshape(1, D), W2)
    s2 = _sc_segsum(y2, src2, dst2).reshape(2, NA, D)
    ls, h = _tc_last(s2, y2, dv, b2.reshape(1, D))
    return ls, h

# --- scband reference (transcript-rebuilt; emitter-appended) ---
"""Pipeline reference for scband-gnnmodel-21792664060691 (READ-ONLY COPY).

The authoritative reference and input builder live on the scoring server;
editing this copy changes nothing except your own understanding.
"""

import jax, jax.numpy as jnp
import numpy as np

D_FEAT = 128
N_NODES = 10000
N_EDGES = 320000


def gcn_conv(x, edge_index, W, b):
    # GCNConv with added self loops and symmetric normalization (PyG default)
    n = x.shape[0]
    src = edge_index[0]
    dst = edge_index[1]
    loop = jnp.arange(n, dtype=edge_index.dtype)
    src = jnp.concatenate([src, loop])
    dst = jnp.concatenate([dst, loop])
    deg = jnp.zeros((n,), dtype=x.dtype).at[dst].add(1.0)
    dinv = jnp.where(deg > 0, jax.lax.rsqrt(deg), 0.0)
    norm = dinv[src] * dinv[dst]
    xw = x @ W
    msg = xw[src] * norm[:, None]
    out = jnp.zeros_like(xw).at[dst].add(msg)
    return out + b


def setup_inputs(seed: int = 0) -> dict:
    key = jax.random.key(seed)
    k1, k2, k3, k4, k5, k6 = jax.random.split(key, 6)
    x = jax.random.normal(k1, (N_NODES, D_FEAT), dtype=jnp.float32)
    edge_index = jax.random.randint(k2, (2, N_EDGES), 0, N_NODES, dtype=jnp.int32)
    scale = 1.0 / np.sqrt(D_FEAT)
    W1 = jax.random.normal(k3, (D_FEAT, D_FEAT), dtype=jnp.float32) * scale
    b1 = jnp.zeros((D_FEAT,), dtype=jnp.float32)
    W2 = jax.random.normal(k4, (D_FEAT, D_FEAT), dtype=jnp.float32) * scale
    b2 = jnp.zeros((D_FEAT,), dtype=jnp.float32)
    return {"x": x, "edge_index": edge_index, "W1": W1, "b1": b1, "W2": W2, "b2": b2}


def reference(x, edge_index, W1, b1, W2, b2):
    # layer 1 + relu
    h = gcn_conv(x, edge_index, W1, b1)
    h = jax.nn.relu(h)
    # layer 2 + relu
    h = gcn_conv(h, edge_index, W2, b2)
    h = jax.nn.relu(h)
    # forward returns (log_softmax(x, dim=1), x)
    return (jax.nn.log_softmax(h, axis=1), h)

if __name__ == "__main__":
    import jax
    _d = setup_inputs()
    print(jax.jit(kernel)(*tuple(_d.values())))

</pallas_src>

<mosaic_0001>
#map = affine_map<(d0, d1) -> (0)>
module attributes {stable_mosaic.version = 14 : i64} {
  func.func @_sc_counts(%arg0: i32, %arg1: i32, %arg2: memref<327680xi32, #tpu.memory_space<hbm>>, %arg3: memref<327680xf32, #tpu.memory_space<hbm>>, %arg4: memref<10240xi32, #tpu.memory_space<vmem>>, %arg5: memref<10x8x128xf32, #tpu.memory_space<vmem>>, %arg6: memref<16x8x128xf32, #tpu.memory_space<vmem>>, %arg7: memref<8x128xf32, #tpu.memory_space<vmem>>, %arg8: memref<16384xf32, #tpu.memory_space<vmem>>, %arg9: memref<160x8x128xf32, #tpu.memory_space<vmem_shared>>, %arg10: memref<!tpu.dma_semaphore, #tpu.memory_space<semaphore_mem>>) attributes {dimension_semantics = [#tpu.dimension_semantics<core_parallel>, #tpu.dimension_semantics<subcore_parallel>], iteration_bounds = array<i64: 2, 16>, scalar_prefetch = 0 : i64, scratch_operands = 7 : i64, tpu.core_type = #tpu.core_type<sc_vector_subcore>, window_params = [{transform_indices = #map}, {transform_indices = #map}]} {
    %mul3A = arith.constant 16 : i32
    %mul3A_0 = arith.muli %arg0, %mul3A : i32
    %add3A = arith.addi %mul3A_0, %arg1 : i32
    %scan3A = arith.constant 0 : i32
    %scan3A_1 = arith.constant 10 : i32
    %scan3A_2 = arith.addi %scan3A, %scan3A_1 : i32
    %scan3A_3 = arith.constant 1 : i32
    scf.for %scan3A_17 = %scan3A to %scan3A_2 step %scan3A_3  : i32 {
      %mul3A_18 = arith.constant 1 : i32
      %mul3A_19 = arith.muli %scan3A_17, %mul3A_18 : i32
      %add3A_20 = arith.constant 0 : i32
      %add3A_21 = arith.addi %add3A_20, %mul3A_19 : i32
      %scan3A_22 = arith.constant 0 : i32
      %scan3A_23 = arith.constant 8 : i32
      %scan3A_24 = arith.addi %scan3A_22, %scan3A_23 : i32
      %scan3A_25 = arith.constant 1 : i32
      scf.for %scan3A_27 = %scan3A_22 to %scan3A_24 step %scan3A_25  : i32 {
        %mul3A_28 = arith.constant 1 : i32
        %mul3A_29 = arith.muli %scan3A_27, %mul3A_28 : i32
        %add3A_30 = arith.constant 0 : i32
        %add3A_31 = arith.addi %add3A_30, %mul3A_29 : i32
        %scan3A_32 = arith.constant 0 : i32
        %scan3A_33 = arith.constant 8 : i32
        %scan3A_34 = arith.addi %scan3A_32, %scan3A_33 : i32
        %scan3A_35 = arith.constant 1 : i32
        scf.for %scan3A_37 = %scan3A_32 to %scan3A_34 step %scan3A_35  : i32 {
          %mul3A_38 = arith.constant 16 : i32
          %mul3A_39 = arith.muli %scan3A_37, %mul3A_38 : i32
          %add3A_40 = arith.constant 0 : i32
          %add3A_41 = arith.addi %add3A_40, %mul3A_39 : i32
          %broadcast_in_dim3A_42 = arith.constant 0.000000e+00 : f32
          %broadcast_in_dim3A_43 = vector.broadcast %broadcast_in_dim3A_42 : f32 to vector<16xf32>
          %swap3A = arith.index_cast %add3A_21 : i32 to index
          %swap3A_44 = arith.index_cast %add3A_31 : i32 to index
          %swap3A_45 = arith.index_cast %add3A_41 : i32 to index
          %swap3A_46 = tpu.vector_load %arg5[%swap3A, %swap3A_44, %swap3A_45] {strides = array<i32>} : memref<10x8x128xf32, #tpu.memory_space<vmem>>, vector<16xf32>,
          tpu.vector_store %arg5[%swap3A, %swap3A_44, %swap3A_45], %broadcast_in_dim3A_43 {strides = array<i32>} : memref<10x8x128xf32, #tpu.memory_space<vmem>>, vector<16xf32>,
        }
        %scan3A_36 = arith.constant 8 : i32
      }
      %scan3A_26 = arith.constant 8 : i32
    }
    %scan3A_4 = arith.constant 10 : i32
    %mul3A_5 = arith.constant 10240 : i32
    %mul3A_6 = arith.muli %add3A, %mul3A_5 : i32
    "tpu.region"() ({
      %run_scoped3A = tpu.sem_alloc : memref<!tpu.dma_semaphore, #tpu.memory_space<semaphore_mem>>
      %dma_start3A = tpu.memref_slice %arg2[%mul3A_6] : memref<327680xi32, #tpu.memory_space<hbm>> -> memref<10240xi32, #tpu.memory_space<hbm>>
      %dma_start3A_17 = tpu.memref_slice %arg2[%mul3A_6] : memref<327680xi32, #tpu.memory_space<hbm>> -> memref<10240xi32, #tpu.memory_space<hbm>>
      tpu.enqueue_dma source(%dma_start3A_17 : memref<10240xi32, #tpu.memory_space<hbm>>) target(%arg4 : memref<10240xi32, #tpu.memory_space<vmem>>) target_semaphore(%run_scoped3A : memref<!tpu.dma_semaphore, #tpu.memory_space<semaphore_mem>>)
      %dma_wait3A = tpu.memref_slice %arg2[%mul3A_6] : memref<327680xi32, #tpu.memory_space<hbm>> -> memref<10240xi32, #tpu.memory_space<hbm>>
      %dma_wait3A_18 = tpu.memref_slice %arg2[%mul3A_6] : memref<327680xi32, #tpu.memory_space<hbm>> -> memref<10240xi32, #tpu.memory_space<hbm>>
      tpu.wait_dma2 semaphore(%run_scoped3A : memref<!tpu.dma_semaphore, #tpu.memory_space<semaphore_mem>>) src(%dma_wait3A_18 : memref<10240xi32, #tpu.memory_space<hbm>>) dst(%arg4 : memref<10240xi32, #tpu.memory_space<vmem>>)
      tpu.yield
    }) : () -> ()
    %broadcast_in_dim3A = arith.constant 1.000000e+00 : f32
    %broadcast_in_dim3A_7 = vector.broadcast %broadcast_in_dim3A : f32 to vector<16xf32>
    %scan3A_8 = arith.constant 0 : i32
    %scan3A_9 = arith.constant 640 : i32
    %scan3A_10 = arith.addi %scan3A_8, %scan3A_9 : i32
    %scan3A_11 = arith.constant 1 : i32
    scf.for %scan3A_17 = %scan3A_8 to %scan3A_10 step %scan3A_11  : i32 {
      %mul3A_18 = arith.constant 16 : i32
      %mul3A_19 = arith.muli %scan3A_17, %mul3A_18 : i32
      %add3A_20 = arith.constant 0 : i32
      %add3A_21 = arith.addi %add3A_20, %mul3A_19 : i32
      %get3A = arith.index_cast %add3A_21 : i32 to index
      %get3A_22 = tpu.vector_load %arg4[%get3A] {strides = array<i32>} : memref<10240xi32, #tpu.memory_space<vmem>>, vector<16xi32>,
      %shift_right_logical3A = arith.constant 10 : i32
      %shift_right_logical3A_23 = vector.broadcast %shift_right_logical3A : i32 to vector<16xi32>
      %shift_right_logical3A_24 = arith.shrui %get3A_22, %shift_right_logical3A_23 : vector<16xi32>
      %shift_right_logical3A_25 = arith.constant 7 : i32
      %shift_right_logical3A_26 = vector.broadcast %shift_right_logical3A_25 : i32 to vector<16xi32>
      %shift_right_logical3A_27 = arith.shrui %get3A_22, %shift_right_logical3A_26 : vector<16xi32>
      %and3A = arith.constant 7 : i32
      %and3A_28 = vector.broadcast %and3A : i32 to vector<16xi32>
      %and3A_29 = arith.andi %shift_right_logical3A_27, %and3A_28 : vector<16xi32>
      %and3A_30 = arith.constant 127 : i32
      %and3A_31 = vector.broadcast %and3A_30 : i32 to vector<16xi32>
      %and3A_32 = arith.andi %get3A_22, %and3A_31 : vector<16xi32>
      tpu.vector_store_idx %arg5[%shift_right_logical3A_24, %and3A_29, %and3A_32], %broadcast_in_dim3A_7 {add = true} : memref<10x8x128xf32, #tpu.memory_space<vmem>>[vector<16xi32>, vector<16xi32>, vector<16xi32>], vector<16xf32>,
    }
    %scan3A_12 = arith.constant 640 : i32
    %mul3A_13 = arith.constant 10 : i32
    %mul3A_14 = arith.muli %arg1, %mul3A_13 : i32
    "tpu.region"() ({
      %run_scoped3A = tpu.sem_alloc : memref<!tpu.dma_semaphore, #tpu.memory_space<semaphore_mem>>
      %dma_start3A = arith.constant 0 : i32
      %dma_start3A_17 = arith.constant 0 : i32
      %dma_start3A_18 = tpu.memref_slice %arg9[%mul3A_14, %dma_start3A, %dma_start3A_17] : memref<160x8x128xf32, #tpu.memory_space<vmem_shared>> -> memref<10x8x128xf32, #tpu.memory_space<vmem_shared>>
      %dma_start3A_19 = arith.constant 0 : i32
      %dma_start3A_20 = arith.constant 0 : i32
      %dma_start3A_21 = tpu.memref_slice %arg9[%mul3A_14, %dma_start3A_19, %dma_start3A_20] : memref<160x8x128xf32, #tpu.memory_space<vmem_shared>> -> memref<10x8x128xf32, #tpu.memory_space<vmem_shared>>
      tpu.enqueue_dma source(%arg5 : memref<10x8x128xf32, #tpu.memory_space<vmem>>) target(%dma_start3A_21 : memref<10x8x128xf32, #tpu.memory_space<vmem_shared>>) target_semaphore(%run_scoped3A : memref<!tpu.dma_semaphore, #tpu.memory_space<semaphore_mem>>)
      %dma_wait3A = arith.constant 0 : i32
      %dma_wait3A_22 = arith.constant 0 : i32
      %dma_wait3A_23 = tpu.memref_slice %arg9[%mul3A_14, %dma_wait3A, %dma_wait3A_22] : memref<160x8x128xf32, #tpu.memory_space<vmem_shared>> -> memref<10x8x128xf32, #tpu.memory_space<vmem_shared>>
      %dma_wait3A_24 = arith.constant 0 : i32
      %dma_wait3A_25 = arith.constant 0 : i32
      %dma_wait3A_26 = tpu.memref_slice %arg9[%mul3A_14, %dma_wait3A_24, %dma_wait3A_25] : memref<160x8x128xf32, #tpu.memory_space<vmem_shared>> -> memref<10x8x128xf32, #tpu.memory_space<vmem_shared>>
      tpu.wait_dma2 semaphore(%run_scoped3A : memref<!tpu.dma_semaphore, #tpu.memory_space<semaphore_mem>>) src(%arg5 : memref<10x8x128xf32, #tpu.memory_space<vmem>>) dst(%dma_wait3A_26 : memref<10x8x128xf32, #tpu.memory_space<vmem_shared>>)
      tpu.yield
    }) : () -> ()
    %barrier3A = arith.constant 0 : index
    tpu.barrier barrier_id(%barrier3A)
    %lt3A = arith.constant 10 : i32
    %lt3A_15 = arith.cmpi slt, %arg1, %lt3A : i32
    %convert_element_type3A = arith.extui %lt3A_15 : i1 to i32
    %cond3A = arith.constant 0 : i32
    %cond3A_16 = arith.cmpi ne, %convert_element_type3A, %cond3A : i32
    scf.if %cond3A_16 {
      %add3A_17 = arith.constant 0 : i32
      %add3A_18 = arith.addi %add3A_17, %arg1 : i32
      "tpu.region"() ({
        %run_scoped3A = tpu.sem_alloc : memref<!tpu.dma_semaphore, #tpu.memory_space<semaphore_mem>>
        %dma_start3A = arith.constant 0 : i32
        %dma_start3A_66 = arith.constant 0 : i32
        %dma_start3A_67 = arith.constant 0 : i32
        %dma_start3A_68 = tpu.memref_slice %arg6[%dma_start3A, %dma_start3A_66, %dma_start3A_67] : memref<16x8x128xf32, #tpu.memory_space<vmem>> -> memref<1x8x128xf32, #tpu.memory_space<vmem>>
        %dma_start3A_69 = arith.constant 0 : i32
        %dma_start3A_70 = arith.constant 0 : i32
        %dma_start3A_71 = tpu.memref_slice %arg9[%add3A_18, %dma_start3A_69, %dma_start3A_70] : memref<160x8x128xf32, #tpu.memory_space<vmem_shared>> -> memref<1x8x128xf32, #tpu.memory_space<vmem_shared>>
        %dma_start3A_72 = arith.constant 0 : i32
        %dma_start3A_73 = arith.constant 0 : i32
        %dma_start3A_74 = arith.constant 0 : i32
        %dma_start3A_75 = tpu.memref_slice %arg6[%dma_start3A_72, %dma_start3A_73, %dma_start3A_74] : memref<16x8x128xf32, #tpu.memory_space<vmem>> -> memref<1x8x128xf32, #tpu.memory_space<vmem>>
        %dma_start3A_76 = arith.constant 0 : i32
        %dma_start3A_77 = arith.constant 0 : i32
        %dma_start3A_78 = tpu.memref_slice %arg9[%add3A_18, %dma_start3A_76, %dma_start3A_77] : memref<160x8x128xf32, #tpu.memory_space<vmem_shared>> -> memref<1x8x128xf32, #tpu.memory_space<vmem_shared>>
        tpu.enqueue_dma source(%dma_start3A_78 : memref<1x8x128xf32, #tpu.memory_space<vmem_shared>>) target(%dma_start3A_75 : memref<1x8x128xf32, #tpu.memory_space<vmem>>) target_semaphore(%run_scoped3A : memref<!tpu.dma_semaphore, #tpu.memory_space<semaphore_mem>>)
        %dma_wait3A = arith.constant 0 : i32
        %dma_wait3A_79 = arith.constant 0 : i32
        %dma_wait3A_80 = arith.constant 0 : i32
        %dma_wait3A_81 = tpu.memref_slice %arg6[%dma_wait3A, %dma_wait3A_79, %dma_wait3A_80] : memref<16x8x128xf32, #tpu.memory_space<vmem>> -> memref<1x8x128xf32, #tpu.memory_space<vmem>>
        %dma_wait3A_82 = arith.constant 0 : i32
        %dma_wait3A_83 = arith.constant 0 : i32
        %dma_wait3A_84 = tpu.memref_slice %arg9[%add3A_18, %dma_wait3A_82, %dma_wait3A_83] : memref<160x8x128xf32, #tpu.memory_space<vmem_shared>> -> memref<1x8x128xf32, #tpu.memory_space<vmem_shared>>
        %dma_wait3A_85 = arith.constant 0 : i32
        %dma_wait3A_86 = arith.constant 0 : i32
        %dma_wait3A_87 = arith.constant 0 : i32
        %dma_wait3A_88 = tpu.memref_slice %arg6[%dma_wait3A_85, %dma_wait3A_86, %dma_wait3A_87] : memref<16x8x128xf32, #tpu.memory_space<vmem>> -> memref<1x8x128xf32, #tpu.memory_space<vmem>>
        %dma_wait3A_89 = arith.constant 0 : i32
        %dma_wait3A_90 = arith.constant 0 : i32
        %dma_wait3A_91 = tpu.memref_slice %arg9[%add3A_18, %dma_wait3A_89, %dma_wait3A_90] : memref<160x8x128xf32, #tpu.memory_space<vmem_shared>> -> memref<1x8x128xf32, #tpu.memory_space<vmem_shared>>
        tpu.wait_dma2 semaphore(%run_scoped3A : memref<!tpu.dma_semaphore, #tpu.memory_space<semaphore_mem>>) src(%dma_wait3A_91 : memref<1x8x128xf32, #tpu.memory_space<vmem_shared>>) dst(%dma_wait3A_88 : memref<1x8x128xf32, #tpu.memory_space<vmem>>)
        tpu.yield
      }) : () -> ()
      %add3A_19 = arith.constant 10 : i32
      %add3A_20 = arith.addi %add3A_19, %arg1 : i32
      "tpu.region"() ({
        %run_scoped3A = tpu.sem_alloc : memref<!tpu.dma_semaphore, #tpu.memory_space<semaphore_mem>>
        %dma_start3A = arith.constant 1 : i32
        %dma_start3A_66 = arith.constant 0 : i32
        %dma_start3A_67 = arith.constant 0 : i32
        %dma_start3A_68 = tpu.memref_slice %arg6[%dma_start3A, %dma_start3A_66, %dma_start3A_67] : memref<16x8x128xf32, #tpu.memory_space<vmem>> -> memref<1x8x128xf32, #tpu.memory_space<vmem>>
        %dma_start3A_69 = arith.constant 0 : i32
        %dma_start3A_70 = arith.constant 0 : i32
        %dma_start3A_71 = tpu.memref_slice %arg9[%add3A_20, %dma_start3A_69, %dma_start3A_70] : memref<160x8x128xf32, #tpu.memory_space<vmem_shared>> -> memref<1x8x128xf32, #tpu.memory_space<vmem_shared>>
        %dma_start3A_72 = arith.constant 1 : i32
        %dma_start3A_73 = arith.constant 0 : i32
        %dma_start3A_74 = arith.constant 0 : i32
        %dma_start3A_75 = tpu.memref_slice %arg6[%dma_start3A_72, %dma_start3A_73, %dma_start3A_74] : memref<16x8x128xf32, #tpu.memory_space<vmem>> -> memref<1x8x128xf32, #tpu.memory_space<vmem>>
        %dma_start3A_76 = arith.constant 0 : i32
        %dma_start3A_77 = arith.constant 0 : i32
        %dma_start3A_78 = tpu.memref_slice %arg9[%add3A_20, %dma_start3A_76, %dma_start3A_77] : memref<160x8x128xf32, #tpu.memory_space<vmem_shared>> -> memref<1x8x128xf32, #tpu.memory_space<vmem_shared>>
        tpu.enqueue_dma source(%dma_start3A_78 : memref<1x8x128xf32, #tpu.memory_space<vmem_shared>>) target(%dma_start3A_75 : memref<1x8x128xf32, #tpu.memory_space<vmem>>) target_semaphore(%run_scoped3A : memref<!tpu.dma_semaphore, #tpu.memory_space<semaphore_mem>>)
        %dma_wait3A = arith.constant 1 : i32
        %dma_wait3A_79 = arith.constant 0 : i32
        %dma_wait3A_80 = arith.constant 0 : i32
        %dma_wait3A_81 = tpu.memref_slice %arg6[%dma_wait3A, %dma_wait3A_79, %dma_wait3A_80] : memref<16x8x128xf32, #tpu.memory_space<vmem>> -> memref<1x8x128xf32, #tpu.memory_space<vmem>>
        %dma_wait3A_82 = arith.constant 0 : i32
        %dma_wait3A_83 = arith.constant 0 : i32
        %dma_wait3A_84 = tpu.memref_slice %arg9[%add3A_20, %dma_wait3A_82, %dma_wait3A_83] : memref<160x8x128xf32, #tpu.memory_space<vmem_shared>> -> memref<1x8x128xf32, #tpu.memory_space<vmem_shared>>
        %dma_wait3A_85 = arith.constant 1 : i32
        %dma_wait3A_86 = arith.constant 0 : i32
        %dma_wait3A_87 = arith.constant 0 : i32
        %dma_wait3A_88 = tpu.memref_slice %arg6[%dma_wait3A_85, %dma_wait3A_86, %dma_wait3A_87] : memref<16x8x128xf32, #tpu.memory_space<vmem>> -> memref<1x8x128xf32, #tpu.memory_space<vmem>>
        %dma_wait3A_89 = arith.constant 0 : i32
        %dma_wait3A_90 = arith.constant 0 : i32
        %dma_wait3A_91 = tpu.memref_slice %arg9[%add3A_20, %dma_wait3A_89, %dma_wait3A_90] : memref<160x8x128xf32, #tpu.memory_space<vmem_shared>> -> memref<1x8x128xf32, #tpu.memory_space<vmem_shared>>
        tpu.wait_dma2 semaphore(%run_scoped3A : memref<!tpu.dma_semaphore, #tpu.memory_space<semaphore_mem>>) src(%dma_wait3A_91 : memref<1x8x128xf32, #tpu.memory_space<vmem_shared>>) dst(%dma_wait3A_88 : memref<1x8x128xf32, #tpu.memory_space<vmem>>)
        tpu.yield
      }) : () -> ()
      %add3A_21 = arith.constant 20 : i32
      %add3A_22 = arith.addi %add3A_21, %arg1 : i32
      "tpu.region"() ({
        %run_scoped3A = tpu.sem_alloc : memref<!tpu.dma_semaphore, #tpu.memory_space<semaphore_mem>>
        %dma_start3A = arith.constant 2 : i32
        %dma_start3A_66 = arith.constant 0 : i32
        %dma_start3A_67 = arith.constant 0 : i32
        %dma_start3A_68 = tpu.memref_slice %arg6[%dma_start3A, %dma_start3A_66, %dma_start3A_67] : memref<16x8x128xf32, #tpu.memory_space<vmem>> -> memref<1x8x128xf32, #tpu.memory_space<vmem>>
        %dma_start3A_69 = arith.constant 0 : i32
        %dma_start3A_70 = arith.constant 0 : i32
        %dma_start3A_71 = tpu.memref_slice %arg9[%add3A_22, %dma_start3A_69, %dma_start3A_70] : memref<160x8x128xf32, #tpu.memory_space<vmem_shared>> -> memref<1x8x128xf32, #tpu.memory_space<vmem_shared>>
        %dma_start3A_72 = arith.constant 2 : i32
        %dma_start3A_73 = arith.constant 0 : i32
        %dma_start3A_74 = arith.constant 0 : i32
        %dma_start3A_75 = tpu.memref_slice %arg6[%dma_start3A_72, %dma_start3A_73, %dma_start3A_74] : memref<16x8x128xf32, #tpu.memory_space<vmem>> -> memref<1x8x128xf32, #tpu.memory_space<vmem>>
        %dma_start3A_76 = arith.constant 0 : i32
        %dma_start3A_77 = arith.constant 0 : i32
        %dma_start3A_78 = tpu.memref_slice %arg9[%add3A_22, %dma_start3A_76, %dma_start3A_77] : memref<160x8x128xf32, #tpu.memory_space<vmem_shared>> -> memref<1x8x128xf32, #tpu.memory_space<vmem_shared>>
        tpu.enqueue_dma source(%dma_start3A_78 : memref<1x8x128xf32, #tpu.memory_space<vmem_shared>>) target(%dma_start3A_75 : memref<1x8x128xf32, #tpu.memory_space<vmem>>) target_semaphore(%run_scoped3A : memref<!tpu.dma_semaphore, #tpu.memory_space<semaphore_mem>>)
        %dma_wait3A = arith.constant 2 : i32
        %dma_wait3A_79 = arith.constant 0 : i32
        %dma_wait3A_80 = arith.constant 0 : i32
        %dma_wait3A_81 = tpu.memref_slice %arg6[%dma_wait3A, %dma_wait3A_79, %dma_wait3A_80] : memref<16x8x128xf32, #tpu.memory_space<vmem>> -> memref<1x8x128xf32, #tpu.memory_space<vmem>>
        %dma_wait3A_82 = arith.constant 0 : i32
        %dma_wait3A_83 = arith.constant 0 : i32
        %dma_wait3A_84 = tpu.memref_slice %arg9[%add3A_22, %dma_wait3A_82, %dma_wait3A_83] : memref<160x8x128xf32, #tpu.memory_space<vmem_shared>> -> memref<1x8x128xf32, #tpu.memory_space<vmem_shared>>
        %dma_wait3A_85 = arith.constant 2 : i32
        %dma_wait3A_86 = arith.constant 0 : i32
        %dma_wait3A_87 = arith.constant 0 : i32
        %dma_wait3A_88 = tpu.memref_slice %arg6[%dma_wait3A_85, %dma_wait3A_86, %dma_wait3A_87] : memref<16x8x128xf32, #tpu.memory_space<vmem>> -> memref<1x8x128xf32, #tpu.memory_space<vmem>>
        %dma_wait3A_89 = arith.constant 0 : i32
        %dma_wait3A_90 = arith.constant 0 : i32
        %dma_wait3A_91 = tpu.memref_slice %arg9[%add3A_22, %dma_wait3A_89, %dma_wait3A_90] : memref<160x8x128xf32, #tpu.memory_space<vmem_shared>> -> memref<1x8x128xf32, #tpu.memory_space<vmem_shared>>
        tpu.wait_dma2 semaphore(%run_scoped3A : memref<!tpu.dma_semaphore, #tpu.memory_space<semaphore_mem>>) src(%dma_wait3A_91 : memref<1x8x128xf32, #tpu.memory_space<vmem_shared>>) dst(%dma_wait3A_88 : memref<1x8x128xf32, #tpu.memory_space<vmem>>)
        tpu.yield
      }) : () -> ()
      %add3A_23 = arith.constant 30 : i32
      %add3A_24 = arith.addi %add3A_23, %arg1 : i32
      "tpu.region"() ({
        %run_scoped3A = tpu.sem_alloc : memref<!tpu.dma_semaphore, #tpu.memory_space<semaphore_mem>>
        %dma_start3A = arith.constant 3 : i32
        %dma_start3A_66 = arith.constant 0 : i32
        %dma_start3A_67 = arith.constant 0 : i32
        %dma_start3A_68 = tpu.memref_slice %arg6[%dma_start3A, %dma_start3A_66, %dma_start3A_67] : memref<16x8x128xf32, #tpu.memory_space<vmem>> -> memref<1x8x128xf32, #tpu.memory_space<vmem>>
        %dma_start3A_69 = arith.constant 0 : i32
        %dma_start3A_70 = arith.constant 0 : i32
        %dma_start3A_71 = tpu.memref_slice %arg9[%add3A_24, %dma_start3A_69, %dma_start3A_70] : memref<160x8x128xf32, #tpu.memory_space<vmem_shared>> -> memref<1x8x128xf32, #tpu.memory_space<vmem_shared>>
        %dma_start3A_72 = arith.constant 3 : i32
        %dma_start3A_73 = arith.constant 0 : i32
        %dma_start3A_74 = arith.constant 0 : i32
        %dma_start3A_75 = tpu.memref_slice %arg6[%dma_start3A_72, %dma_start3A_73, %dma_start3A_74] : memref<16x8x128xf32, #tpu.memory_space<vmem>> -> memref<1x8x128xf32, #tpu.memory_space<vmem>>
        %dma_start3A_76 = arith.constant 0 : i32
        %dma_start3A_77 = arith.constant 0 : i32
        %dma_start3A_78 = tpu.memref_slice %arg9[%add3A_24, %dma_start3A_76, %dma_start3A_77] : memref<160x8x128xf32, #tpu.memory_space<vmem_shared>> -> memref<1x8x128xf32, #tpu.memory_space<vmem_shared>>
        tpu.enqueue_dma source(%dma_start3A_78 : memref<1x8x128xf32, #tpu.memory_space<vmem_shared>>) target(%dma_start3A_75 : memref<1x8x128xf32, #tpu.memory_space<vmem>>) target_semaphore(%run_scoped3A : memref<!tpu.dma_semaphore, #tpu.memory_space<semaphore_mem>>)
        %dma_wait3A = arith.constant 3 : i32
        %dma_wait3A_79 = arith.constant 0 : i32
        %dma_wait3A_80 = arith.constant 0 : i32
        %dma_wait3A_81 = tpu.memref_slice %arg6[%dma_wait3A, %dma_wait3A_79, %dma_wait3A_80] : memref<16x8x128xf32, #tpu.memory_space<vmem>> -> memref<1x8x128xf32, #tpu.memory_space<vmem>>
        %dma_wait3A_82 = arith.constant 0 : i32
        %dma_wait3A_83 = arith.constant 0 : i32
        %dma_wait3A_84 = tpu.memref_slice %arg9[%add3A_24, %dma_wait3A_82, %dma_wait3A_83] : memref<160x8x128xf32, #tpu.memory_space<vmem_shared>> -> memref<1x8x128xf32, #tpu.memory_space<vmem_shared>>
        %dma_wait3A_85 = arith.constant 3 : i32
        %dma_wait3A_86 = arith.constant 0 : i32
        %dma_wait3A_87 = arith.constant 0 : i32
        %dma_wait3A_88 = tpu.memref_slice %arg6[%dma_wait3A_85, %dma_wait3A_86, %dma_wait3A_87] : memref<16x8x128xf32, #tpu.memory_space<vmem>> -> memref<1x8x128xf32, #tpu.memory_space<vmem>>
        %dma_wait3A_89 = arith.constant 0 : i32
        %dma_wait3A_90 = arith.constant 0 : i32
        %dma_wait3A_91 = tpu.memref_slice %arg9[%add3A_24, %dma_wait3A_89, %dma_wait3A_90] : memref<160x8x128xf32, #tpu.memory_space<vmem_shared>> -> memref<1x8x128xf32, #tpu.memory_space<vmem_shared>>
        tpu.wait_dma2 semaphore(%run_scoped3A : memref<!tpu.dma_semaphore, #tpu.memory_space<semaphore_mem>>) src(%dma_wait3A_91 : memref<1x8x128xf32, #tpu.memory_space<vmem_shared>>) dst(%dma_wait3A_88 : memref<1x8x128xf32, #tpu.memory_space<vmem>>)
        tpu.yield
      }) : () -> ()
      %add3A_25 = arith.constant 40 : i32
      %add3A_26 = arith.addi %add3A_25, %arg1 : i32
      "tpu.region"() ({
        %run_scoped3A = tpu.sem_alloc : memref<!tpu.dma_semaphore, #tpu.memory_space<semaphore_mem>>
        %dma_start3A = arith.constant 4 : i32
        %dma_start3A_66 = arith.constant 0 : i32
        %dma_start3A_67 = arith.constant 0 : i32
        %dma_start3A_68 = tpu.memref_slice %arg6[%dma_start3A, %dma_start3A_66, %dma_start3A_67] : memref<16x8x128xf32, #tpu.memory_space<vmem>> -> memref<1x8x128xf32, #tpu.memory_space<vmem>>
        %dma_start3A_69 = arith.constant 0 : i32
        %dma_start3A_70 = arith.constant 0 : i32
        %dma_start3A_71 = tpu.memref_slice %arg9[%add3A_26, %dma_start3A_69, %dma_start3A_70] : memref<160x8x128xf32, #tpu.memory_space<vmem_shared>> -> memref<1x8x128xf32, #tpu.memory_space<vmem_shared>>
        %dma_start3A_72 = arith.constant 4 : i32
        %dma_start3A_73 = arith.constant 0 : i32
        %dma_start3A_74 = arith.constant 0 : i32
        %dma_start3A_75 = tpu.memref_slice %arg6[%dma_start3A_72, %dma_start3A_73, %dma_start3A_74] : memref<16x8x128xf32, #tpu.memory_space<vmem>> -> memref<1x8x128xf32, #tpu.memory_space<vmem>>
        %dma_start3A_76 = arith.constant 0 : i32
        %dma_start3A_77 = arith.constant 0 : i32
        %dma_start3A_78 = tpu.memref_slice %arg9[%add3A_26, %dma_start3A_76, %dma_start3A_77] : memref<160x8x128xf32, #tpu.memory_space<vmem_shared>> -> memref<1x8x128xf32, #tpu.memory_space<vmem_shared>>
        tpu.enqueue_dma source(%dma_start3A_78 : memref<1x8x128xf32, #tpu.memory_space<vmem_shared>>) target(%dma_start3A_75 : memref<1x8x128xf32, #tpu.memory_space<vmem>>) target_semaphore(%run_scoped3A : memref<!tpu.dma_semaphore, #tpu.memory_space<semaphore_mem>>)
        %dma_wait3A = arith.constant 4 : i32
        %dma_wait3A_79 = arith.constant 0 : i32
        %dma_wait3A_80 = arith.constant 0 : i32
        %dma_wait3A_81 = tpu.memref_slice %arg6[%dma_wait3A, %dma_wait3A_79, %dma_wait3A_80] : memref<16x8x128xf32, #tpu.memory_space<vmem>> -> memref<1x8x128xf32, #tpu.memory_space<vmem>>
        %dma_wait3A_82 = arith.constant 0 : i32
        %dma_wait3A_83 = arith.constant 0 : i32
        %dma_wait3A_84 = tpu.memref_slice %arg9[%add3A_26, %dma_wait3A_82, %dma_wait3A_83] : memref<160x8x128xf32, #tpu.memory_space<vmem_shared>> -> memref<1x8x128xf32, #tpu.memory_space<vmem_shared>>
        %dma_wait3A_85 = arith.constant 4 : i32
        %dma_wait3A_86 = arith.constant 0 : i32
        %dma_wait3A_87 = arith.constant 0 : i32
        %dma_wait3A_88 = tpu.memref_slice %arg6[%dma_wait3A_85, %dma_wait3A_86, %dma_wait3A_87] : memref<16x8x128xf32, #tpu.memory_space<vmem>> -> memref<1x8x128xf32, #tpu.memory_space<vmem>>
        %dma_wait3A_89 = arith.constant 0 : i32
        %dma_wait3A_90 = arith.constant 0 : i32
        %dma_wait3A_91 = tpu.memref_slice %arg9[%add3A_26, %dma_wait3A_89, %dma_wait3A_90] : memref<160x8x128xf32, #tpu.memory_space<vmem_shared>> -> memref<1x8x128xf32, #tpu.memory_space<vmem_shared>>
        tpu.wait_dma2 semaphore(%run_scoped3A : memref<!tpu.dma_semaphore, #tpu.memory_space<semaphore_mem>>) src(%dma_wait3A_91 : memref<1x8x128xf32, #tpu.memory_space<vmem_shared>>) dst(%dma_wait3A_88 : memref<1x8x128xf32, #tpu.memory_space<vmem>>)
        tpu.yield
      }) : () -> ()
      %add3A_27 = arith.constant 50 : i32
      %add3A_28 = arith.addi %add3A_27, %arg1 : i32
      "tpu.region"() ({
        %run_scoped3A = tpu.sem_alloc : memref<!tpu.dma_semaphore, #tpu.memory_space<semaphore_mem>>
        %dma_start3A = arith.constant 5 : i32
        %dma_start3A_66 = arith.constant 0 : i32
        %dma_start3A_67 = arith.constant 0 : i32
        %dma_start3A_68 = tpu.memref_slice %arg6[%dma_start3A, %dma_start3A_66, %dma_start3A_67] : memref<16x8x128xf32, #tpu.memory_space<vmem>> -> memref<1x8x128xf32, #tpu.memory_space<vmem>>
        %dma_start3A_69 = arith.constant 0 : i32
        %dma_start3A_70 = arith.constant 0 : i32
        %dma_start3A_71 = tpu.memref_slice %arg9[%add3A_28, %dma_start3A_69, %dma_start3A_70] : memref<160x8x128xf32, #tpu.memory_space<vmem_shared>> -> memref<1x8x128xf32, #tpu.memory_space<vmem_shared>>
        %dma_start3A_72 = arith.constant 5 : i32
        %dma_start3A_73 = arith.constant 0 : i32
        %dma_start3A_74 = arith.constant 0 : i32
        %dma_start3A_75 = tpu.memref_slice %arg6[%dma_start3A_72, %dma_start3A_73, %dma_start3A_74] : memref<16x8x128xf32, #tpu.memory_space<vmem>> -> memref<1x8x128xf32, #tpu.memory_space<vmem>>
        %dma_start3A_76 = arith.constant 0 : i32
        %dma_start3A_77 = arith.constant 0 : i32
        %dma_start3A_78 = tpu.memref_slice %arg9[%add3A_28, %dma_start3A_76, %dma_start3A_77] : memref<160x8x128xf32, #tpu.memory_space<vmem_shared>> -> memref<1x8x128xf32, #tpu.memory_space<vmem_shared>>
        tpu.enqueue_dma source(%dma_start3A_78 : memref<1x8x128xf32, #tpu.memory_space<vmem_shared>>) target(%dma_start3A_75 : memref<1x8x128xf32, #tpu.memory_space<vmem>>) target_semaphore(%run_scoped3A : memref<!tpu.dma_semaphore, #tpu.memory_space<semaphore_mem>>)
        %dma_wait3A = arith.constant 5 : i32
        %dma_wait3A_79 = arith.constant 0 : i32
        %dma_wait3A_80 = arith.constant 0 : i32
        %dma_wait3A_81 = tpu.memref_slice %arg6[%dma_wait3A, %dma_wait3A_79, %dma_wait3A_80] : memref<16x8x128xf32, #tpu.memory_space<vmem>> -> memref<1x8x128xf32, #tpu.memory_space<vmem>>
        %dma_wait3A_82 = arith.constant 0 : i32
        %dma_wait3A_83 = arith.constant 0 : i32
        %dma_wait3A_84 = tpu.memref_slice %arg9[%add3A_28, %dma_wait3A_82, %dma_wait3A_83] : memref<160x8x128xf32, #tpu.memory_space<vmem_shared>> -> memref<1x8x128xf32, #tpu.memory_space<vmem_shared>>
        %dma_wait3A_85 = arith.constant 5 : i32
        %dma_wait3A_86 = arith.constant 0 : i32
        %dma_wait3A_87 = arith.constant 0 : i32
        %dma_wait3A_88 = tpu.memref_slice %arg6[%dma_wait3A_85, %dma_wait3A_86, %dma_wait3A_87] : memref<16x8x128xf32, #tpu.memory_space<vmem>> -> memref<1x8x128xf32, #tpu.memory_space<vmem>>
        %dma_wait3A_89 = arith.constant 0 : i32
        %dma_wait3A_90 = arith.constant 0 : i32
        %dma_wait3A_91 = tpu.memref_slice %arg9[%add3A_28, %dma_wait3A_89, %dma_wait3A_90] : memref<160x8x128xf32, #tpu.memory_space<vmem_shared>> -> memref<1x8x128xf32, #tpu.memory_space<vmem_shared>>
        tpu.wait_dma2 semaphore(%run_scoped3A : memref<!tpu.dma_semaphore, #tpu.memory_space<semaphore_mem>>) src(%dma_wait3A_91 : memref<1x8x128xf32, #tpu.memory_space<vmem_shared>>) dst(%dma_wait3A_88 : memref<1x8x128xf32, #tpu.memory_space<vmem>>)
        tpu.yield
      }) : () -> ()
      %add3A_29 = arith.constant 60 : i32
      %add3A_30 = arith.addi %add3A_29, %arg1 : i32
      "tpu.region"() ({
        %run_scoped3A = tpu.sem_alloc : memref<!tpu.dma_semaphore, #tpu.memory_space<semaphore_mem>>
        %dma_start3A = arith.constant 6 : i32
        %dma_start3A_66 = arith.constant 0 : i32
        %dma_start3A_67 = arith.constant 0 : i32
        %dma_start3A_68 = tpu.memref_slice %arg6[%dma_start3A, %dma_start3A_66, %dma_start3A_67] : memref<16x8x128xf32, #tpu.memory_space<vmem>> -> memref<1x8x128xf32, #tpu.memory_space<vmem>>
        %dma_start3A_69 = arith.constant 0 : i32
        %dma_start3A_70 = arith.constant 0 : i32
        %dma_start3A_71 = tpu.memref_slice %arg9[%add3A_30, %dma_start3A_69, %dma_start3A_70] : memref<160x8x128xf32, #tpu.memory_space<vmem_shared>> -> memref<1x8x128xf32, #tpu.memory_space<vmem_shared>>
        %dma_start3A_72 = arith.constant 6 : i32
        %dma_start3A_73 = arith.constant 0 : i32
        %dma_start3A_74 = arith.constant 0 : i32
        %dma_start3A_75 = tpu.memref_slice %arg6[%dma_start3A_72, %dma_start3A_73, %dma_start3A_74] : memref<16x8x128xf32, #tpu.memory_space<vmem>> -> memref<1x8x128xf32, #tpu.memory_space<vmem>>
        %dma_start3A_76 = arith.constant 0 : i32
        %dma_start3A_77 = arith.constant 0 : i32
        %dma_start3A_78 = tpu.memref_slice %arg9[%add3A_30, %dma_start3A_76, %dma_start3A_77] : memref<160x8x128xf32, #tpu.memory_space<vmem_shared>> -> memref<1x8x128xf32, #tpu.memory_space<vmem_shared>>
        tpu.enqueue_dma source(%dma_start3A_78 : memref<1x8x128xf32, #tpu.memory_space<vmem_shared>>) target(%dma_start3A_75 : memref<1x8x128xf32, #tpu.memory_space<vmem>>) target_semaphore(%run_scoped3A : memref<!tpu.dma_semaphore, #tpu.memory_space<semaphore_mem>>)
        %dma_wait3A = arith.constant 6 : i32
        %dma_wait3A_79 = arith.constant 0 : i32
        %dma_wait3A_80 = arith.constant 0 : i32
        %dma_wait3A_81 = tpu.memref_slice %arg6[%dma_wait3A, %dma_wait3A_79, %dma_wait3A_80] : memref<16x8x128xf32, #tpu.memory_space<vmem>> -> memref<1x8x128xf32, #tpu.memory_space<vmem>>
        %dma_wait3A_82 = arith.constant 0 : i32
        %dma_wait3A_83 = arith.constant 0 : i32
        %dma_wait3A_84 = tpu.memref_slice %arg9[%add3A_30, %dma_wait3A_82, %dma_wait3A_83] : memref<160x8x128xf32, #tpu.memory_space<vmem_shared>> -> memref<1x8x128xf32, #tpu.memory_space<vmem_shared>>
        %dma_wait3A_85 = arith.constant 6 : i32
        %dma_wait3A_86 = arith.constant 0 : i32
        %dma_wait3A_87 = arith.constant 0 : i32
        %dma_wait3A_88 = tpu.memref_slice %arg6[%dma_wait3A_85, %dma_wait3A_86, %dma_wait3A_87] : memref<16x8x128xf32, #tpu.memory_space<vmem>> -> memref<1x8x128xf32, #tpu.memory_space<vmem>>
        %dma_wait3A_89 = arith.constant 0 : i32
        %dma_wait3A_90 = arith.constant 0 : i32
        %dma_wait3A_91 = tpu.memref_slice %arg9[%add3A_30, %dma_wait3A_89, %dma_wait3A_90] : memref<160x8x128xf32, #tpu.memory_space<vmem_shared>> -> memref<1x8x128xf32, #tpu.memory_space<vmem_shared>>
        tpu.wait_dma2 semaphore(%run_scoped3A : memref<!tpu.dma_semaphore, #tpu.memory_space<semaphore_mem>>) src(%dma_wait3A_91 : memref<1x8x128xf32, #tpu.memory_space<vmem_shared>>) dst(%dma_wait3A_88 : memref<1x8x128xf32, #tpu.memory_space<vmem>>)
        tpu.yield
      }) : () -> ()
      %add3A_31 = arith.constant 70 : i32
      %add3A_32 = arith.addi %add3A_31, %arg1 : i32
      "tpu.region"() ({
        %run_scoped3A = tpu.sem_alloc : memref<!tpu.dma_semaphore, #tpu.memory_space<semaphore_mem>>
        %dma_start3A = arith.constant 7 : i32
        %dma_start3A_66 = arith.constant 0 : i32
        %dma_start3A_67 = arith.constant 0 : i32
        %dma_start3A_68 = tpu.memref_slice %arg6[%dma_start3A, %dma_start3A_66, %dma_start3A_67] : memref<16x8x128xf32, #tpu.memory_space<vmem>> -> memref<1x8x128xf32, #tpu.memory_space<vmem>>
        %dma_start3A_69 = arith.constant 0 : i32
        %dma_start3A_70 = arith.constant 0 : i32
        %dma_start3A_71 = tpu.memref_slice %arg9[%add3A_32, %dma_start3A_69, %dma_start3A_70] : memref<160x8x128xf32, #tpu.memory_space<vmem_shared>> -> memref<1x8x128xf32, #tpu.memory_space<vmem_shared>>
        %dma_start3A_72 = arith.constant 7 : i32
        %dma_start3A_73 = arith.constant 0 : i32
        %dma_start3A_74 = arith.constant 0 : i32
        %dma_start3A_75 = tpu.memref_slice %arg6[%dma_start3A_72, %dma_start3A_73, %dma_start3A_74] : memref<16x8x128xf32, #tpu.memory_space<vmem>> -> memref<1x8x128xf32, #tpu.memory_space<vmem>>
        %dma_start3A_76 = arith.constant 0 : i32
        %dma_start3A_77 = arith.constant 0 : i32
        %dma_start3A_78 = tpu.memref_slice %arg9[%add3A_32, %dma_start3A_76, %dma_start3A_77] : memref<160x8x128xf32, #tpu.memory_space<vmem_shared>> -> memref<1x8x128xf32, #tpu.memory_space<vmem_shared>>
        tpu.enqueue_dma source(%dma_start3A_78 : memref<1x8x128xf32, #tpu.memory_space<vmem_shared>>) target(%dma_start3A_75 : memref<1x8x128xf32, #tpu.memory_space<vmem>>) target_semaphore(%run_scoped3A : memref<!tpu.dma_semaphore, #tpu.memory_space<semaphore_mem>>)
        %dma_wait3A = arith.constant 7 : i32
        %dma_wait3A_79 = arith.constant 0 : i32
        %dma_wait3A_80 = arith.constant 0 : i32
        %dma_wait3A_81 = tpu.memref_slice %arg6[%dma_wait3A, %dma_wait3A_79, %dma_wait3A_80] : memref<16x8x128xf32, #tpu.memory_space<vmem>> -> memref<1x8x128xf32, #tpu.memory_space<vmem>>
        %dma_wait3A_82 = arith.constant 0 : i32
        %dma_wait3A_83 = arith.constant 0 : i32
        %dma_wait3A_84 = tpu.memref_slice %arg9[%add3A_32, %dma_wait3A_82, %dma_wait3A_83] : memref<160x8x128xf32, #tpu.memory_space<vmem_shared>> -> memref<1x8x128xf32, #tpu.memory_space<vmem_shared>>
        %dma_wait3A_85 = arith.constant 7 : i32
        %dma_wait3A_86 = arith.constant 0 : i32
        %dma_wait3A_87 = arith.constant 0 : i32
        %dma_wait3A_88 = tpu.memref_slice %arg6[%dma_wait3A_85, %dma_wait3A_86, %dma_wait3A_87] : memref<16x8x128xf32, #tpu.memory_space<vmem>> -> memref<1x8x128xf32, #tpu.memory_space<vmem>>
        %dma_wait3A_89 = arith.constant 0 : i32
        %dma_wait3A_90 = arith.constant 0 : i32
        %dma_wait3A_91 = tpu.memref_slice %arg9[%add3A_32, %dma_wait3A_89, %dma_wait3A_90] : memref<160x8x128xf32, #tpu.memory_space<vmem_shared>> -> memref<1x8x128xf32, #tpu.memory_space<vmem_shared>>
        tpu.wait_dma2 semaphore(%run_scoped3A : memref<!tpu.dma_semaphore, #tpu.memory_space<semaphore_mem>>) src(%dma_wait3A_91 : memref<1x8x128xf32, #tpu.memory_space<vmem_shared>>) dst(%dma_wait3A_88 : memref<1x8x128xf32, #tpu.memory_space<vmem>>)
        tpu.yield
      }) : () -> ()
      %add3A_33 = arith.constant 80 : i32
      %add3A_34 = arith.addi %add3A_33, %arg1 : i32
      "tpu.region"() ({
        %run_scoped3A = tpu.sem_alloc : memref<!tpu.dma_semaphore, #tpu.memory_space<semaphore_mem>>
        %dma_start3A = arith.constant 8 : i32
        %dma_start3A_66 = arith.constant 0 : i32
        %dma_start3A_67 = arith.constant 0 : i32
        %dma_start3A_68 = tpu.memref_slice %arg6[%dma_start3A, %dma_start3A_66, %dma_start3A_67] : memref<16x8x128xf32, #tpu.memory_space<vmem>> -> memref<1x8x128xf32, #tpu.memory_space<vmem>>
        %dma_start3A_69 = arith.constant 0 : i32
        %dma_start3A_70 = arith.constant 0 : i32
        %dma_start3A_71 = tpu.memref_slice %arg9[%add3A_34, %dma_start3A_69, %dma_start3A_70] : memref<160x8x128xf32, #tpu.memory_space<vmem_shared>> -> memref<1x8x128xf32, #tpu.memory_space<vmem_shared>>
        %dma_start3A_72 = arith.constant 8 : i32
        %dma_start3A_73 = arith.constant 0 : i32
        %dma_start3A_74 = arith.constant 0 : i32
        %dma_start3A_75 = tpu.memref_slice %arg6[%dma_start3A_72, %dma_start3A_73, %dma_start3A_74] : memref<16x8x128xf32, #tpu.memory_space<vmem>> -> memref<1x8x128xf32, #tpu.memory_space<vmem>>
        %dma_start3A_76 = arith.constant 0 : i32
        %dma_start3A_77 = arith.constant 0 : i32
        %dma_start3A_78 = tpu.memref_slice %arg9[%add3A_34, %dma_start3A_76, %dma_start3A_77] : memref<160x8x128xf32, #tpu.memory_space<vmem_shared>> -> memref<1x8x128xf32, #tpu.memory_space<vmem_shared>>
        tpu.enqueue_dma source(%dma_start3A_78 : memref<1x8x128xf32, #tpu.memory_space<vmem_shared>>) target(%dma_start3A_75 : memref<1x8x128xf32, #tpu.memory_space<vmem>>) target_semaphore(%run_scoped3A : memref<!tpu.dma_semaphore, #tpu.memory_space<semaphore_mem>>)
        %dma_wait3A = arith.constant 8 : i32
        %dma_wait3A_79 = arith.constant 0 : i32
        %dma_wait3A_80 = arith.constant 0 : i32
        %dma_wait3A_81 = tpu.memref_slice %arg6[%dma_wait3A, %dma_wait3A_79, %dma_wait3A_80] : memref<16x8x128xf32, #tpu.memory_space<vmem>> -> memref<1x8x128xf32, #tpu.memory_space<vmem>>
        %dma_wait3A_82 = arith.constant 0 : i32
        %dma_wait3A_83 = arith.constant 0 : i32
        %dma_wait3A_84 = tpu.memref_slice %arg9[%add3A_34, %dma_wait3A_82, %dma_wait3A_83] : memref<160x8x128xf32, #tpu.memory_space<vmem_shared>> -> memref<1x8x128xf32, #tpu.memory_space<vmem_shared>>
        %dma_wait3A_85 = arith.constant 8 : i32
        %dma_wait3A_86 = arith.constant 0 : i32
        %dma_wait3A_87 = arith.constant 0 : i32
        %dma_wait3A_88 = tpu.memref_slice %arg6[%dma_wait3A_85, %dma_wait3A_86, %dma_wait3A_87] : memref<16x8x128xf32, #tpu.memory_space<vmem>> -> memref<1x8x128xf32, #tpu.memory_space<vmem>>
        %dma_wait3A_89 = arith.constant 0 : i32
        %dma_wait3A_90 = arith.constant 0 : i32
        %dma_wait3A_91 = tpu.memref_slice %arg9[%add3A_34, %dma_wait3A_89, %dma_wait3A_90] : memref<160x8x128xf32, #tpu.memory_space<vmem_shared>> -> memref<1x8x128xf32, #tpu.memory_space<vmem_shared>>
        tpu.wait_dma2 semaphore(%run_scoped3A : memref<!tpu.dma_semaphore, #tpu.memory_space<semaphore_mem>>) src(%dma_wait3A_91 : memref<1x8x128xf32, #tpu.memory_space<vmem_shared>>) dst(%dma_wait3A_88 : memref<1x8x128xf32, #tpu.memory_space<vmem>>)
        tpu.yield
      }) : () -> ()
      %add3A_35 = arith.constant 90 : i32
      %add3A_36 = arith.addi %add3A_35, %arg1 : i32
      "tpu.region"() ({
        %run_scoped3A = tpu.sem_alloc : memref<!tpu.dma_semaphore, #tpu.memory_space<semaphore_mem>>
        %dma_start3A = arith.constant 9 : i32
        %dma_start3A_66 = arith.constant 0 : i32
        %dma_start3A_67 = arith.constant 0 : i32
        %dma_start3A_68 = tpu.memref_slice %arg6[%dma_start3A, %dma_start3A_66, %dma_start3A_67] : memref<16x8x128xf32, #tpu.memory_space<vmem>> -> memref<1x8x128xf32, #tpu.memory_space<vmem>>
        %dma_start3A_69 = arith.constant 0 : i32
        %dma_start3A_70 = arith.constant 0 : i32
        %dma_start3A_71 = tpu.memref_slice %arg9[%add3A_36, %dma_start3A_69, %dma_start3A_70] : memref<160x8x128xf32, #tpu.memory_space<vmem_shared>> -> memref<1x8x128xf32, #tpu.memory_space<vmem_shared>>
        %dma_start3A_72 = arith.constant 9 : i32
        %dma_start3A_73 = arith.constant 0 : i32
        %dma_start3A_74 = arith.constant 0 : i32
        %dma_start3A_75 = tpu.memref_slice %arg6[%dma_start3A_72, %dma_start3A_73, %dma_start3A_74] : memref<16x8x128xf32, #tpu.memory_space<vmem>> -> memref<1x8x128xf32, #tpu.memory_space<vmem>>
        %dma_start3A_76 = arith.constant 0 : i32
        %dma_start3A_77 = arith.constant 0 : i32
        %dma_start3A_78 = tpu.memref_slice %arg9[%add3A_36, %dma_start3A_76, %dma_start3A_77] : memref<160x8x128xf32, #tpu.memory_space<vmem_shared>> -> memref<1x8x128xf32, #tpu.memory_space<vmem_shared>>
        tpu.enqueue_dma source(%dma_start3A_78 : memref<1x8x128xf32, #tpu.memory_space<vmem_shared>>) target(%dma_start3A_75 : memref<1x8x128xf32, #tpu.memory_space<vmem>>) target_semaphore(%run_scoped3A : memref<!tpu.dma_semaphore, #tpu.memory_space<semaphore_mem>>)
        %dma_wait3A = arith.constant 9 : i32
        %dma_wait3A_79 = arith.constant 0 : i32
        %dma_wait3A_80 = arith.constant 0 : i32
        %dma_wait3A_81 = tpu.memref_slice %arg6[%dma_wait3A, %dma_wait3A_79, %dma_wait3A_80] : memref<16x8x128xf32, #tpu.memory_space<vmem>> -> memref<1x8x128xf32, #tpu.memory_space<vmem>>
        %dma_wait3A_82 = arith.constant 0 : i32
        %dma_wait3A_83 = arith.constant 0 : i32
        %dma_wait3A_84 = tpu.memref_slice %arg9[%add3A_36, %dma_wait3A_82, %dma_wait3A_83] : memref<160x8x128xf32, #tpu.memory_space<vmem_shared>> -> memref<1x8x128xf32, #tpu.memory_space<vmem_shared>>
        %dma_wait3A_85 = arith.constant 9 : i32
        %dma_wait3A_86 = arith.constant 0 : i32
        %dma_wait3A_87 = arith.constant 0 : i32
        %dma_wait3A_88 = tpu.memref_slice %arg6[%dma_wait3A_85, %dma_wait3A_86, %dma_wait3A_87] : memref<16x8x128xf32, #tpu.memory_space<vmem>> -> memref<1x8x128xf32, #tpu.memory_space<vmem>>
        %dma_wait3A_89 = arith.constant 0 : i32
        %dma_wait3A_90 = arith.constant 0 : i32
        %dma_wait3A_91 = tpu.memref_slice %arg9[%add3A_36, %dma_wait3A_89, %dma_wait3A_90] : memref<160x8x128xf32, #tpu.memory_space<vmem_shared>> -> memref<1x8x128xf32, #tpu.memory_space<vmem_shared>>
        tpu.wait_dma2 semaphore(%run_scoped3A : memref<!tpu.dma_semaphore, #tpu.memory_space<semaphore_mem>>) src(%dma_wait3A_91 : memref<1x8x128xf32, #tpu.memory_space<vmem_shared>>) dst(%dma_wait3A_88 : memref<1x8x128xf32, #tpu.memory_space<vmem>>)
        tpu.yield
      }) : () -> ()
      %add3A_37 = arith.constant 100 : i32
      %add3A_38 = arith.addi %add3A_37, %arg1 : i32
      "tpu.region"() ({
        %run_scoped3A = tpu.sem_alloc : memref<!tpu.dma_semaphore, #tpu.memory_space<semaphore_mem>>
        %dma_start3A = arith.constant 10 : i32
        %dma_start3A_66 = arith.constant 0 : i32
        %dma_start3A_67 = arith.constant 0 : i32
        %dma_start3A_68 = tpu.memref_slice %arg6[%dma_start3A, %dma_start3A_66, %dma_start3A_67] : memref<16x8x128xf32, #tpu.memory_space<vmem>> -> memref<1x8x128xf32, #tpu.memory_space<vmem>>
        %dma_start3A_69 = arith.constant 0 : i32
        %dma_start3A_70 = arith.constant 0 : i32
        %dma_start3A_71 = tpu.memref_slice %arg9[%add3A_38, %dma_start3A_69, %dma_start3A_70] : memref<160x8x128xf32, #tpu.memory_space<vmem_shared>> -> memref<1x8x128xf32, #tpu.memory_space<vmem_shared>>
        %dma_start3A_72 = arith.constant 10 : i32
        %dma_start3A_73 = arith.constant 0 : i32
        %dma_start3A_74 = arith.constant 0 : i32
        %dma_start3A_75 = tpu.memref_slice %arg6[%dma_start3A_72, %dma_start3A_73, %dma_start3A_74] : memref<16x8x128xf32, #tpu.memory_space<vmem>> -> memref<1x8x128xf32, #tpu.memory_space<vmem>>
        %dma_start3A_76 = arith.constant 0 : i32
        %dma_start3A_77 = arith.constant 0 : i32
        %dma_start3A_78 = tpu.memref_slice %arg9[%add3A_38, %dma_start3A_76, %dma_start3A_77] : memref<160x8x128xf32, #tpu.memory_space<vmem_shared>> -> memref<1x8x128xf32, #tpu.memory_space<vmem_shared>>
        tpu.enqueue_dma source(%dma_start3A_78 : memref<1x8x128xf32, #tpu.memory_space<vmem_shared>>) target(%dma_start3A_75 : memref<1x8x128xf32, #tpu.memory_space<vmem>>) target_semaphore(%run_scoped3A : memref<!tpu.dma_semaphore, #tpu.memory_space<semaphore_mem>>)
        %dma_wait3A = arith.constant 10 : i32
        %dma_wait3A_79 = arith.constant 0 : i32
        %dma_wait3A_80 = arith.constant 0 : i32
        %dma_wait3A_81 = tpu.memref_slice %arg6[%dma_wait3A, %dma_wait3A_79, %dma_wait3A_80] : memref<16x8x128xf32, #tpu.memory_space<vmem>> -> memref<1x8x128xf32, #tpu.memory_space<vmem>>
        %dma_wait3A_82 = arith.constant 0 : i32
        %dma_wait3A_83 = arith.constant 0 : i32
        %dma_wait3A_84 = tpu.memref_slice %arg9[%add3A_38, %dma_wait3A_82, %dma_wait3A_83] : memref<160x8x128xf32, #tpu.memory_space<vmem_shared>> -> memref<1x8x128xf32, #tpu.memory_space<vmem_shared>>
        %dma_wait3A_85 = arith.constant 10 : i32
        %dma_wait3A_86 = arith.constant 0 : i32
        %dma_wait3A_87 = arith.constant 0 : i32
        %dma_wait3A_88 = tpu.memref_slice %arg6[%dma_wait3A_85, %dma_wait3A_86, %dma_wait3A_87] : memref<16x8x128xf32, #tpu.memory_space<vmem>> -> memref<1x8x128xf32, #tpu.memory_space<vmem>>
        %dma_wait3A_89 = arith.constant 0 : i32
        %dma_wait3A_90 = arith.constant 0 : i32
        %dma_wait3A_91 = tpu.memref_slice %arg9[%add3A_38, %dma_wait3A_89, %dma_wait3A_90] : memref<160x8x128xf32, #tpu.memory_space<vmem_shared>> -> memref<1x8x128xf32, #tpu.memory_space<vmem_shared>>
        tpu.wait_dma2 semaphore(%run_scoped3A : memref<!tpu.dma_semaphore, #tpu.memory_space<semaphore_mem>>) src(%dma_wait3A_91 : memref<1x8x128xf32, #tpu.memory_space<vmem_shared>>) dst(%dma_wait3A_88 : memref<1x8x128xf32, #tpu.memory_space<vmem>>)
        tpu.yield
      }) : () -> ()
      %add3A_39 = arith.constant 110 : i32
      %add3A_40 = arith.addi %add3A_39, %arg1 : i32
      "tpu.region"() ({
        %run_scoped3A = tpu.sem_alloc : memref<!tpu.dma_semaphore, #tpu.memory_space<semaphore_mem>>
        %dma_start3A = arith.constant 11 : i32
        %dma_start3A_66 = arith.constant 0 : i32
        %dma_start3A_67 = arith.constant 0 : i32
        %dma_start3A_68 = tpu.memref_slice %arg6[%dma_start3A, %dma_start3A_66, %dma_start3A_67] : memref<16x8x128xf32, #tpu.memory_space<vmem>> -> memref<1x8x128xf32, #tpu.memory_space<vmem>>
        %dma_start3A_69 = arith.constant 0 : i32
        %dma_start3A_70 = arith.constant 0 : i32
        %dma_start3A_71 = tpu.memref_slice %arg9[%add3A_40, %dma_start3A_69, %dma_start3A_70] : memref<160x8x128xf32, #tpu.memory_space<vmem_shared>> -> memref<1x8x128xf32, #tpu.memory_space<vmem_shared>>
        %dma_start3A_72 = arith.constant 11 : i32
        %dma_start3A_73 = arith.constant 0 : i32
        %dma_start3A_74 = arith.constant 0 : i32
        %dma_start3A_75 = tpu.memref_slice %arg6[%dma_start3A_72, %dma_start3A_73, %dma_start3A_74] : memref<16x8x128xf32, #tpu.memory_space<vmem>> -> memref<1x8x128xf32, #tpu.memory_space<vmem>>
        %dma_start3A_76 = arith.constant 0 : i32
        %dma_start3A_77 = arith.constant 0 : i32
        %dma_start3A_78 = tpu.memref_slice %arg9[%add3A_40, %dma_start3A_76, %dma_start3A_77] : memref<160x8x128xf32, #tpu.memory_space<vmem_shared>> -> memref<1x8x128xf32, #tpu.memory_space<vmem_shared>>
        tpu.enqueue_dma source(%dma_start3A_78 : memref<1x8x128xf32, #tpu.memory_space<vmem_shared>>) target(%dma_start3A_75 : memref<1x8x128xf32, #tpu.memory_space<vmem>>) target_semaphore(%run_scoped3A : memref<!tpu.dma_semaphore, #tpu.memory_space<semaphore_mem>>)
        %dma_wait3A = arith.constant 11 : i32
        %dma_wait3A_79 = arith.constant 0 : i32
        %dma_wait3A_80 = arith.constant 0 : i32
        %dma_wait3A_81 = tpu.memref_slice %arg6[%dma_wait3A, %dma_wait3A_79, %dma_wait3A_80] : memref<16x8x128xf32, #tpu.memory_space<vmem>> -> memref<1x8x128xf32, #tpu.memory_space<vmem>>
        %dma_wait3A_82 = arith.constant 0 : i32
        %dma_wait3A_83 = arith.constant 0 : i32
        %dma_wait3A_84 = tpu.memref_slice %arg9[%add3A_40, %dma_wait3A_82, %dma_wait3A_83] : memref<160x8x128xf32, #tpu.memory_space<vmem_shared>> -> memref<1x8x128xf32, #tpu.memory_space<vmem_shared>>
        %dma_wait3A_85 = arith.constant 11 : i32
        %dma_wait3A_86 = arith.constant 0 : i32
        %dma_wait3A_87 = arith.constant 0 : i32
        %dma_wait3A_88 = tpu.memref_slice %arg6[%dma_wait3A_85, %dma_wait3A_86, %dma_wait3A_87] : memref<16x8x128xf32, #tpu.memory_space<vmem>> -> memref<1x8x128xf32, #tpu.memory_space<vmem>>
        %dma_wait3A_89 = arith.constant 0 : i32
        %dma_wait3A_90 = arith.constant 0 : i32
        %dma_wait3A_91 = tpu.memref_slice %arg9[%add3A_40, %dma_wait3A_89, %dma_wait3A_90] : memref<160x8x128xf32, #tpu.memory_space<vmem_shared>> -> memref<1x8x128xf32, #tpu.memory_space<vmem_shared>>
        tpu.wait_dma2 semaphore(%run_scoped3A : memref<!tpu.dma_semaphore, #tpu.memory_space<semaphore_mem>>) src(%dma_wait3A_91 : memref<1x8x128xf32, #tpu.memory_space<vmem_shared>>) dst(%dma_wait3A_88 : memref<1x8x128xf32, #tpu.memory_space<vmem>>)
        tpu.yield
      }) : () -> ()
      %add3A_41 = arith.constant 120 : i32
      %add3A_42 = arith.addi %add3A_41, %arg1 : i32
      "tpu.region"() ({
        %run_scoped3A = tpu.sem_alloc : memref<!tpu.dma_semaphore, #tpu.memory_space<semaphore_mem>>
        %dma_start3A = arith.constant 12 : i32
        %dma_start3A_66 = arith.constant 0 : i32
        %dma_start3A_67 = arith.constant 0 : i32
        %dma_start3A_68 = tpu.memref_slice %arg6[%dma_start3A, %dma_start3A_66, %dma_start3A_67] : memref<16x8x128xf32, #tpu.memory_space<vmem>> -> memref<1x8x128xf32, #tpu.memory_space<vmem>>
        %dma_start3A_69 = arith.constant 0 : i32
        %dma_start3A_70 = arith.constant 0 : i32
        %dma_start3A_71 = tpu.memref_slice %arg9[%add3A_42, %dma_start3A_69, %dma_start3A_70] : memref<160x8x128xf32, #tpu.memory_space<vmem_shared>> -> memref<1x8x128xf32, #tpu.memory_space<vmem_shared>>
        %dma_start3A_72 = arith.constant 12 : i32
        %dma_start3A_73 = arith.constant 0 : i32
        %dma_start3A_74 = arith.constant 0 : i32
        %dma_start3A_75 = tpu.memref_slice %arg6[%dma_start3A_72, %dma_start3A_73, %dma_start3A_74] : memref<16x8x128xf32, #tpu.memory_space<vmem>> -> memref<1x8x128xf32, #tpu.memory_space<vmem>>
        %dma_start3A_76 = arith.constant 0 : i32
        %dma_start3A_77 = arith.constant 0 : i32
        %dma_start3A_78 = tpu.memref_slice %arg9[%add3A_42, %dma_start3A_76, %dma_start3A_77] : memref<160x8x128xf32, #tpu.memory_space<vmem_shared>> -> memref<1x8x128xf32, #tpu.memory_space<vmem_shared>>
        tpu.enqueue_dma source(%dma_start3A_78 : memref<1x8x128xf32, #tpu.memory_space<vmem_shared>>) target(%dma_start3A_75 : memref<1x8x128xf32, #tpu.memory_space<vmem>>) target_semaphore(%run_scoped3A : memref<!tpu.dma_semaphore, #tpu.memory_space<semaphore_mem>>)
        %dma_wait3A = arith.constant 12 : i32
        %dma_wait3A_79 = arith.constant 0 : i32
        %dma_wait3A_80 = arith.constant 0 : i32
        %dma_wait3A_81 = tpu.memref_slice %arg6[%dma_wait3A, %dma_wait3A_79, %dma_wait3A_80] : memref<16x8x128xf32, #tpu.memory_space<vmem>> -> memref<1x8x128xf32, #tpu.memory_space<vmem>>
        %dma_wait3A_82 = arith.constant 0 : i32
        %dma_wait3A_83 = arith.constant 0 : i32
        %dma_wait3A_84 = tpu.memref_slice %arg9[%add3A_42, %dma_wait3A_82, %dma_wait3A_83] : memref<160x8x128xf32, #tpu.memory_space<vmem_shared>> -> memref<1x8x128xf32, #tpu.memory_space<vmem_shared>>
        %dma_wait3A_85 = arith.constant 12 : i32
        %dma_wait3A_86 = arith.constant 0 : i32
        %dma_wait3A_87 = arith.constant 0 : i32
        %dma_wait3A_88 = tpu.memref_slice %arg6[%dma_wait3A_85, %dma_wait3A_86, %dma_wait3A_87] : memref<16x8x128xf32, #tpu.memory_space<vmem>> -> memref<1x8x128xf32, #tpu.memory_space<vmem>>
        %dma_wait3A_89 = arith.constant 0 : i32
        %dma_wait3A_90 = arith.constant 0 : i32
        %dma_wait3A_91 = tpu.memref_slice %arg9[%add3A_42, %dma_wait3A_89, %dma_wait3A_90] : memref<160x8x128xf32, #tpu.memory_space<vmem_shared>> -> memref<1x8x128xf32, #tpu.memory_space<vmem_shared>>
        tpu.wait_dma2 semaphore(%run_scoped3A : memref<!tpu.dma_semaphore, #tpu.memory_space<semaphore_mem>>) src(%dma_wait3A_91 : memref<1x8x128xf32, #tpu.memory_space<vmem_shared>>) dst(%dma_wait3A_88 : memref<1x8x128xf32, #tpu.memory_space<vmem>>)
        tpu.yield
      }) : () -> ()
      %add3A_43 = arith.constant 130 : i32
      %add3A_44 = arith.addi %add3A_43, %arg1 : i32
      "tpu.region"() ({
        %run_scoped3A = tpu.sem_alloc : memref<!tpu.dma_semaphore, #tpu.memory_space<semaphore_mem>>
        %dma_start3A = arith.constant 13 : i32
        %dma_start3A_66 = arith.constant 0 : i32
        %dma_start3A_67 = arith.constant 0 : i32
        %dma_start3A_68 = tpu.memref_slice %arg6[%dma_start3A, %dma_start3A_66, %dma_start3A_67] : memref<16x8x128xf32, #tpu.memory_space<vmem>> -> memref<1x8x128xf32, #tpu.memory_space<vmem>>
        %dma_start3A_69 = arith.constant 0 : i32
        %dma_start3A_70 = arith.constant 0 : i32
        %dma_start3A_71 = tpu.memref_slice %arg9[%add3A_44, %dma_start3A_69, %dma_start3A_70] : memref<160x8x128xf32, #tpu.memory_space<vmem_shared>> -> memref<1x8x128xf32, #tpu.memory_space<vmem_shared>>
        %dma_start3A_72 = arith.constant 13 : i32
        %dma_start3A_73 = arith.constant 0 : i32
        %dma_start3A_74 = arith.constant 0 : i32
        %dma_start3A_75 = tpu.memref_slice %arg6[%dma_start3A_72, %dma_start3A_73, %dma_start3A_74] : memref<16x8x128xf32, #tpu.memory_space<vmem>> -> memref<1x8x128xf32, #tpu.memory_space<vmem>>
        %dma_start3A_76 = arith.constant 0 : i32
        %dma_start3A_77 = arith.constant 0 : i32
        %dma_start3A_78 = tpu.memref_slice %arg9[%add3A_44, %dma_start3A_76, %dma_start3A_77] : memref<160x8x128xf32, #tpu.memory_space<vmem_shared>> -> memref<1x8x128xf32, #tpu.memory_space<vmem_shared>>
        tpu.enqueue_dma source(%dma_start3A_78 : memref<1x8x128xf32, #tpu.memory_space<vmem_shared>>) target(%dma_start3A_75 : memref<1x8x128xf32, #tpu.memory_space<vmem>>) target_semaphore(%run_scoped3A : memref<!tpu.dma_semaphore, #tpu.memory_space<semaphore_mem>>)
        %dma_wait3A = arith.constant 13 : i32
        %dma_wait3A_79 = arith.constant 0 : i32
        %dma_wait3A_80 = arith.constant 0 : i32
        %dma_wait3A_81 = tpu.memref_slice %arg6[%dma_wait3A, %dma_wait3A_79, %dma_wait3A_80] : memref<16x8x128xf32, #tpu.memory_space<vmem>> -> memref<1x8x128xf32, #tpu.memory_space<vmem>>
        %dma_wait3A_82 = arith.constant 0 : i32
        %dma_wait3A_83 = arith.constant 0 : i32
        %dma_wait3A_84 = tpu.memref_slice %arg9[%add3A_44, %dma_wait3A_82, %dma_wait3A_83] : memref<160x8x128xf32, #tpu.memory_space<vmem_shared>> -> memref<1x8x128xf32, #tpu.memory_space<vmem_shared>>
        %dma_wait3A_85 = arith.constant 13 : i32
        %dma_wait3A_86 = arith.constant 0 : i32
        %dma_wait3A_87 = arith.constant 0 : i32
        %dma_wait3A_88 = tpu.memref_slice %arg6[%dma_wait3A_85, %dma_wait3A_86, %dma_wait3A_87] : memref<16x8x128xf32, #tpu.memory_space<vmem>> -> memref<1x8x128xf32, #tpu.memory_space<vmem>>
        %dma_wait3A_89 = arith.constant 0 : i32
        %dma_wait3A_90 = arith.constant 0 : i32
        %dma_wait3A_91 = tpu.memref_slice %arg9[%add3A_44, %dma_wait3A_89, %dma_wait3A_90] : memref<160x8x128xf32, #tpu.memory_space<vmem_shared>> -> memref<1x8x128xf32, #tpu.memory_space<vmem_shared>>
        tpu.wait_dma2 semaphore(%run_scoped3A : memref<!tpu.dma_semaphore, #tpu.memory_space<semaphore_mem>>) src(%dma_wait3A_91 : memref<1x8x128xf32, #tpu.memory_space<vmem_shared>>) dst(%dma_wait3A_88 : memref<1x8x128xf32, #tpu.memory_space<vmem>>)
        tpu.yield
      }) : () -> ()
      %add3A_45 = arith.constant 140 : i32
      %add3A_46 = arith.addi %add3A_45, %arg1 : i32
      "tpu.region"() ({
        %run_scoped3A = tpu.sem_alloc : memref<!tpu.dma_semaphore, #tpu.memory_space<semaphore_mem>>
        %dma_start3A = arith.constant 14 : i32
        %dma_start3A_66 = arith.constant 0 : i32
        %dma_start3A_67 = arith.constant 0 : i32
        %dma_start3A_68 = tpu.memref_slice %arg6[%dma_start3A, %dma_start3A_66, %dma_start3A_67] : memref<16x8x128xf32, #tpu.memory_space<vmem>> -> memref<1x8x128xf32, #tpu.memory_space<vmem>>
        %dma_start3A_69 = arith.constant 0 : i32
        %dma_start3A_70 = arith.constant 0 : i32
        %dma_start3A_71 = tpu.memref_slice %arg9[%add3A_46, %dma_start3A_69, %dma_start3A_70] : memref<160x8x128xf32, #tpu.memory_space<vmem_shared>> -> memref<1x8x128xf32, #tpu.memory_space<vmem_shared>>
        %dma_start3A_72 = arith.constant 14 : i32
        %dma_start3A_73 = arith.constant 0 : i32
        %dma_start3A_74 = arith.constant 0 : i32
        %dma_start3A_75 = tpu.memref_slice %arg6[%dma_start3A_72, %dma_start3A_73, %dma_start3A_74] : memref<16x8x128xf32, #tpu.memory_space<vmem>> -> memref<1x8x128xf32, #tpu.memory_space<vmem>>
        %dma_start3A_76 = arith.constant 0 : i32
        %dma_start3A_77 = arith.constant 0 : i32
        %dma_start3A_78 = tpu.memref_slice %arg9[%add3A_46, %dma_start3A_76, %dma_start3A_77] : memref<160x8x128xf32, #tpu.memory_space<vmem_shared>> -> memref<1x8x128xf32, #tpu.memory_space<vmem_shared>>
        tpu.enqueue_dma source(%dma_start3A_78 : memref<1x8x128xf32, #tpu.memory_space<vmem_shared>>) target(%dma_start3A_75 : memref<1x8x128xf32, #tpu.memory_space<vmem>>) target_semaphore(%run_scoped3A : memref<!tpu.dma_semaphore, #tpu.memory_space<semaphore_mem>>)
        %dma_wait3A = arith.constant 14 : i32
        %dma_wait3A_79 = arith.constant 0 : i32
        %dma_wait3A_80 = arith.constant 0 : i32
        %dma_wait3A_81 = tpu.memref_slice %arg6[%dma_wait3A, %dma_wait3A_79, %dma_wait3A_80] : memref<16x8x128xf32, #tpu.memory_space<vmem>> -> memref<1x8x128xf32, #tpu.memory_space<vmem>>
        %dma_wait3A_82 = arith.constant 0 : i32
        %dma_wait3A_83 = arith.constant 0 : i32
        %dma_wait3A_84 = tpu.memref_slice %arg9[%add3A_46, %dma_wait3A_82, %dma_wait3A_83] : memref<160x8x128xf32, #tpu.memory_space<vmem_shared>> -> memref<1x8x128xf32, #tpu.memory_space<vmem_shared>>
        %dma_wait3A_85 = arith.constant 14 : i32
        %dma_wait3A_86 = arith.constant 0 : i32
        %dma_wait3A_87 = arith.constant 0 : i32
        %dma_wait3A_88 = tpu.memref_slice %arg6[%dma_wait3A_85, %dma_wait3A_86, %dma_wait3A_87] : memref<16x8x128xf32, #tpu.memory_space<vmem>> -> memref<1x8x128xf32, #tpu.memory_space<vmem>>
        %dma_wait3A_89 = arith.constant 0 : i32
        %dma_wait3A_90 = arith.constant 0 : i32
        %dma_wait3A_91 = tpu.memref_slice %arg9[%add3A_46, %dma_wait3A_89, %dma_wait3A_90] : memref<160x8x128xf32, #tpu.memory_space<vmem_shared>> -> memref<1x8x128xf32, #tpu.memory_space<vmem_shared>>
        tpu.wait_dma2 semaphore(%run_scoped3A : memref<!tpu.dma_semaphore, #tpu.memory_space<semaphore_mem>>) src(%dma_wait3A_91 : memref<1x8x128xf32, #tpu.memory_space<vmem_shared>>) dst(%dma_wait3A_88 : memref<1x8x128xf32, #tpu.memory_space<vmem>>)
        tpu.yield
      }) : () -> ()
      %add3A_47 = arith.constant 150 : i32
      %add3A_48 = arith.addi %add3A_47, %arg1 : i32
      "tpu.region"() ({
        %run_scoped3A = tpu.sem_alloc : memref<!tpu.dma_semaphore, #tpu.memory_space<semaphore_mem>>
        %dma_start3A = arith.constant 15 : i32
        %dma_start3A_66 = arith.constant 0 : i32
        %dma_start3A_67 = arith.constant 0 : i32
        %dma_start3A_68 = tpu.memref_slice %arg6[%dma_start3A, %dma_start3A_66, %dma_start3A_67] : memref<16x8x128xf32, #tpu.memory_space<vmem>> -> memref<1x8x128xf32, #tpu.memory_space<vmem>>
        %dma_start3A_69 = arith.constant 0 : i32
        %dma_start3A_70 = arith.constant 0 : i32
        %dma_start3A_71 = tpu.memref_slice %arg9[%add3A_48, %dma_start3A_69, %dma_start3A_70] : memref<160x8x128xf32, #tpu.memory_space<vmem_shared>> -> memref<1x8x128xf32, #tpu.memory_space<vmem_shared>>
        %dma_start3A_72 = arith.constant 15 : i32
        %dma_start3A_73 = arith.constant 0 : i32
        %dma_start3A_74 = arith.constant 0 : i32
        %dma_start3A_75 = tpu.memref_slice %arg6[%dma_start3A_72, %dma_start3A_73, %dma_start3A_74] : memref<16x8x128xf32, #tpu.memory_space<vmem>> -> memref<1x8x128xf32, #tpu.memory_space<vmem>>
        %dma_start3A_76 = arith.constant 0 : i32
        %dma_start3A_77 = arith.constant 0 : i32
        %dma_start3A_78 = tpu.memref_slice %arg9[%add3A_48, %dma_start3A_76, %dma_start3A_77] : memref<160x8x128xf32, #tpu.memory_space<vmem_shared>> -> memref<1x8x128xf32, #tpu.memory_space<vmem_shared>>
        tpu.enqueue_dma source(%dma_start3A_78 : memref<1x8x128xf32, #tpu.memory_space<vmem_shared>>) target(%dma_start3A_75 : memref<1x8x128xf32, #tpu.memory_space<vmem>>) target_semaphore(%run_scoped3A : memref<!tpu.dma_semaphore, #tpu.memory_space<semaphore_mem>>)
        %dma_wait3A = arith.constant 15 : i32
        %dma_wait3A_79 = arith.constant 0 : i32
        %dma_wait3A_80 = arith.constant 0 : i32
        %dma_wait3A_81 = tpu.memref_slice %arg6[%dma_wait3A, %dma_wait3A_79, %dma_wait3A_80] : memref<16x8x128xf32, #tpu.memory_space<vmem>> -> memref<1x8x128xf32, #tpu.memory_space<vmem>>
        %dma_wait3A_82 = arith.constant 0 : i32
        %dma_wait3A_83 = arith.constant 0 : i32
        %dma_wait3A_84 = tpu.memref_slice %arg9[%add3A_48, %dma_wait3A_82, %dma_wait3A_83] : memref<160x8x128xf32, #tpu.memory_space<vmem_shared>> -> memref<1x8x128xf32, #tpu.memory_space<vmem_shared>>
        %dma_wait3A_85 = arith.constant 15 : i32
        %dma_wait3A_86 = arith.constant 0 : i32
        %dma_wait3A_87 = arith.constant 0 : i32
        %dma_wait3A_88 = tpu.memref_slice %arg6[%dma_wait3A_85, %dma_wait3A_86, %dma_wait3A_87] : memref<16x8x128xf32, #tpu.memory_space<vmem>> -> memref<1x8x128xf32, #tpu.memory_space<vmem>>
        %dma_wait3A_89 = arith.constant 0 : i32
        %dma_wait3A_90 = arith.constant 0 : i32
        %dma_wait3A_91 = tpu.memref_slice %arg9[%add3A_48, %dma_wait3A_89, %dma_wait3A_90] : memref<160x8x128xf32, #tpu.memory_space<vmem_shared>> -> memref<1x8x128xf32, #tpu.memory_space<vmem_shared>>
        tpu.wait_dma2 semaphore(%run_scoped3A : memref<!tpu.dma_semaphore, #tpu.memory_space<semaphore_mem>>) src(%dma_wait3A_91 : memref<1x8x128xf32, #tpu.memory_space<vmem_shared>>) dst(%dma_wait3A_88 : memref<1x8x128xf32, #tpu.memory_space<vmem>>)
        tpu.yield
      }) : () -> ()
      %scan3A_49 = arith.constant 0 : i32
      %scan3A_50 = arith.constant 8 : i32
      %scan3A_51 = arith.addi %scan3A_49, %scan3A_50 : i32
      %scan3A_52 = arith.constant 1 : i32
      scf.for %scan3A_66 = %scan3A_49 to %scan3A_51 step %scan3A_52  : i32 {
        %mul3A_67 = arith.constant 1 : i32
        %mul3A_68 = arith.muli %scan3A_66, %mul3A_67 : i32
        %add3A_69 = arith.constant 0 : i32
        %add3A_70 = arith.addi %add3A_69, %mul3A_68 : i32
        %scan3A_71 = arith.constant 0 : i32
        %scan3A_72 = arith.constant 8 : i32
        %scan3A_73 = arith.addi %scan3A_71, %scan3A_72 : i32
        %scan3A_74 = arith.constant 1 : i32
        scf.for %scan3A_76 = %scan3A_71 to %scan3A_73 step %scan3A_74  : i32 {
          %mul3A_77 = arith.constant 16 : i32
          %mul3A_78 = arith.muli %scan3A_76, %mul3A_77 : i32
          %add3A_79 = arith.constant 0 : i32
          %add3A_80 = arith.addi %add3A_79, %mul3A_78 : i32
          %broadcast_in_dim3A_81 = arith.constant 0.000000e+00 : f32
          %broadcast_in_dim3A_82 = vector.broadcast %broadcast_in_dim3A_81 : f32 to vector<16xf32>
          %scan3A_83 = arith.constant 0 : i32
          %scan3A_84 = arith.constant 16 : i32
          %scan3A_85 = arith.addi %scan3A_83, %scan3A_84 : i32
          %scan3A_86 = arith.constant 1 : i32
          %scan3A_87 = scf.for %scan3A_91 = %scan3A_83 to %scan3A_85 step %scan3A_86 iter_args(%scan3A_92 = %broadcast_in_dim3A_82) -> (vector<16xf32>)  : i32 {
            %get3A = arith.index_cast %scan3A_91 : i32 to index
            %get3A_93 = arith.index_cast %add3A_70 : i32 to index
            %get3A_94 = arith.index_cast %add3A_80 : i32 to index
            %get3A_95 = tpu.vector_load %arg6[%get3A, %get3A_93, %get3A_94] {strides = array<i32>} : memref<16x8x128xf32, #tpu.memory_space<vmem>>, vector<16xf32>,
            %add3A_96 = arith.addf %scan3A_92, %get3A_95 : vector<16xf32>
            scf.yield %add3A_96 : vector<16xf32>
          }
          %scan3A_88 = arith.constant 16 : i32
          %swap3A = arith.index_cast %add3A_70 : i32 to index
          %swap3A_89 = arith.index_cast %add3A_80 : i32 to index
          %swap3A_90 = tpu.vector_load %arg7[%swap3A, %swap3A_89] {strides = array<i32>} : memref<8x128xf32, #tpu.memory_space<vmem>>, vector<16xf32>,
          tpu.vector_store %arg7[%swap3A, %swap3A_89], %scan3A_87 {strides = array<i32>} : memref<8x128xf32, #tpu.memory_space<vmem>>, vector<16xf32>,
        }
        %scan3A_75 = arith.constant 8 : i32
      }
      %scan3A_53 = arith.constant 8 : i32
      %scan3A_54 = arith.constant 0 : i32
      %scan3A_55 = arith.constant 64 : i32
      %scan3A_56 = arith.addi %scan3A_54, %scan3A_55 : i32
      %scan3A_57 = arith.constant 1 : i32
      scf.for %scan3A_66 = %scan3A_54 to %scan3A_56 step %scan3A_57  : i32 {
        %mul3A_67 = arith.constant 16 : i32
        %mul3A_68 = arith.muli %scan3A_66, %mul3A_67 : i32
        %add3A_69 = arith.constant 0 : i32
        %add3A_70 = arith.addi %add3A_69, %mul3A_68 : i32
        %shift_right_logical3A = arith.constant 7 : i32
        %shift_right_logical3A_71 = arith.shrui %add3A_70, %shift_right_logical3A : i32
        %and3A = arith.constant 127 : i32
        %and3A_72 = arith.andi %add3A_70, %and3A : i32
        %get3A = arith.index_cast %shift_right_logical3A_71 : i32 to index
        %get3A_73 = arith.index_cast %and3A_72 : i32 to index
        %get3A_74 = tpu.vector_load %arg7[%get3A, %get3A_73] {strides = array<i32>} : memref<8x128xf32, #tpu.memory_space<vmem>>, vector<16xf32>,
        %slice3A = vector.extract_strided_slice %get3A_74 {offsets = [0], sizes = [1], strides = [1]} : vector<16xf32> to vector<1xf32>
        %squeeze3A = vector.extract %slice3A[0] : f32 from vector<1xf32>
        %broadcast_in_dim3A_75 = vector.broadcast %squeeze3A : f32 to vector<16xf32>
        %add3A_76 = arith.constant 0 : i32
        %add3A_77 = arith.addi %add3A_70, %add3A_76 : i32
        %mul3A_78 = arith.constant 16 : i32
        %mul3A_79 = arith.muli %add3A_77, %mul3A_78 : i32
        %swap3A = arith.index_cast %mul3A_79 : i32 to index
        %swap3A_80 = tpu.vector_load %arg8[%swap3A] {strides = array<i32>} : memref<16384xf32, #tpu.memory_space<vmem>>, vector<16xf32>,
        tpu.vector_store %arg8[%swap3A], %broadcast_in_dim3A_75 {strides = array<i32>} : memref<16384xf32, #tpu.memory_space<vmem>>, vector<16xf32>,
        %slice3A_81 = vector.extract_strided_slice %get3A_74 {offsets = [1], sizes = [1], strides = [1]} : vector<16xf32> to vector<1xf32>
        %squeeze3A_82 = vector.extract %slice3A_81[0] : f32 from vector<1xf32>
        %broadcast_in_dim3A_83 = vector.broadcast %squeeze3A_82 : f32 to vector<16xf32>
        %add3A_84 = arith.constant 1 : i32
        %add3A_85 = arith.addi %add3A_70, %add3A_84 : i32
        %mul3A_86 = arith.constant 16 : i32
        %mul3A_87 = arith.muli %add3A_85, %mul3A_86 : i32
        %swap3A_88 = arith.index_cast %mul3A_87 : i32 to index
        %swap3A_89 = tpu.vector_load %arg8[%swap3A_88] {strides = array<i32>} : memref<16384xf32, #tpu.memory_space<vmem>>, vector<16xf32>,
        tpu.vector_store %arg8[%swap3A_88], %broadcast_in_dim3A_83 {strides = array<i32>} : memref<16384xf32, #tpu.memory_space<vmem>>, vector<16xf32>,
        %slice3A_90 = vector.extract_strided_slice %get3A_74 {offsets = [2], sizes = [1], strides = [1]} : vector<16xf32> to vector<1xf32>
        %squeeze3A_91 = vector.extract %slice3A_90[0] : f32 from vector<1xf32>
        %broadcast_in_dim3A_92 = vector.broadcast %squeeze3A_91 : f32 to vector<16xf32>
        %add3A_93 = arith.constant 2 : i32
        %add3A_94 = arith.addi %add3A_70, %add3A_93 : i32
        %mul3A_95 = arith.constant 16 : i32
        %mul3A_96 = arith.muli %add3A_94, %mul3A_95 : i32
        %swap3A_97 = arith.index_cast %mul3A_96 : i32 to index
        %swap3A_98 = tpu.vector_load %arg8[%swap3A_97] {strides = array<i32>} : memref<16384xf32, #tpu.memory_space<vmem>>, vector<16xf32>,
        tpu.vector_store %arg8[%swap3A_97], %broadcast_in_dim3A_92 {strides = array<i32>} : memref<16384xf32, #tpu.memory_space<vmem>>, vector<16xf32>,
        %slice3A_99 = vector.extract_strided_slice %get3A_74 {offsets = [3], sizes = [1], strides = [1]} : vector<16xf32> to vector<1xf32>
        %squeeze3A_100 = vector.extract %slice3A_99[0] : f32 from vector<1xf32>
        %broadcast_in_dim3A_101 = vector.broadcast %squeeze3A_100 : f32 to vector<16xf32>
        %add3A_102 = arith.constant 3 : i32
        %add3A_103 = arith.addi %add3A_70, %add3A_102 : i32
        %mul3A_104 = arith.constant 16 : i32
        %mul3A_105 = arith.muli %add3A_103, %mul3A_104 : i32
        %swap3A_106 = arith.index_cast %mul3A_105 : i32 to index
        %swap3A_107 = tpu.vector_load %arg8[%swap3A_106] {strides = array<i32>} : memref<16384xf32, #tpu.memory_space<vmem>>, vector<16xf32>,
        tpu.vector_store %arg8[%swap3A_106], %broadcast_in_dim3A_101 {strides = array<i32>} : memref<16384xf32, #tpu.memory_space<vmem>>, vector<16xf32>,
        %slice3A_108 = vector.extract_strided_slice %get3A_74 {offsets = [4], sizes = [1], strides = [1]} : vector<16xf32> to vector<1xf32>
        %squeeze3A_109 = vector.extract %slice3A_108[0] : f32 from vector<1xf32>
        %broadcast_in_dim3A_110 = vector.broadcast %squeeze3A_109 : f32 to vector<16xf32>
        %add3A_111 = arith.constant 4 : i32
        %add3A_112 = arith.addi %add3A_70, %add3A_111 : i32
        %mul3A_113 = arith.constant 16 : i32
        %mul3A_114 = arith.muli %add3A_112, %mul3A_113 : i32
        %swap3A_115 = arith.index_cast %mul3A_114 : i32 to index
        %swap3A_116 = tpu.vector_load %arg8[%swap3A_115] {strides = array<i32>} : memref<16384xf32, #tpu.memory_space<vmem>>, vector<16xf32>,
        tpu.vector_store %arg8[%swap3A_115], %broadcast_in_dim3A_110 {strides = array<i32>} : memref<16384xf32, #tpu.memory_space<vmem>>, vector<16xf32>,
        %slice3A_117 = vector.extract_strided_slice %get3A_74 {offsets = [5], sizes = [1], strides = [1]} : vector<16xf32> to vector<1xf32>
        %squeeze3A_118 = vector.extract %slice3A_117[0] : f32 from vector<1xf32>
        %broadcast_in_dim3A_119 = vector.broadcast %squeeze3A_118 : f32 to vector<16xf32>
        %add3A_120 = arith.constant 5 : i32
        %add3A_121 = arith.addi %add3A_70, %add3A_120 : i32
        %mul3A_122 = arith.constant 16 : i32
        %mul3A_123 = arith.muli %add3A_121, %mul3A_122 : i32
        %swap3A_124 = arith.index_cast %mul3A_123 : i32 to index
        %swap3A_125 = tpu.vector_load %arg8[%swap3A_124] {strides = array<i32>} : memref<16384xf32, #tpu.memory_space<vmem>>, vector<16xf32>,
        tpu.vector_store %arg8[%swap3A_124], %broadcast_in_dim3A_119 {strides = array<i32>} : memref<16384xf32, #tpu.memory_space<vmem>>, vector<16xf32>,
        %slice3A_126 = vector.extract_strided_slice %get3A_74 {offsets = [6], sizes = [1], strides = [1]} : vector<16xf32> to vector<1xf32>
        %squeeze3A_127 = vector.extract %slice3A_126[0] : f32 from vector<1xf32>
        %broadcast_in_dim3A_128 = vector.broadcast %squeeze3A_127 : f32 to vector<16xf32>
        %add3A_129 = arith.constant 6 : i32
        %add3A_130 = arith.addi %add3A_70, %add3A_129 : i32
        %mul3A_131 = arith.constant 16 : i32
        %mul3A_132 = arith.muli %add3A_130, %mul3A_131 : i32
        %swap3A_133 = arith.index_cast %mul3A_132 : i32 to index
        %swap3A_134 = tpu.vector_load %arg8[%swap3A_133] {strides = array<i32>} : memref<16384xf32, #tpu.memory_space<vmem>>, vector<16xf32>,
        tpu.vector_store %arg8[%swap3A_133], %broadcast_in_dim3A_128 {strides = array<i32>} : memref<16384xf32, #tpu.memory_space<vmem>>, vector<16xf32>,
        %slice3A_135 = vector.extract_strided_slice %get3A_74 {offsets = [7], sizes = [1], strides = [1]} : vector<16xf32> to vector<1xf32>
        %squeeze3A_136 = vector.extract %slice3A_135[0] : f32 from vector<1xf32>
        %broadcast_in_dim3A_137 = vector.broadcast %squeeze3A_136 : f32 to vector<16xf32>
        %add3A_138 = arith.constant 7 : i32
        %add3A_139 = arith.addi %add3A_70, %add3A_138 : i32
        %mul3A_140 = arith.constant 16 : i32
        %mul3A_141 = arith.muli %add3A_139, %mul3A_140 : i32
        %swap3A_142 = arith.index_cast %mul3A_141 : i32 to index
        %swap3A_143 = tpu.vector_load %arg8[%swap3A_142] {strides = array<i32>} : memref<16384xf32, #tpu.memory_space<vmem>>, vector<16xf32>,
        tpu.vector_store %arg8[%swap3A_142], %broadcast_in_dim3A_137 {strides = array<i32>} : memref<16384xf32, #tpu.memory_space<vmem>>, vector<16xf32>,
        %slice3A_144 = vector.extract_strided_slice %get3A_74 {offsets = [8], sizes = [1], strides = [1]} : vector<16xf32> to vector<1xf32>
        %squeeze3A_145 = vector.extract %slice3A_144[0] : f32 from vector<1xf32>
        %broadcast_in_dim3A_146 = vector.broadcast %squeeze3A_145 : f32 to vector<16xf32>
        %add3A_147 = arith.constant 8 : i32
        %add3A_148 = arith.addi %add3A_70, %add3A_147 : i32
        %mul3A_149 = arith.constant 16 : i32
        %mul3A_150 = arith.muli %add3A_148, %mul3A_149 : i32
        %swap3A_151 = arith.index_cast %mul3A_150 : i32 to index
        %swap3A_152 = tpu.vector_load %arg8[%swap3A_151] {strides = array<i32>} : memref<16384xf32, #tpu.memory_space<vmem>>, vector<16xf32>,
        tpu.vector_store %arg8[%swap3A_151], %broadcast_in_dim3A_146 {strides = array<i32>} : memref<16384xf32, #tpu.memory_space<vmem>>, vector<16xf32>,
        %slice3A_153 = vector.extract_strided_slice %get3A_74 {offsets = [9], sizes = [1], strides = [1]} : vector<16xf32> to vector<1xf32>
        %squeeze3A_154 = vector.extract %slice3A_153[0] : f32 from vector<1xf32>
        %broadcast_in_dim3A_155 = vector.broadcast %squeeze3A_154 : f32 to vector<16xf32>
        %add3A_156 = arith.constant 9 : i32
        %add3A_157 = arith.addi %add3A_70, %add3A_156 : i32
        %mul3A_158 = arith.constant 16 : i32
        %mul3A_159 = arith.muli %add3A_157, %mul3A_158 : i32
        %swap3A_160 = arith.index_cast %mul3A_159 : i32 to index
        %swap3A_161 = tpu.vector_load %arg8[%swap3A_160] {strides = array<i32>} : memref<16384xf32, #tpu.memory_space<vmem>>, vector<16xf32>,
        tpu.vector_store %arg8[%swap3A_160], %broadcast_in_dim3A_155 {strides = array<i32>} : memref<16384xf32, #tpu.memory_space<vmem>>, vector<16xf32>,
        %slice3A_162 = vector.extract_strided_slice %get3A_74 {offsets = [10], sizes = [1], strides = [1]} : vector<16xf32> to vector<1xf32>
        %squeeze3A_163 = vector.extract %slice3A_162[0] : f32 from vector<1xf32>
        %broadcast_in_dim3A_164 = vector.broadcast %squeeze3A_163 : f32 to vector<16xf32>
        %add3A_165 = arith.constant 10 : i32
        %add3A_166 = arith.addi %add3A_70, %add3A_165 : i32
        %mul3A_167 = arith.constant 16 : i32
        %mul3A_168 = arith.muli %add3A_166, %mul3A_167 : i32
        %swap3A_169 = arith.index_cast %mul3A_168 : i32 to index
        %swap3A_170 = tpu.vector_load %arg8[%swap3A_169] {strides = array<i32>} : memref<16384xf32, #tpu.memory_space<vmem>>, vector<16xf32>,
        tpu.vector_store %arg8[%swap3A_169], %broadcast_in_dim3A_164 {strides = array<i32>} : memref<16384xf32, #tpu.memory_space<vmem>>, vector<16xf32>,
        %slice3A_171 = vector.extract_strided_slice %get3A_74 {offsets = [11], sizes = [1], strides = [1]} : vector<16xf32> to vector<1xf32>
        %squeeze3A_172 = vector.extract %slice3A_171[0] : f32 from vector<1xf32>
        %broadcast_in_dim3A_173 = vector.broadcast %squeeze3A_172 : f32 to vector<16xf32>
        %add3A_174 = arith.constant 11 : i32
        %add3A_175 = arith.addi %add3A_70, %add3A_174 : i32
        %mul3A_176 = arith.constant 16 : i32
        %mul3A_177 = arith.muli %add3A_175, %mul3A_176 : i32
        %swap3A_178 = arith.index_cast %mul3A_177 : i32 to index
        %swap3A_179 = tpu.vector_load %arg8[%swap3A_178] {strides = array<i32>} : memref<16384xf32, #tpu.memory_space<vmem>>, vector<16xf32>,
        tpu.vector_store %arg8[%swap3A_178], %broadcast_in_dim3A_173 {strides = array<i32>} : memref<16384xf32, #tpu.memory_space<vmem>>, vector<16xf32>,
        %slice3A_180 = vector.extract_strided_slice %get3A_74 {offsets = [12], sizes = [1], strides = [1]} : vector<16xf32> to vector<1xf32>
        %squeeze3A_181 = vector.extract %slice3A_180[0] : f32 from vector<1xf32>
        %broadcast_in_dim3A_182 = vector.broadcast %squeeze3A_181 : f32 to vector<16xf32>
        %add3A_183 = arith.constant 12 : i32
        %add3A_184 = arith.addi %add3A_70, %add3A_183 : i32
        %mul3A_185 = arith.constant 16 : i32
        %mul3A_186 = arith.muli %add3A_184, %mul3A_185 : i32
        %swap3A_187 = arith.index_cast %mul3A_186 : i32 to index
        %swap3A_188 = tpu.vector_load %arg8[%swap3A_187] {strides = array<i32>} : memref<16384xf32, #tpu.memory_space<vmem>>, vector<16xf32>,
        tpu.vector_store %arg8[%swap3A_187], %broadcast_in_dim3A_182 {strides = array<i32>} : memref<16384xf32, #tpu.memory_space<vmem>>, vector<16xf32>,
        %slice3A_189 = vector.extract_strided_slice %get3A_74 {offsets = [13], sizes = [1], strides = [1]} : vector<16xf32> to vector<1xf32>
        %squeeze3A_190 = vector.extract %slice3A_189[0] : f32 from vector<1xf32>
        %broadcast_in_dim3A_191 = vector.broadcast %squeeze3A_190 : f32 to vector<16xf32>
        %add3A_192 = arith.constant 13 : i32
        %add3A_193 = arith.addi %add3A_70, %add3A_192 : i32
        %mul3A_194 = arith.constant 16 : i32
        %mul3A_195 = arith.muli %add3A_193, %mul3A_194 : i32
        %swap3A_196 = arith.index_cast %mul3A_195 : i32 to index
        %swap3A_197 = tpu.vector_load %arg8[%swap3A_196] {strides = array<i32>} : memref<16384xf32, #tpu.memory_space<vmem>>, vector<16xf32>,
        tpu.vector_store %arg8[%swap3A_196], %broadcast_in_dim3A_191 {strides = array<i32>} : memref<16384xf32, #tpu.memory_space<vmem>>, vector<16xf32>,
        %slice3A_198 = vector.extract_strided_slice %get3A_74 {offsets = [14], sizes = [1], strides = [1]} : vector<16xf32> to vector<1xf32>
        %squeeze3A_199 = vector.extract %slice3A_198[0] : f32 from vector<1xf32>
        %broadcast_in_dim3A_200 = vector.broadcast %squeeze3A_199 : f32 to vector<16xf32>
        %add3A_201 = arith.constant 14 : i32
        %add3A_202 = arith.addi %add3A_70, %add3A_201 : i32
        %mul3A_203 = arith.constant 16 : i32
        %mul3A_204 = arith.muli %add3A_202, %mul3A_203 : i32
        %swap3A_205 = arith.index_cast %mul3A_204 : i32 to index
        %swap3A_206 = tpu.vector_load %arg8[%swap3A_205] {strides = array<i32>} : memref<16384xf32, #tpu.memory_space<vmem>>, vector<16xf32>,
        tpu.vector_store %arg8[%swap3A_205], %broadcast_in_dim3A_200 {strides = array<i32>} : memref<16384xf32, #tpu.memory_space<vmem>>, vector<16xf32>,
        %slice3A_207 = vector.extract_strided_slice %get3A_74 {offsets = [15], sizes = [1], strides = [1]} : vector<16xf32> to vector<1xf32>
        %squeeze3A_208 = vector.extract %slice3A_207[0] : f32 from vector<1xf32>
        %broadcast_in_dim3A_209 = vector.broadcast %squeeze3A_208 : f32 to vector<16xf32>
        %add3A_210 = arith.constant 15 : i32
        %add3A_211 = arith.addi %add3A_70, %add3A_210 : i32
        %mul3A_212 = arith.constant 16 : i32
        %mul3A_213 = arith.muli %add3A_211, %mul3A_212 : i32
        %swap3A_214 = arith.index_cast %mul3A_213 : i32 to index
        %swap3A_215 = tpu.vector_load %arg8[%swap3A_214] {strides = array<i32>} : memref<16384xf32, #tpu.memory_space<vmem>>, vector<16xf32>,
        tpu.vector_store %arg8[%swap3A_214], %broadcast_in_dim3A_209 {strides = array<i32>} : memref<16384xf32, #tpu.memory_space<vmem>>, vector<16xf32>,
      }
      %scan3A_58 = arith.constant 64 : i32
      %mul3A_59 = arith.constant 10240 : i32
      %mul3A_60 = arith.muli %arg0, %mul3A_59 : i32
      %mul3A_61 = arith.constant 1024 : i32
      %mul3A_62 = arith.muli %arg1, %mul3A_61 : i32
      %add3A_63 = arith.addi %mul3A_60, %mul3A_62 : i32
      %mul3A_64 = arith.constant 16 : i32
      %mul3A_65 = arith.muli %add3A_63, %mul3A_64 : i32
      "tpu.region"() ({
        %run_scoped3A = tpu.sem_alloc : memref<!tpu.dma_semaphore, #tpu.memory_space<semaphore_mem>>
        %dma_start3A = tpu.memref_slice %arg3[%mul3A_65] : memref<327680xf32, #tpu.memory_space<hbm>> -> memref<16384xf32, #tpu.memory_space<hbm>>
        %dma_start3A_66 = tpu.memref_slice %arg3[%mul3A_65] : memref<327680xf32, #tpu.memory_space<hbm>> -> memref<16384xf32, #tpu.memory_space<hbm>>
        tpu.enqueue_dma source(%arg8 : memref<16384xf32, #tpu.memory_space<vmem>>) target(%dma_start3A_66 : memref<16384xf32, #tpu.memory_space<hbm>>) target_semaphore(%run_scoped3A : memref<!tpu.dma_semaphore, #tpu.memory_space<semaphore_mem>>)
        %dma_wait3A = tpu.memref_slice %arg3[%mul3A_65] : memref<327680xf32, #tpu.memory_space<hbm>> -> memref<16384xf32, #tpu.memory_space<hbm>>
        %dma_wait3A_67 = tpu.memref_slice %arg3[%mul3A_65] : memref<327680xf32, #tpu.memory_space<hbm>> -> memref<16384xf32, #tpu.memory_space<hbm>>
        tpu.wait_dma2 semaphore(%run_scoped3A : memref<!tpu.dma_semaphore, #tpu.memory_space<semaphore_mem>>) src(%arg8 : memref<16384xf32, #tpu.memory_space<vmem>>) dst(%dma_wait3A_67 : memref<16384xf32, #tpu.memory_space<hbm>>)
        tpu.yield
      }) : () -> ()
    } else {
    }
    return
  }
}

#map = affine_map<(d0, d1) -> (0, 0)>
module attributes {stable_mosaic.version = 14 : i64} {
  func.func @_sc_segsum(%arg0: i32, %arg1: i32, %arg2: memref<10000x128xf32, #tpu.memory_space<hbm>>, %arg3: memref<2624x128xi32, #tpu.memory_space<hbm>>, %arg4: memref<2624x128xi32, #tpu.memory_space<hbm>>, %arg5: memref<20224x128xf32, #tpu.memory_space<hbm>>, %arg6: memref<64x128xi32, #tpu.memory_space<vmem>>, %arg7: memref<64x128xi32, #tpu.memory_space<vmem>>, %arg8: memref<128x128xf32, #tpu.memory_space<vmem>>, %arg9: memref<128x128xf32, #tpu.memory_space<vmem>>, %arg10: memref<10112x128xf32, #tpu.memory_space<vmem_shared>>, %arg11: memref<!tpu.dma_semaphore, #tpu.memory_space<semaphore_mem>>, %arg12: memref<!tpu.dma_semaphore, #tpu.memory_space<semaphore_mem>>, %arg13: memref<!tpu.dma_semaphore, #tpu.memory_space<semaphore_mem>>, %arg14: memref<!tpu.dma_semaphore, #tpu.memory_space<semaphore_mem>>) attributes {dimension_semantics = [#tpu.dimension_semantics<core_parallel>, #tpu.dimension_semantics<subcore_parallel>], iteration_bounds = array<i64: 2, 16>, scalar_prefetch = 0 : i64, scratch_operands = 9 : i64, tpu.core_type = #tpu.core_type<sc_vector_subcore>, window_params = [{transform_indices = #map}, {transform_indices = #map}, {transform_indices = #map}, {transform_indices = #map}]} {
    %eq3A = arith.constant 0 : i32
    %eq3A_0 = arith.cmpi eq, %arg0, %eq3A : i32
    %jit3A = arith.constant 152 : i32
    %jit3A_1 = arith.constant 8 : i32
    %select_n3A = arith.select %eq3A_0, %jit3A, %jit3A_1 : i32
    %eq3A_2 = arith.constant 0 : i32
    %eq3A_3 = arith.cmpi eq, %arg0, %eq3A_2 : i32
    %mul3A = arith.constant 152 : i32
    %mul3A_4 = arith.muli %arg1, %mul3A : i32
    %mul3A_5 = arith.constant 8 : i32
    %mul3A_6 = arith.muli %arg1, %mul3A_5 : i32
    %add3A = arith.constant 2432 : i32
    %add3A_7 = arith.addi %add3A, %mul3A_6 : i32
    %select_n3A_8 = arith.select %eq3A_3, %mul3A_4, %add3A_7 : i32
    %multiple_of3A = tpu.assume_multiple %select_n3A_8, 8 : i32
    %scan3A = arith.constant 0 : i32
    %scan3A_9 = arith.constant 128 : i32
    %scan3A_10 = arith.addi %scan3A, %scan3A_9 : i32
    %scan3A_11 = arith.constant 1 : i32
    scf.for %scan3A_75 = %scan3A to %scan3A_10 step %scan3A_11  : i32 {
      %mul3A_76 = arith.constant 1 : i32
      %mul3A_77 = arith.muli %scan3A_75, %mul3A_76 : i32
      %add3A_78 = arith.constant 0 : i32
      %add3A_79 = arith.addi %add3A_78, %mul3A_77 : i32
      %scan3A_80 = arith.constant 0 : i32
      %scan3A_81 = arith.constant 8 : i32
      %scan3A_82 = arith.addi %scan3A_80, %scan3A_81 : i32
      %scan3A_83 = arith.constant 1 : i32
      scf.for %scan3A_85 = %scan3A_80 to %scan3A_82 step %scan3A_83  : i32 {
        %mul3A_86 = arith.constant 16 : i32
        %mul3A_87 = arith.muli %scan3A_85, %mul3A_86 : i32
        %add3A_88 = arith.constant 0 : i32
        %add3A_89 = arith.addi %add3A_88, %mul3A_87 : i32
        %broadcast_in_dim3A = arith.constant 0.000000e+00 : f32
        %broadcast_in_dim3A_90 = vector.broadcast %broadcast_in_dim3A : f32 to vector<1x16xf32>
        %swap3A = arith.index_cast %add3A_79 : i32 to index
        %swap3A_91 = arith.index_cast %add3A_89 : i32 to index
        %swap3A_92 = tpu.vector_load %arg8[%swap3A, %swap3A_91] {strides = array<i32>} : memref<128x128xf32, #tpu.memory_space<vmem>>, vector<1x16xf32>,
        %swap3A_93 = vector.shape_cast %swap3A_92 : vector<1x16xf32> to vector<1x16xf32>
        %swap3A_94 = vector.shape_cast %broadcast_in_dim3A_90 : vector<1x16xf32> to vector<1x16xf32>
        tpu.vector_store %arg8[%swap3A, %swap3A_91], %swap3A_94 {strides = array<i32>} : memref<128x128xf32, #tpu.memory_space<vmem>>, vector<1x16xf32>,
      }
      %scan3A_84 = arith.constant 8 : i32
    }
    %scan3A_12 = arith.constant 128 : i32
    %scan3A_13 = arith.constant 0 : i32
    %scan3A_14 = arith.constant 4 : i32
    %scan3A_15 = arith.addi %scan3A_13, %scan3A_14 : i32
    %scan3A_16 = arith.constant 1 : i32
    scf.for %scan3A_75 = %scan3A_13 to %scan3A_15 step %scan3A_16  : i32 {
      %mul3A_76 = arith.constant 1 : i32
      %mul3A_77 = arith.muli %scan3A_75, %mul3A_76 : i32
      %add3A_78 = arith.constant 0 : i32
      %add3A_79 = arith.addi %add3A_78, %mul3A_77 : i32
      %mul3A_80 = arith.constant 632 : i32
      %mul3A_81 = arith.muli %arg1, %mul3A_80 : i32
      %mul3A_82 = arith.constant 128 : i32
      %mul3A_83 = arith.muli %add3A_79, %mul3A_82 : i32
      %add3A_84 = arith.addi %mul3A_81, %mul3A_83 : i32
      "tpu.region"() ({
        %run_scoped3A = tpu.sem_alloc : memref<!tpu.dma_semaphore, #tpu.memory_space<semaphore_mem>>
        %dma_start3A_85 = arith.constant 0 : i32
        %dma_start3A_86 = tpu.memref_slice %arg10[%add3A_84, %dma_start3A_85] : memref<10112x128xf32, #tpu.memory_space<vmem_shared>> -> memref<128x128xf32, #tpu.memory_space<vmem_shared>>
        %dma_start3A_87 = arith.constant 0 : i32
        %dma_start3A_88 = tpu.memref_slice %arg10[%add3A_84, %dma_start3A_87] : memref<10112x128xf32, #tpu.memory_space<vmem_shared>> -> memref<128x128xf32, #tpu.memory_space<vmem_shared>>
        tpu.enqueue_dma source(%arg8 : memref<128x128xf32, #tpu.memory_space<vmem>>) target(%dma_start3A_88 : memref<128x128xf32, #tpu.memory_space<vmem_shared>>) target_semaphore(%run_scoped3A : memref<!tpu.dma_semaphore, #tpu.memory_space<semaphore_mem>>)
        %dma_wait3A_89 = arith.constant 0 : i32
        %dma_wait3A_90 = tpu.memref_slice %arg10[%add3A_84, %dma_wait3A_89] : memref<10112x128xf32, #tpu.memory_space<vmem_shared>> -> memref<128x128xf32, #tpu.memory_space<vmem_shared>>
        %dma_wait3A_91 = arith.constant 0 : i32
        %dma_wait3A_92 = tpu.memref_slice %arg10[%add3A_84, %dma_wait3A_91] : memref<10112x128xf32, #tpu.memory_space<vmem_shared>> -> memref<128x128xf32, #tpu.memory_space<vmem_shared>>
        tpu.wait_dma2 semaphore(%run_scoped3A : memref<!tpu.dma_semaphore, #tpu.memory_space<semaphore_mem>>) src(%arg8 : memref<128x128xf32, #tpu.memory_space<vmem>>) dst(%dma_wait3A_92 : memref<128x128xf32, #tpu.memory_space<vmem_shared>>)
        tpu.yield
      }) : () -> ()
    }
    %scan3A_17 = arith.constant 4 : i32
    %mul3A_18 = arith.constant 632 : i32
    %mul3A_19 = arith.muli %arg1, %mul3A_18 : i32
    %add3A_20 = arith.constant 512 : i32
    %add3A_21 = arith.addi %mul3A_19, %add3A_20 : i32
    "tpu.region"() ({
      %run_scoped3A = tpu.sem_alloc : memref<!tpu.dma_semaphore, #tpu.memory_space<semaphore_mem>>
      %dma_start3A_75 = arith.constant 0 : i32
      %dma_start3A_76 = arith.constant 0 : i32
      %dma_start3A_77 = tpu.memref_slice %arg8[%dma_start3A_75, %dma_start3A_76] : memref<128x128xf32, #tpu.memory_space<vmem>> -> memref<120x128xf32, #tpu.memory_space<vmem>>
      %dma_start3A_78 = arith.constant 0 : i32
      %dma_start3A_79 = tpu.memref_slice %arg10[%add3A_21, %dma_start3A_78] : memref<10112x128xf32, #tpu.memory_space<vmem_shared>> -> memref<120x128xf32, #tpu.memory_space<vmem_shared>>
      %dma_start3A_80 = arith.constant 0 : i32
      %dma_start3A_81 = tpu.memref_slice %arg10[%add3A_21, %dma_start3A_80] : memref<10112x128xf32, #tpu.memory_space<vmem_shared>> -> memref<120x128xf32, #tpu.memory_space<vmem_shared>>
      %dma_start3A_82 = arith.constant 0 : i32
      %dma_start3A_83 = arith.constant 0 : i32
      %dma_start3A_84 = tpu.memref_slice %arg8[%dma_start3A_82, %dma_start3A_83] : memref<128x128xf32, #tpu.memory_space<vmem>> -> memref<120x128xf32, #tpu.memory_space<vmem>>
      tpu.enqueue_dma source(%dma_start3A_84 : memref<120x128xf32, #tpu.memory_space<vmem>>) target(%dma_start3A_81 : memref<120x128xf32, #tpu.memory_space<vmem_shared>>) target_semaphore(%run_scoped3A : memref<!tpu.dma_semaphore, #tpu.memory_space<semaphore_mem>>)
      %dma_wait3A_85 = arith.constant 0 : i32
      %dma_wait3A_86 = arith.constant 0 : i32
      %dma_wait3A_87 = tpu.memref_slice %arg8[%dma_wait3A_85, %dma_wait3A_86] : memref<128x128xf32, #tpu.memory_space<vmem>> -> memref<120x128xf32, #tpu.memory_space<vmem>>
      %dma_wait3A_88 = arith.constant 0 : i32
      %dma_wait3A_89 = tpu.memref_slice %arg10[%add3A_21, %dma_wait3A_88] : memref<10112x128xf32, #tpu.memory_space<vmem_shared>> -> memref<120x128xf32, #tpu.memory_space<vmem_shared>>
      %dma_wait3A_90 = arith.constant 0 : i32
      %dma_wait3A_91 = tpu.memref_slice %arg10[%add3A_21, %dma_wait3A_90] : memref<10112x128xf32, #tpu.memory_space<vmem_shared>> -> memref<120x128xf32, #tpu.memory_space<vmem_shared>>
      %dma_wait3A_92 = arith.constant 0 : i32
      %dma_wait3A_93 = arith.constant 0 : i32
      %dma_wait3A_94 = tpu.memref_slice %arg8[%dma_wait3A_92, %dma_wait3A_93] : memref<128x128xf32, #tpu.memory_space<vmem>> -> memref<120x128xf32, #tpu.memory_space<vmem>>
      tpu.wait_dma2 semaphore(%run_scoped3A : memref<!tpu.dma_semaphore, #tpu.memory_space<semaphore_mem>>) src(%dma_wait3A_94 : memref<120x128xf32, #tpu.memory_space<vmem>>) dst(%dma_wait3A_91 : memref<120x128xf32, #tpu.memory_space<vmem_shared>>)
      tpu.yield
    }) : () -> ()
    "tpu.region"() ({
      %run_scoped3A = tpu.sem_alloc : memref<!tpu.dma_semaphore, #tpu.memory_space<semaphore_mem>>
      %dma_start3A_75 = arith.constant 0 : i32
      %dma_start3A_76 = tpu.memref_slice %arg3[%multiple_of3A, %dma_start3A_75] : memref<2624x128xi32, #tpu.memory_space<hbm>> -> memref<64x128xi32, #tpu.memory_space<hbm>>
      %dma_start3A_77 = arith.constant 0 : i32
      %dma_start3A_78 = tpu.memref_slice %arg3[%multiple_of3A, %dma_start3A_77] : memref<2624x128xi32, #tpu.memory_space<hbm>> -> memref<64x128xi32, #tpu.memory_space<hbm>>
      tpu.enqueue_dma source(%dma_start3A_78 : memref<64x128xi32, #tpu.memory_space<hbm>>) target(%arg6 : memref<64x128xi32, #tpu.memory_space<vmem>>) target_semaphore(%run_scoped3A : memref<!tpu.dma_semaphore, #tpu.memory_space<semaphore_mem>>)
      %dma_wait3A_79 = arith.constant 0 : i32
      %dma_wait3A_80 = tpu.memref_slice %arg3[%multiple_of3A, %dma_wait3A_79] : memref<2624x128xi32, #tpu.memory_space<hbm>> -> memref<64x128xi32, #tpu.memory_space<hbm>>
      %dma_wait3A_81 = arith.constant 0 : i32
      %dma_wait3A_82 = tpu.memref_slice %arg3[%multiple_of3A, %dma_wait3A_81] : memref<2624x128xi32, #tpu.memory_space<hbm>> -> memref<64x128xi32, #tpu.memory_space<hbm>>
      tpu.wait_dma2 semaphore(%run_scoped3A : memref<!tpu.dma_semaphore, #tpu.memory_space<semaphore_mem>>) src(%dma_wait3A_82 : memref<64x128xi32, #tpu.memory_space<hbm>>) dst(%arg6 : memref<64x128xi32, #tpu.memory_space<vmem>>)
      tpu.yield
    }) : () -> ()
    "tpu.region"() ({
      %run_scoped3A = tpu.sem_alloc : memref<!tpu.dma_semaphore, #tpu.memory_space<semaphore_mem>>
      %dma_start3A_75 = arith.constant 0 : i32
      %dma_start3A_76 = tpu.memref_slice %arg4[%multiple_of3A, %dma_start3A_75] : memref<2624x128xi32, #tpu.memory_space<hbm>> -> memref<64x128xi32, #tpu.memory_space<hbm>>
      %dma_start3A_77 = arith.constant 0 : i32
      %dma_start3A_78 = tpu.memref_slice %arg4[%multiple_of3A, %dma_start3A_77] : memref<2624x128xi32, #tpu.memory_space<hbm>> -> memref<64x128xi32, #tpu.memory_space<hbm>>
      tpu.enqueue_dma source(%dma_start3A_78 : memref<64x128xi32, #tpu.memory_space<hbm>>) target(%arg7 : memref<64x128xi32, #tpu.memory_space<vmem>>) target_semaphore(%run_scoped3A : memref<!tpu.dma_semaphore, #tpu.memory_space<semaphore_mem>>)
      %dma_wait3A_79 = arith.constant 0 : i32
      %dma_wait3A_80 = tpu.memref_slice %arg4[%multiple_of3A, %dma_wait3A_79] : memref<2624x128xi32, #tpu.memory_space<hbm>> -> memref<64x128xi32, #tpu.memory_space<hbm>>
      %dma_wait3A_81 = arith.constant 0 : i32
      %dma_wait3A_82 = tpu.memref_slice %arg4[%multiple_of3A, %dma_wait3A_81] : memref<2624x128xi32, #tpu.memory_space<hbm>> -> memref<64x128xi32, #tpu.memory_space<hbm>>
      tpu.wait_dma2 semaphore(%run_scoped3A : memref<!tpu.dma_semaphore, #tpu.memory_space<semaphore_mem>>) src(%dma_wait3A_82 : memref<64x128xi32, #tpu.memory_space<hbm>>) dst(%arg7 : memref<64x128xi32, #tpu.memory_space<vmem>>)
      tpu.yield
    }) : () -> ()
    %barrier3A = arith.constant 0 : index
    tpu.barrier barrier_id(%barrier3A)
    %dma_start3A = arith.constant 0 : i32
    %dma_start3A_22 = arith.constant 0 : i32
    %dma_start3A_23 = tpu.memref_slice %arg6[%dma_start3A, %dma_start3A_22] : memref<64x128xi32, #tpu.memory_space<vmem>> -> memref<1x128xi32, #tpu.memory_space<vmem>>
    %dma_start3A_24 = tpu.memref_squeeze %dma_start3A_23 : memref<1x128xi32, #tpu.memory_space<vmem>> -> memref<128xi32, #tpu.memory_space<vmem>>
    %dma_start3A_25 = arith.constant 0 : i32
    %dma_start3A_26 = arith.constant 0 : i32
    %dma_start3A_27 = tpu.memref_slice %arg2[%dma_start3A_25, %dma_start3A_26] : memref<10000x128xf32, #tpu.memory_space<hbm>> -> memref<10000x128xf32, #tpu.memory_space<hbm>>
    tpu.enqueue_indirect_dma source(%dma_start3A_27 : memref<10000x128xf32, #tpu.memory_space<hbm>>) target(%arg8 : memref<128x128xf32, #tpu.memory_space<vmem>>) offsets(%dma_start3A_24 : memref<128xi32, #tpu.memory_space<vmem>>) semaphore(%arg11 : memref<!tpu.dma_semaphore, #tpu.memory_space<semaphore_mem>>)
    %dma_start3A_28 = arith.constant 1 : i32
    %dma_start3A_29 = arith.constant 0 : i32
    %dma_start3A_30 = tpu.memref_slice %arg6[%dma_start3A_28, %dma_start3A_29] : memref<64x128xi32, #tpu.memory_space<vmem>> -> memref<1x128xi32, #tpu.memory_space<vmem>>
    %dma_start3A_31 = tpu.memref_squeeze %dma_start3A_30 : memref<1x128xi32, #tpu.memory_space<vmem>> -> memref<128xi32, #tpu.memory_space<vmem>>
    %dma_start3A_32 = arith.constant 0 : i32
    %dma_start3A_33 = arith.constant 0 : i32
    %dma_start3A_34 = tpu.memref_slice %arg2[%dma_start3A_32, %dma_start3A_33] : memref<10000x128xf32, #tpu.memory_space<hbm>> -> memref<10000x128xf32, #tpu.memory_space<hbm>>
    tpu.enqueue_indirect_dma source(%dma_start3A_34 : memref<10000x128xf32, #tpu.memory_space<hbm>>) target(%arg9 : memref<128x128xf32, #tpu.memory_space<vmem>>) offsets(%dma_start3A_31 : memref<128xi32, #tpu.memory_space<vmem>>) semaphore(%arg12 : memref<!tpu.dma_semaphore, #tpu.memory_space<semaphore_mem>>)
    %sub3A = arith.constant 0 : i32
    %sub3A_35 = arith.subi %select_n3A, %sub3A : i32
    %sub3A_36 = arith.constant 2 : i32
    %sub3A_37 = arith.constant 1 : i32
    %sub3A_38 = arith.subi %sub3A_36, %sub3A_37 : i32
    %add3A_39 = arith.addi %sub3A_35, %sub3A_38 : i32
    %div3A = arith.constant 2 : i32
    %div3A_40 = arith.divsi %add3A_39, %div3A : i32
    %while3A = arith.constant 2 : i32
    %while3A_41 = arith.constant 0 : i32
    %while3A_42 = arith.constant 0 : i32
    %while3A_43 = arith.subi %div3A_40, %while3A_42 : i32
    %while3A_44 = arith.addi %while3A_42, %while3A_43 : i32
    %while3A_45 = arith.constant 1 : i32
    %while3A_46 = arith.divsi %while3A_43, %while3A_45 : i32
    %while3A_47 = arith.muli %while3A_46, %while3A_45 : i32
    %while3A_48 = arith.addi %while3A_42, %while3A_47 : i32
    %while3A_49 = arith.constant 1 : i32
    scf.for %while3A_75 = %while3A_42 to %while3A_48 step %while3A_49  : i32 {
      %mul3A_76 = arith.muli %while3A_75, %while3A : i32
      %add3A_77 = arith.addi %while3A_41, %mul3A_76 : i32
      %rem3A_78 = arith.constant 64 : i32
      %rem3A_79 = arith.remsi %add3A_77, %rem3A_78 : i32
      %dma_wait3A_80 = arith.constant 0 : i32
      %dma_wait3A_81 = arith.constant 0 : i32
      %dma_wait3A_82 = tpu.memref_slice %arg6[%dma_wait3A_80, %dma_wait3A_81] : memref<64x128xi32, #tpu.memory_space<vmem>> -> memref<1x128xi32, #tpu.memory_space<vmem>>
      %dma_wait3A_83 = tpu.memref_squeeze %dma_wait3A_82 : memref<1x128xi32, #tpu.memory_space<vmem>> -> memref<128xi32, #tpu.memory_space<vmem>>
      %dma_wait3A_84 = arith.constant 0 : i32
      %dma_wait3A_85 = arith.constant 0 : i32
      %dma_wait3A_86 = tpu.memref_slice %arg2[%dma_wait3A_84, %dma_wait3A_85] : memref<10000x128xf32, #tpu.memory_space<hbm>> -> memref<10000x128xf32, #tpu.memory_space<hbm>>
      tpu.wait_indirect_dma semaphore(%arg11 : memref<!tpu.dma_semaphore, #tpu.memory_space<semaphore_mem>>) src(%dma_wait3A_86 : memref<10000x128xf32, #tpu.memory_space<hbm>>) dst(%arg8 : memref<128x128xf32, #tpu.memory_space<vmem>>)
      %dma_start3A_87 = arith.constant 0 : i32
      %dma_start3A_88 = tpu.memref_slice %arg7[%rem3A_79, %dma_start3A_87] : memref<64x128xi32, #tpu.memory_space<vmem>> -> memref<1x128xi32, #tpu.memory_space<vmem>>
      %dma_start3A_89 = tpu.memref_squeeze %dma_start3A_88 : memref<1x128xi32, #tpu.memory_space<vmem>> -> memref<128xi32, #tpu.memory_space<vmem>>
      %dma_start3A_90 = arith.constant 0 : i32
      %dma_start3A_91 = arith.constant 0 : i32
      %dma_start3A_92 = tpu.memref_slice %arg10[%dma_start3A_90, %dma_start3A_91] : memref<10112x128xf32, #tpu.memory_space<vmem_shared>> -> memref<10112x128xf32, #tpu.memory_space<vmem_shared>>
      tpu.enqueue_indirect_dma source(%arg8 : memref<128x128xf32, #tpu.memory_space<vmem>>) target(%dma_start3A_92 : memref<10112x128xf32, #tpu.memory_space<vmem_shared>>) offsets(%dma_start3A_89 : memref<128xi32, #tpu.memory_space<vmem>>) semaphore(%arg13 : memref<!tpu.dma_semaphore, #tpu.memory_space<semaphore_mem>>) {add = true}
      %dma_wait3A_93 = arith.constant 0 : i32
      %dma_wait3A_94 = arith.constant 0 : i32
      %dma_wait3A_95 = tpu.memref_slice %arg6[%dma_wait3A_93, %dma_wait3A_94] : memref<64x128xi32, #tpu.memory_space<vmem>> -> memref<1x128xi32, #tpu.memory_space<vmem>>
      %dma_wait3A_96 = tpu.memref_squeeze %dma_wait3A_95 : memref<1x128xi32, #tpu.memory_space<vmem>> -> memref<128xi32, #tpu.memory_space<vmem>>
      %dma_wait3A_97 = arith.constant 0 : i32
      %dma_wait3A_98 = arith.constant 0 : i32
      %dma_wait3A_99 = tpu.memref_slice %arg2[%dma_wait3A_97, %dma_wait3A_98] : memref<10000x128xf32, #tpu.memory_space<hbm>> -> memref<10000x128xf32, #tpu.memory_space<hbm>>
      tpu.wait_indirect_dma semaphore(%arg12 : memref<!tpu.dma_semaphore, #tpu.memory_space<semaphore_mem>>) src(%dma_wait3A_99 : memref<10000x128xf32, #tpu.memory_space<hbm>>) dst(%arg9 : memref<128x128xf32, #tpu.memory_space<vmem>>)
      %add3A_100 = arith.constant 1 : i32
      %add3A_101 = arith.addi %rem3A_79, %add3A_100 : i32
      %dma_start3A_102 = arith.constant 0 : i32
      %dma_start3A_103 = tpu.memref_slice %arg7[%add3A_101, %dma_start3A_102] : memref<64x128xi32, #tpu.memory_space<vmem>> -> memref<1x128xi32, #tpu.memory_space<vmem>>
      %dma_start3A_104 = tpu.memref_squeeze %dma_start3A_103 : memref<1x128xi32, #tpu.memory_space<vmem>> -> memref<128xi32, #tpu.memory_space<vmem>>
      %dma_start3A_105 = arith.constant 0 : i32
      %dma_start3A_106 = arith.constant 0 : i32
      %dma_start3A_107 = tpu.memref_slice %arg10[%dma_start3A_105, %dma_start3A_106] : memref<10112x128xf32, #tpu.memory_space<vmem_shared>> -> memref<10112x128xf32, #tpu.memory_space<vmem_shared>>
      tpu.enqueue_indirect_dma source(%arg9 : memref<128x128xf32, #tpu.memory_space<vmem>>) target(%dma_start3A_107 : memref<10112x128xf32, #tpu.memory_space<vmem_shared>>) offsets(%dma_start3A_104 : memref<128xi32, #tpu.memory_space<vmem>>) semaphore(%arg14 : memref<!tpu.dma_semaphore, #tpu.memory_space<semaphore_mem>>) {add = true}
      %add3A_108 = arith.constant 2 : i32
      %add3A_109 = arith.addi %add3A_77, %add3A_108 : i32
      %lt3A = arith.cmpi slt, %add3A_109, %select_n3A : i32
      %convert_element_type3A = arith.extui %lt3A : i1 to i32
      %cond3A = arith.constant 0 : i32
      %cond3A_110 = arith.cmpi ne, %convert_element_type3A, %cond3A : i32
      scf.if %cond3A_110 {
        %add3A_111 = arith.constant 2 : i32
        %add3A_112 = arith.addi %add3A_77, %add3A_111 : i32
        %rem3A_113 = arith.constant 64 : i32
        %rem3A_114 = arith.remsi %add3A_112, %rem3A_113 : i32
        %dma_wait3A_115 = arith.constant 0 : i32
        %dma_wait3A_116 = tpu.memref_slice %arg7[%rem3A_79, %dma_wait3A_115] : memref<64x128xi32, #tpu.memory_space<vmem>> -> memref<1x128xi32, #tpu.memory_space<vmem>>
        %dma_wait3A_117 = tpu.memref_squeeze %dma_wait3A_116 : memref<1x128xi32, #tpu.memory_space<vmem>> -> memref<128xi32, #tpu.memory_space<vmem>>
        %dma_wait3A_118 = arith.constant 0 : i32
        %dma_wait3A_119 = arith.constant 0 : i32
        %dma_wait3A_120 = tpu.memref_slice %arg10[%dma_wait3A_118, %dma_wait3A_119] : memref<10112x128xf32, #tpu.memory_space<vmem_shared>> -> memref<10112x128xf32, #tpu.memory_space<vmem_shared>>
        tpu.wait_indirect_dma semaphore(%arg13 : memref<!tpu.dma_semaphore, #tpu.memory_space<semaphore_mem>>) src(%arg8 : memref<128x128xf32, #tpu.memory_space<vmem>>) dst(%dma_wait3A_120 : memref<10112x128xf32, #tpu.memory_space<vmem_shared>>)
        %add3A_121 = arith.constant 1 : i32
        %add3A_122 = arith.addi %rem3A_79, %add3A_121 : i32
        %dma_wait3A_123 = arith.constant 0 : i32
        %dma_wait3A_124 = tpu.memref_slice %arg7[%add3A_122, %dma_wait3A_123] : memref<64x128xi32, #tpu.memory_space<vmem>> -> memref<1x128xi32, #tpu.memory_space<vmem>>
        %dma_wait3A_125 = tpu.memref_squeeze %dma_wait3A_124 : memref<1x128xi32, #tpu.memory_space<vmem>> -> memref<128xi32, #tpu.memory_space<vmem>>
        %dma_wait3A_126 = arith.constant 0 : i32
        %dma_wait3A_127 = arith.constant 0 : i32
        %dma_wait3A_128 = tpu.memref_slice %arg10[%dma_wait3A_126, %dma_wait3A_127] : memref<10112x128xf32, #tpu.memory_space<vmem_shared>> -> memref<10112x128xf32, #tpu.memory_space<vmem_shared>>
        tpu.wait_indirect_dma semaphore(%arg14 : memref<!tpu.dma_semaphore, #tpu.memory_space<semaphore_mem>>) src(%arg9 : memref<128x128xf32, #tpu.memory_space<vmem>>) dst(%dma_wait3A_128 : memref<10112x128xf32, #tpu.memory_space<vmem_shared>>)
        %eq3A_129 = arith.constant 0 : i32
        %eq3A_130 = arith.cmpi eq, %rem3A_114, %eq3A_129 : i32
        %convert_element_type3A_131 = arith.extui %eq3A_130 : i1 to i32
        %cond3A_132 = arith.constant 0 : i32
        %cond3A_133 = arith.cmpi ne, %convert_element_type3A_131, %cond3A_132 : i32
        scf.if %cond3A_133 {
          %add3A_148 = arith.addi %multiple_of3A, %add3A_77 : i32
          %add3A_149 = arith.constant 2 : i32
          %add3A_150 = arith.addi %add3A_148, %add3A_149 : i32
          %multiple_of3A_151 = tpu.assume_multiple %add3A_150, 8 : i32
          "tpu.region"() ({
            %run_scoped3A = tpu.sem_alloc : memref<!tpu.dma_semaphore, #tpu.memory_space<semaphore_mem>>
            %dma_start3A_152 = arith.constant 0 : i32
            %dma_start3A_153 = tpu.memref_slice %arg3[%multiple_of3A_151, %dma_start3A_152] : memref<2624x128xi32, #tpu.memory_space<hbm>> -> memref<64x128xi32, #tpu.memory_space<hbm>>
            %dma_start3A_154 = arith.constant 0 : i32
            %dma_start3A_155 = tpu.memref_slice %arg3[%multiple_of3A_151, %dma_start3A_154] : memref<2624x128xi32, #tpu.memory_space<hbm>> -> memref<64x128xi32, #tpu.memory_space<hbm>>
            tpu.enqueue_dma source(%dma_start3A_155 : memref<64x128xi32, #tpu.memory_space<hbm>>) target(%arg6 : memref<64x128xi32, #tpu.memory_space<vmem>>) target_semaphore(%run_scoped3A : memref<!tpu.dma_semaphore, #tpu.memory_space<semaphore_mem>>)
            %dma_wait3A_156 = arith.constant 0 : i32
            %dma_wait3A_157 = tpu.memref_slice %arg3[%multiple_of3A_151, %dma_wait3A_156] : memref<2624x128xi32, #tpu.memory_space<hbm>> -> memref<64x128xi32, #tpu.memory_space<hbm>>
            %dma_wait3A_158 = arith.constant 0 : i32
            %dma_wait3A_159 = tpu.memref_slice %arg3[%multiple_of3A_151, %dma_wait3A_158] : memref<2624x128xi32, #tpu.memory_space<hbm>> -> memref<64x128xi32, #tpu.memory_space<hbm>>
            tpu.wait_dma2 semaphore(%run_scoped3A : memref<!tpu.dma_semaphore, #tpu.memory_space<semaphore_mem>>) src(%dma_wait3A_159 : memref<64x128xi32, #tpu.memory_space<hbm>>) dst(%arg6 : memref<64x128xi32, #tpu.memory_space<vmem>>)
            tpu.yield
          }) : () -> ()
          "tpu.region"() ({
            %run_scoped3A = tpu.sem_alloc : memref<!tpu.dma_semaphore, #tpu.memory_space<semaphore_mem>>
            %dma_start3A_152 = arith.constant 0 : i32
            %dma_start3A_153 = tpu.memref_slice %arg4[%multiple_of3A_151, %dma_start3A_152] : memref<2624x128xi32, #tpu.memory_space<hbm>> -> memref<64x128xi32, #tpu.memory_space<hbm>>
            %dma_start3A_154 = arith.constant 0 : i32
            %dma_start3A_155 = tpu.memref_slice %arg4[%multiple_of3A_151, %dma_start3A_154] : memref<2624x128xi32, #tpu.memory_space<hbm>> -> memref<64x128xi32, #tpu.memory_space<hbm>>
            tpu.enqueue_dma source(%dma_start3A_155 : memref<64x128xi32, #tpu.memory_space<hbm>>) target(%arg7 : memref<64x128xi32, #tpu.memory_space<vmem>>) target_semaphore(%run_scoped3A : memref<!tpu.dma_semaphore, #tpu.memory_space<semaphore_mem>>)
            %dma_wait3A_156 = arith.constant 0 : i32
            %dma_wait3A_157 = tpu.memref_slice %arg4[%multiple_of3A_151, %dma_wait3A_156] : memref<2624x128xi32, #tpu.memory_space<hbm>> -> memref<64x128xi32, #tpu.memory_space<hbm>>
            %dma_wait3A_158 = arith.constant 0 : i32
            %dma_wait3A_159 = tpu.memref_slice %arg4[%multiple_of3A_151, %dma_wait3A_158] : memref<2624x128xi32, #tpu.memory_space<hbm>> -> memref<64x128xi32, #tpu.memory_space<hbm>>
            tpu.wait_dma2 semaphore(%run_scoped3A : memref<!tpu.dma_semaphore, #tpu.memory_space<semaphore_mem>>) src(%dma_wait3A_159 : memref<64x128xi32, #tpu.memory_space<hbm>>) dst(%arg7 : memref<64x128xi32, #tpu.memory_space<vmem>>)
            tpu.yield
          }) : () -> ()
        } else {
        }
        %dma_start3A_134 = arith.constant 0 : i32
        %dma_start3A_135 = tpu.memref_slice %arg6[%rem3A_114, %dma_start3A_134] : memref<64x128xi32, #tpu.memory_space<vmem>> -> memref<1x128xi32, #tpu.memory_space<vmem>>
        %dma_start3A_136 = tpu.memref_squeeze %dma_start3A_135 : memref<1x128xi32, #tpu.memory_space<vmem>> -> memref<128xi32, #tpu.memory_space<vmem>>
        %dma_start3A_137 = arith.constant 0 : i32
        %dma_start3A_138 = arith.constant 0 : i32
        %dma_start3A_139 = tpu.memref_slice %arg2[%dma_start3A_137, %dma_start3A_138] : memref<10000x128xf32, #tpu.memory_space<hbm>> -> memref<10000x128xf32, #tpu.memory_space<hbm>>
        tpu.enqueue_indirect_dma source(%dma_start3A_139 : memref<10000x128xf32, #tpu.memory_space<hbm>>) target(%arg8 : memref<128x128xf32, #tpu.memory_space<vmem>>) offsets(%dma_start3A_136 : memref<128xi32, #tpu.memory_space<vmem>>) semaphore(%arg11 : memref<!tpu.dma_semaphore, #tpu.memory_space<semaphore_mem>>)
        %add3A_140 = arith.constant 1 : i32
        %add3A_141 = arith.addi %rem3A_114, %add3A_140 : i32
        %dma_start3A_142 = arith.constant 0 : i32
        %dma_start3A_143 = tpu.memref_slice %arg6[%add3A_141, %dma_start3A_142] : memref<64x128xi32, #tpu.memory_space<vmem>> -> memref<1x128xi32, #tpu.memory_space<vmem>>
        %dma_start3A_144 = tpu.memref_squeeze %dma_start3A_143 : memref<1x128xi32, #tpu.memory_space<vmem>> -> memref<128xi32, #tpu.memory_space<vmem>>
        %dma_start3A_145 = arith.constant 0 : i32
        %dma_start3A_146 = arith.constant 0 : i32
        %dma_start3A_147 = tpu.memref_slice %arg2[%dma_start3A_145, %dma_start3A_146] : memref<10000x128xf32, #tpu.memory_space<hbm>> -> memref<10000x128xf32, #tpu.memory_space<hbm>>
        tpu.enqueue_indirect_dma source(%dma_start3A_147 : memref<10000x128xf32, #tpu.memory_space<hbm>>) target(%arg9 : memref<128x128xf32, #tpu.memory_space<vmem>>) offsets(%dma_start3A_144 : memref<128xi32, #tpu.memory_space<vmem>>) semaphore(%arg12 : memref<!tpu.dma_semaphore, #tpu.memory_space<semaphore_mem>>)
      } else {
      }
    }
    %while3A_50 = arith.constant 1 : i32
    scf.for %while3A_75 = %while3A_48 to %while3A_44 step %while3A_50  : i32 {
      %mul3A_76 = arith.muli %while3A_75, %while3A : i32
      %add3A_77 = arith.addi %while3A_41, %mul3A_76 : i32
      %rem3A_78 = arith.constant 64 : i32
      %rem3A_79 = arith.remsi %add3A_77, %rem3A_78 : i32
      %dma_wait3A_80 = arith.constant 0 : i32
      %dma_wait3A_81 = arith.constant 0 : i32
      %dma_wait3A_82 = tpu.memref_slice %arg6[%dma_wait3A_80, %dma_wait3A_81] : memref<64x128xi32, #tpu.memory_space<vmem>> -> memref<1x128xi32, #tpu.memory_space<vmem>>
      %dma_wait3A_83 = tpu.memref_squeeze %dma_wait3A_82 : memref<1x128xi32, #tpu.memory_space<vmem>> -> memref<128xi32, #tpu.memory_space<vmem>>
      %dma_wait3A_84 = arith.constant 0 : i32
      %dma_wait3A_85 = arith.constant 0 : i32
      %dma_wait3A_86 = tpu.memref_slice %arg2[%dma_wait3A_84, %dma_wait3A_85] : memref<10000x128xf32, #tpu.memory_space<hbm>> -> memref<10000x128xf32, #tpu.memory_space<hbm>>
      tpu.wait_indirect_dma semaphore(%arg11 : memref<!tpu.dma_semaphore, #tpu.memory_space<semaphore_mem>>) src(%dma_wait3A_86 : memref<10000x128xf32, #tpu.memory_space<hbm>>) dst(%arg8 : memref<128x128xf32, #tpu.memory_space<vmem>>)
      %dma_start3A_87 = arith.constant 0 : i32
      %dma_start3A_88 = tpu.memref_slice %arg7[%rem3A_79, %dma_start3A_87] : memref<64x128xi32, #tpu.memory_space<vmem>> -> memref<1x128xi32, #tpu.memory_space<vmem>>
      %dma_start3A_89 = tpu.memref_squeeze %dma_start3A_88 : memref<1x128xi32, #tpu.memory_space<vmem>> -> memref<128xi32, #tpu.memory_space<vmem>>
      %dma_start3A_90 = arith.constant 0 : i32
      %dma_start3A_91 = arith.constant 0 : i32
      %dma_start3A_92 = tpu.memref_slice %arg10[%dma_start3A_90, %dma_start3A_91] : memref<10112x128xf32, #tpu.memory_space<vmem_shared>> -> memref<10112x128xf32, #tpu.memory_space<vmem_shared>>
      tpu.enqueue_indirect_dma source(%arg8 : memref<128x128xf32, #tpu.memory_space<vmem>>) target(%dma_start3A_92 : memref<10112x128xf32, #tpu.memory_space<vmem_shared>>) offsets(%dma_start3A_89 : memref<128xi32, #tpu.memory_space<vmem>>) semaphore(%arg13 : memref<!tpu.dma_semaphore, #tpu.memory_space<semaphore_mem>>) {add = true}
      %dma_wait3A_93 = arith.constant 0 : i32
      %dma_wait3A_94 = arith.constant 0 : i32
      %dma_wait3A_95 = tpu.memref_slice %arg6[%dma_wait3A_93, %dma_wait3A_94] : memref<64x128xi32, #tpu.memory_space<vmem>> -> memref<1x128xi32, #tpu.memory_space<vmem>>
      %dma_wait3A_96 = tpu.memref_squeeze %dma_wait3A_95 : memref<1x128xi32, #tpu.memory_space<vmem>> -> memref<128xi32, #tpu.memory_space<vmem>>
      %dma_wait3A_97 = arith.constant 0 : i32
      %dma_wait3A_98 = arith.constant 0 : i32
      %dma_wait3A_99 = tpu.memref_slice %arg2[%dma_wait3A_97, %dma_wait3A_98] : memref<10000x128xf32, #tpu.memory_space<hbm>> -> memref<10000x128xf32, #tpu.memory_space<hbm>>
      tpu.wait_indirect_dma semaphore(%arg12 : memref<!tpu.dma_semaphore, #tpu.memory_space<semaphore_mem>>) src(%dma_wait3A_99 : memref<10000x128xf32, #tpu.memory_space<hbm>>) dst(%arg9 : memref<128x128xf32, #tpu.memory_space<vmem>>)
      %add3A_100 = arith.constant 1 : i32
      %add3A_101 = arith.addi %rem3A_79, %add3A_100 : i32
      %dma_start3A_102 = arith.constant 0 : i32
      %dma_start3A_103 = tpu.memref_slice %arg7[%add3A_101, %dma_start3A_102] : memref<64x128xi32, #tpu.memory_space<vmem>> -> memref<1x128xi32, #tpu.memory_space<vmem>>
      %dma_start3A_104 = tpu.memref_squeeze %dma_start3A_103 : memref<1x128xi32, #tpu.memory_space<vmem>> -> memref<128xi32, #tpu.memory_space<vmem>>
      %dma_start3A_105 = arith.constant 0 : i32
      %dma_start3A_106 = arith.constant 0 : i32
      %dma_start3A_107 = tpu.memref_slice %arg10[%dma_start3A_105, %dma_start3A_106] : memref<10112x128xf32, #tpu.memory_space<vmem_shared>> -> memref<10112x128xf32, #tpu.memory_space<vmem_shared>>
      tpu.enqueue_indirect_dma source(%arg9 : memref<128x128xf32, #tpu.memory_space<vmem>>) target(%dma_start3A_107 : memref<10112x128xf32, #tpu.memory_space<vmem_shared>>) offsets(%dma_start3A_104 : memref<128xi32, #tpu.memory_space<vmem>>) semaphore(%arg14 : memref<!tpu.dma_semaphore, #tpu.memory_space<semaphore_mem>>) {add = true}
      %add3A_108 = arith.constant 2 : i32
      %add3A_109 = arith.addi %add3A_77, %add3A_108 : i32
      %lt3A = arith.cmpi slt, %add3A_109, %select_n3A : i32
      %convert_element_type3A = arith.extui %lt3A : i1 to i32
      %cond3A = arith.constant 0 : i32
      %cond3A_110 = arith.cmpi ne, %convert_element_type3A, %cond3A : i32
      scf.if %cond3A_110 {
        %add3A_111 = arith.constant 2 : i32
        %add3A_112 = arith.addi %add3A_77, %add3A_111 : i32
        %rem3A_113 = arith.constant 64 : i32
        %rem3A_114 = arith.remsi %add3A_112, %rem3A_113 : i32
        %dma_wait3A_115 = arith.constant 0 : i32
        %dma_wait3A_116 = tpu.memref_slice %arg7[%rem3A_79, %dma_wait3A_115] : memref<64x128xi32, #tpu.memory_space<vmem>> -> memref<1x128xi32, #tpu.memory_space<vmem>>
        %dma_wait3A_117 = tpu.memref_squeeze %dma_wait3A_116 : memref<1x128xi32, #tpu.memory_space<vmem>> -> memref<128xi32, #tpu.memory_space<vmem>>
        %dma_wait3A_118 = arith.constant 0 : i32
        %dma_wait3A_119 = arith.constant 0 : i32
        %dma_wait3A_120 = tpu.memref_slice %arg10[%dma_wait3A_118, %dma_wait3A_119] : memref<10112x128xf32, #tpu.memory_space<vmem_shared>> -> memref<10112x128xf32, #tpu.memory_space<vmem_shared>>
        tpu.wait_indirect_dma semaphore(%arg13 : memref<!tpu.dma_semaphore, #tpu.memory_space<semaphore_mem>>) src(%arg8 : memref<128x128xf32, #tpu.memory_space<vmem>>) dst(%dma_wait3A_120 : memref<10112x128xf32, #tpu.memory_space<vmem_shared>>)
        %add3A_121 = arith.constant 1 : i32
        %add3A_122 = arith.addi %rem3A_79, %add3A_121 : i32
        %dma_wait3A_123 = arith.constant 0 : i32
        %dma_wait3A_124 = tpu.memref_slice %arg7[%add3A_122, %dma_wait3A_123] : memref<64x128xi32, #tpu.memory_space<vmem>> -> memref<1x128xi32, #tpu.memory_space<vmem>>
        %dma_wait3A_125 = tpu.memref_squeeze %dma_wait3A_124 : memref<1x128xi32, #tpu.memory_space<vmem>> -> memref<128xi32, #tpu.memory_space<vmem>>
        %dma_wait3A_126 = arith.constant 0 : i32
        %dma_wait3A_127 = arith.constant 0 : i32
        %dma_wait3A_128 = tpu.memref_slice %arg10[%dma_wait3A_126, %dma_wait3A_127] : memref<10112x128xf32, #tpu.memory_space<vmem_shared>> -> memref<10112x128xf32, #tpu.memory_space<vmem_shared>>
        tpu.wait_indirect_dma semaphore(%arg14 : memref<!tpu.dma_semaphore, #tpu.memory_space<semaphore_mem>>) src(%arg9 : memref<128x128xf32, #tpu.memory_space<vmem>>) dst(%dma_wait3A_128 : memref<10112x128xf32, #tpu.memory_space<vmem_shared>>)
        %eq3A_129 = arith.constant 0 : i32
        %eq3A_130 = arith.cmpi eq, %rem3A_114, %eq3A_129 : i32
        %convert_element_type3A_131 = arith.extui %eq3A_130 : i1 to i32
        %cond3A_132 = arith.constant 0 : i32
        %cond3A_133 = arith.cmpi ne, %convert_element_type3A_131, %cond3A_132 : i32
        scf.if %cond3A_133 {
          %add3A_148 = arith.addi %multiple_of3A, %add3A_77 : i32
          %add3A_149 = arith.constant 2 : i32
          %add3A_150 = arith.addi %add3A_148, %add3A_149 : i32
          %multiple_of3A_151 = tpu.assume_multiple %add3A_150, 8 : i32
          "tpu.region"() ({
            %run_scoped3A = tpu.sem_alloc : memref<!tpu.dma_semaphore, #tpu.memory_space<semaphore_mem>>
            %dma_start3A_152 = arith.constant 0 : i32
            %dma_start3A_153 = tpu.memref_slice %arg3[%multiple_of3A_151, %dma_start3A_152] : memref<2624x128xi32, #tpu.memory_space<hbm>> -> memref<64x128xi32, #tpu.memory_space<hbm>>
            %dma_start3A_154 = arith.constant 0 : i32
            %dma_start3A_155 = tpu.memref_slice %arg3[%multiple_of3A_151, %dma_start3A_154] : memref<2624x128xi32, #tpu.memory_space<hbm>> -> memref<64x128xi32, #tpu.memory_space<hbm>>
            tpu.enqueue_dma source(%dma_start3A_155 : memref<64x128xi32, #tpu.memory_space<hbm>>) target(%arg6 : memref<64x128xi32, #tpu.memory_space<vmem>>) target_semaphore(%run_scoped3A : memref<!tpu.dma_semaphore, #tpu.memory_space<semaphore_mem>>)
            %dma_wait3A_156 = arith.constant 0 : i32
            %dma_wait3A_157 = tpu.memref_slice %arg3[%multiple_of3A_151, %dma_wait3A_156] : memref<2624x128xi32, #tpu.memory_space<hbm>> -> memref<64x128xi32, #tpu.memory_space<hbm>>
            %dma_wait3A_158 = arith.constant 0 : i32
            %dma_wait3A_159 = tpu.memref_slice %arg3[%multiple_of3A_151, %dma_wait3A_158] : memref<2624x128xi32, #tpu.memory_space<hbm>> -> memref<64x128xi32, #tpu.memory_space<hbm>>
            tpu.wait_dma2 semaphore(%run_scoped3A : memref<!tpu.dma_semaphore, #tpu.memory_space<semaphore_mem>>) src(%dma_wait3A_159 : memref<64x128xi32, #tpu.memory_space<hbm>>) dst(%arg6 : memref<64x128xi32, #tpu.memory_space<vmem>>)
            tpu.yield
          }) : () -> ()
          "tpu.region"() ({
            %run_scoped3A = tpu.sem_alloc : memref<!tpu.dma_semaphore, #tpu.memory_space<semaphore_mem>>
            %dma_start3A_152 = arith.constant 0 : i32
            %dma_start3A_153 = tpu.memref_slice %arg4[%multiple_of3A_151, %dma_start3A_152] : memref<2624x128xi32, #tpu.memory_space<hbm>> -> memref<64x128xi32, #tpu.memory_space<hbm>>
            %dma_start3A_154 = arith.constant 0 : i32
            %dma_start3A_155 = tpu.memref_slice %arg4[%multiple_of3A_151, %dma_start3A_154] : memref<2624x128xi32, #tpu.memory_space<hbm>> -> memref<64x128xi32, #tpu.memory_space<hbm>>
            tpu.enqueue_dma source(%dma_start3A_155 : memref<64x128xi32, #tpu.memory_space<hbm>>) target(%arg7 : memref<64x128xi32, #tpu.memory_space<vmem>>) target_semaphore(%run_scoped3A : memref<!tpu.dma_semaphore, #tpu.memory_space<semaphore_mem>>)
            %dma_wait3A_156 = arith.constant 0 : i32
            %dma_wait3A_157 = tpu.memref_slice %arg4[%multiple_of3A_151, %dma_wait3A_156] : memref<2624x128xi32, #tpu.memory_space<hbm>> -> memref<64x128xi32, #tpu.memory_space<hbm>>
            %dma_wait3A_158 = arith.constant 0 : i32
            %dma_wait3A_159 = tpu.memref_slice %arg4[%multiple_of3A_151, %dma_wait3A_158] : memref<2624x128xi32, #tpu.memory_space<hbm>> -> memref<64x128xi32, #tpu.memory_space<hbm>>
            tpu.wait_dma2 semaphore(%run_scoped3A : memref<!tpu.dma_semaphore, #tpu.memory_space<semaphore_mem>>) src(%dma_wait3A_159 : memref<64x128xi32, #tpu.memory_space<hbm>>) dst(%arg7 : memref<64x128xi32, #tpu.memory_space<vmem>>)
            tpu.yield
          }) : () -> ()
        } else {
        }
        %dma_start3A_134 = arith.constant 0 : i32
        %dma_start3A_135 = tpu.memref_slice %arg6[%rem3A_114, %dma_start3A_134] : memref<64x128xi32, #tpu.memory_space<vmem>> -> memref<1x128xi32, #tpu.memory_space<vmem>>
        %dma_start3A_136 = tpu.memref_squeeze %dma_start3A_135 : memref<1x128xi32, #tpu.memory_space<vmem>> -> memref<128xi32, #tpu.memory_space<vmem>>
        %dma_start3A_137 = arith.constant 0 : i32
        %dma_start3A_138 = arith.constant 0 : i32
        %dma_start3A_139 = tpu.memref_slice %arg2[%dma_start3A_137, %dma_start3A_138] : memref<10000x128xf32, #tpu.memory_space<hbm>> -> memref<10000x128xf32, #tpu.memory_space<hbm>>
        tpu.enqueue_indirect_dma source(%dma_start3A_139 : memref<10000x128xf32, #tpu.memory_space<hbm>>) target(%arg8 : memref<128x128xf32, #tpu.memory_space<vmem>>) offsets(%dma_start3A_136 : memref<128xi32, #tpu.memory_space<vmem>>) semaphore(%arg11 : memref<!tpu.dma_semaphore, #tpu.memory_space<semaphore_mem>>)
        %add3A_140 = arith.constant 1 : i32
        %add3A_141 = arith.addi %rem3A_114, %add3A_140 : i32
        %dma_start3A_142 = arith.constant 0 : i32
        %dma_start3A_143 = tpu.memref_slice %arg6[%add3A_141, %dma_start3A_142] : memref<64x128xi32, #tpu.memory_space<vmem>> -> memref<1x128xi32, #tpu.memory_space<vmem>>
        %dma_start3A_144 = tpu.memref_squeeze %dma_start3A_143 : memref<1x128xi32, #tpu.memory_space<vmem>> -> memref<128xi32, #tpu.memory_space<vmem>>
        %dma_start3A_145 = arith.constant 0 : i32
        %dma_start3A_146 = arith.constant 0 : i32
        %dma_start3A_147 = tpu.memref_slice %arg2[%dma_start3A_145, %dma_start3A_146] : memref<10000x128xf32, #tpu.memory_space<hbm>> -> memref<10000x128xf32, #tpu.memory_space<hbm>>
        tpu.enqueue_indirect_dma source(%dma_start3A_147 : memref<10000x128xf32, #tpu.memory_space<hbm>>) target(%arg9 : memref<128x128xf32, #tpu.memory_space<vmem>>) offsets(%dma_start3A_144 : memref<128xi32, #tpu.memory_space<vmem>>) semaphore(%arg12 : memref<!tpu.dma_semaphore, #tpu.memory_space<semaphore_mem>>)
      } else {
      }
    }
    %sub3A_51 = arith.constant 2 : i32
    %sub3A_52 = arith.subi %select_n3A, %sub3A_51 : i32
    %rem3A = arith.constant 64 : i32
    %rem3A_53 = arith.remsi %sub3A_52, %rem3A : i32
    %dma_wait3A = arith.constant 0 : i32
    %dma_wait3A_54 = tpu.memref_slice %arg7[%rem3A_53, %dma_wait3A] : memref<64x128xi32, #tpu.memory_space<vmem>> -> memref<1x128xi32, #tpu.memory_space<vmem>>
    %dma_wait3A_55 = tpu.memref_squeeze %dma_wait3A_54 : memref<1x128xi32, #tpu.memory_space<vmem>> -> memref<128xi32, #tpu.memory_space<vmem>>
    %dma_wait3A_56 = arith.constant 0 : i32
    %dma_wait3A_57 = arith.constant 0 : i32
    %dma_wait3A_58 = tpu.memref_slice %arg10[%dma_wait3A_56, %dma_wait3A_57] : memref<10112x128xf32, #tpu.memory_space<vmem_shared>> -> memref<10112x128xf32, #tpu.memory_space<vmem_shared>>
    tpu.wait_indirect_dma semaphore(%arg13 : memref<!tpu.dma_semaphore, #tpu.memory_space<semaphore_mem>>) src(%arg8 : memref<128x128xf32, #tpu.memory_space<vmem>>) dst(%dma_wait3A_58 : memref<10112x128xf32, #tpu.memory_space<vmem_shared>>)
    %add3A_59 = arith.constant 1 : i32
    %add3A_60 = arith.addi %rem3A_53, %add3A_59 : i32
    %dma_wait3A_61 = arith.constant 0 : i32
    %dma_wait3A_62 = tpu.memref_slice %arg7[%add3A_60, %dma_wait3A_61] : memref<64x128xi32, #tpu.memory_space<vmem>> -> memref<1x128xi32, #tpu.memory_space<vmem>>
    %dma_wait3A_63 = tpu.memref_squeeze %dma_wait3A_62 : memref<1x128xi32, #tpu.memory_space<vmem>> -> memref<128xi32, #tpu.memory_space<vmem>>
    %dma_wait3A_64 = arith.constant 0 : i32
    %dma_wait3A_65 = arith.constant 0 : i32
    %dma_wait3A_66 = tpu.memref_slice %arg10[%dma_wait3A_64, %dma_wait3A_65] : memref<10112x128xf32, #tpu.memory_space<vmem_shared>> -> memref<10112x128xf32, #tpu.memory_space<vmem_shared>>
    tpu.wait_indirect_dma semaphore(%arg14 : memref<!tpu.dma_semaphore, #tpu.memory_space<semaphore_mem>>) src(%arg9 : memref<128x128xf32, #tpu.memory_space<vmem>>) dst(%dma_wait3A_66 : memref<10112x128xf32, #tpu.memory_space<vmem_shared>>)
    %barrier3A_67 = arith.constant 0 : index
    tpu.barrier barrier_id(%barrier3A_67)
    %mul3A_68 = arith.constant 632 : i32
    %mul3A_69 = arith.muli %arg1, %mul3A_68 : i32
    %mul3A_70 = arith.constant 10112 : i32
    %mul3A_71 = arith.muli %arg0, %mul3A_70 : i32
    %mul3A_72 = arith.constant 632 : i32
    %mul3A_73 = arith.muli %arg1, %mul3A_72 : i32
    %add3A_74 = arith.addi %mul3A_71, %mul3A_73 : i32
    "tpu.region"() ({
      %run_scoped3A = tpu.sem_alloc : memref<!tpu.dma_semaphore, #tpu.memory_space<semaphore_mem>>
      %dma_start3A_75 = arith.constant 0 : i32
      %dma_start3A_76 = tpu.memref_slice %arg5[%add3A_74, %dma_start3A_75] : memref<20224x128xf32, #tpu.memory_space<hbm>> -> memref<632x128xf32, #tpu.memory_space<hbm>>
      %dma_start3A_77 = arith.constant 0 : i32
      %dma_start3A_78 = tpu.memref_slice %arg10[%mul3A_69, %dma_start3A_77] : memref<10112x128xf32, #tpu.memory_space<vmem_shared>> -> memref<632x128xf32, #tpu.memory_space<vmem_shared>>
      tpu.enqueue_dma source(%dma_start3A_78 : memref<632x128xf32, #tpu.memory_space<vmem_shared>>) target(%dma_start3A_76 : memref<632x128xf32, #tpu.memory_space<hbm>>) target_semaphore(%run_scoped3A : memref<!tpu.dma_semaphore, #tpu.memory_space<semaphore_mem>>)
      %dma_wait3A_79 = arith.constant 0 : i32
      %dma_wait3A_80 = tpu.memref_slice %arg5[%add3A_74, %dma_wait3A_79] : memref<20224x128xf32, #tpu.memory_space<hbm>> -> memref<632x128xf32, #tpu.memory_space<hbm>>
      %dma_wait3A_81 = arith.constant 0 : i32
      %dma_wait3A_82 = tpu.memref_slice %arg10[%mul3A_69, %dma_wait3A_81] : memref<10112x128xf32, #tpu.memory_space<vmem_shared>> -> memref<632x128xf32, #tpu.memory_space<vmem_shared>>
      tpu.wait_dma2 semaphore(%run_scoped3A : memref<!tpu.dma_semaphore, #tpu.memory_space<semaphore_mem>>) src(%dma_wait3A_82 : memref<632x128xf32, #tpu.memory_space<vmem_shared>>) dst(%dma_wait3A_80 : memref<632x128xf32, #tpu.memory_space<hbm>>)
      tpu.yield
    }) : () -> ()
    return
  }
}

#map = affine_map<(d0, d1) -> (0, 0)>
module attributes {stable_mosaic.version = 14 : i64} {
  func.func @_sc_segsum(%arg0: i32, %arg1: i32, %arg2: memref<10000x128xf32, #tpu.memory_space<hbm>>, %arg3: memref<2624x128xi32, #tpu.memory_space<hbm>>, %arg4: memref<2624x128xi32, #tpu.memory_space<hbm>>, %arg5: memref<20224x128xf32, #tpu.memory_space<hbm>>, %arg6: memref<64x128xi32, #tpu.memory_space<vmem>>, %arg7: memref<64x128xi32, #tpu.memory_space<vmem>>, %arg8: memref<128x128xf32, #tpu.memory_space<vmem>>, %arg9: memref<128x128xf32, #tpu.memory_space<vmem>>, %arg10: memref<10112x128xf32, #tpu.memory_space<vmem_shared>>, %arg11: memref<!tpu.dma_semaphore, #tpu.memory_space<semaphore_mem>>, %arg12: memref<!tpu.dma_semaphore, #tpu.memory_space<semaphore_mem>>, %arg13: memref<!tpu.dma_semaphore, #tpu.memory_space<semaphore_mem>>, %arg14: memref<!tpu.dma_semaphore, #tpu.memory_space<semaphore_mem>>) attributes {dimension_semantics = [#tpu.dimension_semantics<core_parallel>, #tpu.dimension_semantics<subcore_parallel>], iteration_bounds = array<i64: 2, 16>, scalar_prefetch = 0 : i64, scratch_operands = 9 : i64, tpu.core_type = #tpu.core_type<sc_vector_subcore>, window_params = [{transform_indices = #map}, {transform_indices = #map}, {transform_indices = #map}, {transform_indices = #map}]} {
    %eq3A = arith.constant 0 : i32
    %eq3A_0 = arith.cmpi eq, %arg0, %eq3A : i32
    %jit3A = arith.constant 152 : i32
    %jit3A_1 = arith.constant 8 : i32
    %select_n3A = arith.select %eq3A_0, %jit3A, %jit3A_1 : i32
    %eq3A_2 = arith.constant 0 : i32
    %eq3A_3 = arith.cmpi eq, %arg0, %eq3A_2 : i32
    %mul3A = arith.constant 152 : i32
    %mul3A_4 = arith.muli %arg1, %mul3A : i32
    %mul3A_5 = arith.constant 8 : i32
    %mul3A_6 = arith.muli %arg1, %mul3A_5 : i32
    %add3A = arith.constant 2432 : i32
    %add3A_7 = arith.addi %add3A, %mul3A_6 : i32
    %select_n3A_8 = arith.select %eq3A_3, %mul3A_4, %add3A_7 : i32
    %multiple_of3A = tpu.assume_multiple %select_n3A_8, 8 : i32
    %scan3A = arith.constant 0 : i32
    %scan3A_9 = arith.constant 128 : i32
    %scan3A_10 = arith.addi %scan3A, %scan3A_9 : i32
    %scan3A_11 = arith.constant 1 : i32
    scf.for %scan3A_75 = %scan3A to %scan3A_10 step %scan3A_11  : i32 {
      %mul3A_76 = arith.constant 1 : i32
      %mul3A_77 = arith.muli %scan3A_75, %mul3A_76 : i32
      %add3A_78 = arith.constant 0 : i32
      %add3A_79 = arith.addi %add3A_78, %mul3A_77 : i32
      %scan3A_80 = arith.constant 0 : i32
      %scan3A_81 = arith.constant 8 : i32
      %scan3A_82 = arith.addi %scan3A_80, %scan3A_81 : i32
      %scan3A_83 = arith.constant 1 : i32
      scf.for %scan3A_85 = %scan3A_80 to %scan3A_82 step %scan3A_83  : i32 {
        %mul3A_86 = arith.constant 16 : i32
        %mul3A_87 = arith.muli %scan3A_85, %mul3A_86 : i32
        %add3A_88 = arith.constant 0 : i32
        %add3A_89 = arith.addi %add3A_88, %mul3A_87 : i32
        %broadcast_in_dim3A = arith.constant 0.000000e+00 : f32
        %broadcast_in_dim3A_90 = vector.broadcast %broadcast_in_dim3A : f32 to vector<1x16xf32>
        %swap3A = arith.index_cast %add3A_79 : i32 to index
        %swap3A_91 = arith.index_cast %add3A_89 : i32 to index
        %swap3A_92 = tpu.vector_load %arg8[%swap3A, %swap3A_91] {strides = array<i32>} : memref<128x128xf32, #tpu.memory_space<vmem>>, vector<1x16xf32>,
        %swap3A_93 = vector.shape_cast %swap3A_92 : vector<1x16xf32> to vector<1x16xf32>
        %swap3A_94 = vector.shape_cast %broadcast_in_dim3A_90 : vector<1x16xf32> to vector<1x16xf32>
        tpu.vector_store %arg8[%swap3A, %swap3A_91], %swap3A_94 {strides = array<i32>} : memref<128x128xf32, #tpu.memory_space<vmem>>, vector<1x16xf32>,
      }
      %scan3A_84 = arith.constant 8 : i32
    }
    %scan3A_12 = arith.constant 128 : i32
    %scan3A_13 = arith.constant 0 : i32
    %scan3A_14 = arith.constant 4 : i32
    %scan3A_15 = arith.addi %scan3A_13, %scan3A_14 : i32
    %scan3A_16 = arith.constant 1 : i32
    scf.for %scan3A_75 = %scan3A_13 to %scan3A_15 step %scan3A_16  : i32 {
      %mul3A_76 = arith.constant 1 : i32
      %mul3A_77 = arith.muli %scan3A_75, %mul3A_76 : i32
      %add3A_78 = arith.constant 0 : i32
      %add3A_79 = arith.addi %add3A_78, %mul3A_77 : i32
      %mul3A_80 = arith.constant 632 : i32
      %mul3A_81 = arith.muli %arg1, %mul3A_80 : i32
      %mul3A_82 = arith.constant 128 : i32
      %mul3A_83 = arith.muli %add3A_79, %mul3A_82 : i32
      %add3A_84 = arith.addi %mul3A_81, %mul3A_83 : i32
      "tpu.region"() ({
        %run_scoped3A = tpu.sem_alloc : memref<!tpu.dma_semaphore, #tpu.memory_space<semaphore_mem>>
        %dma_start3A_85 = arith.constant 0 : i32
        %dma_start3A_86 = tpu.memref_slice %arg10[%add3A_84, %dma_start3A_85] : memref<10112x128xf32, #tpu.memory_space<vmem_shared>> -> memref<128x128xf32, #tpu.memory_space<vmem_shared>>
        %dma_start3A_87 = arith.constant 0 : i32
        %dma_start3A_88 = tpu.memref_slice %arg10[%add3A_84, %dma_start3A_87] : memref<10112x128xf32, #tpu.memory_space<vmem_shared>> -> memref<128x128xf32, #tpu.memory_space<vmem_shared>>
        tpu.enqueue_dma source(%arg8 : memref<128x128xf32, #tpu.memory_space<vmem>>) target(%dma_start3A_88 : memref<128x128xf32, #tpu.memory_space<vmem_shared>>) target_semaphore(%run_scoped3A : memref<!tpu.dma_semaphore, #tpu.memory_space<semaphore_mem>>)
        %dma_wait3A_89 = arith.constant 0 : i32
        %dma_wait3A_90 = tpu.memref_slice %arg10[%add3A_84, %dma_wait3A_89] : memref<10112x128xf32, #tpu.memory_space<vmem_shared>> -> memref<128x128xf32, #tpu.memory_space<vmem_shared>>
        %dma_wait3A_91 = arith.constant 0 : i32
        %dma_wait3A_92 = tpu.memref_slice %arg10[%add3A_84, %dma_wait3A_91] : memref<10112x128xf32, #tpu.memory_space<vmem_shared>> -> memref<128x128xf32, #tpu.memory_space<vmem_shared>>
        tpu.wait_dma2 semaphore(%run_scoped3A : memref<!tpu.dma_semaphore, #tpu.memory_space<semaphore_mem>>) src(%arg8 : memref<128x128xf32, #tpu.memory_space<vmem>>) dst(%dma_wait3A_92 : memref<128x128xf32, #tpu.memory_space<vmem_shared>>)
        tpu.yield
      }) : () -> ()
    }
    %scan3A_17 = arith.constant 4 : i32
    %mul3A_18 = arith.constant 632 : i32
    %mul3A_19 = arith.muli %arg1, %mul3A_18 : i32
    %add3A_20 = arith.constant 512 : i32
    %add3A_21 = arith.addi %mul3A_19, %add3A_20 : i32
    "tpu.region"() ({
      %run_scoped3A = tpu.sem_alloc : memref<!tpu.dma_semaphore, #tpu.memory_space<semaphore_mem>>
      %dma_start3A_75 = arith.constant 0 : i32
      %dma_start3A_76 = arith.constant 0 : i32
      %dma_start3A_77 = tpu.memref_slice %arg8[%dma_start3A_75, %dma_start3A_76] : memref<128x128xf32, #tpu.memory_space<vmem>> -> memref<120x128xf32, #tpu.memory_space<vmem>>
      %dma_start3A_78 = arith.constant 0 : i32
      %dma_start3A_79 = tpu.memref_slice %arg10[%add3A_21, %dma_start3A_78] : memref<10112x128xf32, #tpu.memory_space<vmem_shared>> -> memref<120x128xf32, #tpu.memory_space<vmem_shared>>
      %dma_start3A_80 = arith.constant 0 : i32
      %dma_start3A_81 = tpu.memref_slice %arg10[%add3A_21, %dma_start3A_80] : memref<10112x128xf32, #tpu.memory_space<vmem_shared>> -> memref<120x128xf32, #tpu.memory_space<vmem_shared>>
      %dma_start3A_82 = arith.constant 0 : i32
      %dma_start3A_83 = arith.constant 0 : i32
      %dma_start3A_84 = tpu.memref_slice %arg8[%dma_start3A_82, %dma_start3A_83] : memref<128x128xf32, #tpu.memory_space<vmem>> -> memref<120x128xf32, #tpu.memory_space<vmem>>
      tpu.enqueue_dma source(%dma_start3A_84 : memref<120x128xf32, #tpu.memory_space<vmem>>) target(%dma_start3A_81 : memref<120x128xf32, #tpu.memory_space<vmem_shared>>) target_semaphore(%run_scoped3A : memref<!tpu.dma_semaphore, #tpu.memory_space<semaphore_mem>>)
      %dma_wait3A_85 = arith.constant 0 : i32
      %dma_wait3A_86 = arith.constant 0 : i32
      %dma_wait3A_87 = tpu.memref_slice %arg8[%dma_wait3A_85, %dma_wait3A_86] : memref<128x128xf32, #tpu.memory_space<vmem>> -> memref<120x128xf32, #tpu.memory_space<vmem>>
      %dma_wait3A_88 = arith.constant 0 : i32
      %dma_wait3A_89 = tpu.memref_slice %arg10[%add3A_21, %dma_wait3A_88] : memref<10112x128xf32, #tpu.memory_space<vmem_shared>> -> memref<120x128xf32, #tpu.memory_space<vmem_shared>>
      %dma_wait3A_90 = arith.constant 0 : i32
      %dma_wait3A_91 = tpu.memref_slice %arg10[%add3A_21, %dma_wait3A_90] : memref<10112x128xf32, #tpu.memory_space<vmem_shared>> -> memref<120x128xf32, #tpu.memory_space<vmem_shared>>
      %dma_wait3A_92 = arith.constant 0 : i32
      %dma_wait3A_93 = arith.constant 0 : i32
      %dma_wait3A_94 = tpu.memref_slice %arg8[%dma_wait3A_92, %dma_wait3A_93] : memref<128x128xf32, #tpu.memory_space<vmem>> -> memref<120x128xf32, #tpu.memory_space<vmem>>
      tpu.wait_dma2 semaphore(%run_scoped3A : memref<!tpu.dma_semaphore, #tpu.memory_space<semaphore_mem>>) src(%dma_wait3A_94 : memref<120x128xf32, #tpu.memory_space<vmem>>) dst(%dma_wait3A_91 : memref<120x128xf32, #tpu.memory_space<vmem_shared>>)
      tpu.yield
    }) : () -> ()
    "tpu.region"() ({
      %run_scoped3A = tpu.sem_alloc : memref<!tpu.dma_semaphore, #tpu.memory_space<semaphore_mem>>
      %dma_start3A_75 = arith.constant 0 : i32
      %dma_start3A_76 = tpu.memref_slice %arg3[%multiple_of3A, %dma_start3A_75] : memref<2624x128xi32, #tpu.memory_space<hbm>> -> memref<64x128xi32, #tpu.memory_space<hbm>>
      %dma_start3A_77 = arith.constant 0 : i32
      %dma_start3A_78 = tpu.memref_slice %arg3[%multiple_of3A, %dma_start3A_77] : memref<2624x128xi32, #tpu.memory_space<hbm>> -> memref<64x128xi32, #tpu.memory_space<hbm>>
      tpu.enqueue_dma source(%dma_start3A_78 : memref<64x128xi32, #tpu.memory_space<hbm>>) target(%arg6 : memref<64x128xi32, #tpu.memory_space<vmem>>) target_semaphore(%run_scoped3A : memref<!tpu.dma_semaphore, #tpu.memory_space<semaphore_mem>>)
      %dma_wait3A_79 = arith.constant 0 : i32
      %dma_wait3A_80 = tpu.memref_slice %arg3[%multiple_of3A, %dma_wait3A_79] : memref<2624x128xi32, #tpu.memory_space<hbm>> -> memref<64x128xi32, #tpu.memory_space<hbm>>
      %dma_wait3A_81 = arith.constant 0 : i32
      %dma_wait3A_82 = tpu.memref_slice %arg3[%multiple_of3A, %dma_wait3A_81] : memref<2624x128xi32, #tpu.memory_space<hbm>> -> memref<64x128xi32, #tpu.memory_space<hbm>>
      tpu.wait_dma2 semaphore(%run_scoped3A : memref<!tpu.dma_semaphore, #tpu.memory_space<semaphore_mem>>) src(%dma_wait3A_82 : memref<64x128xi32, #tpu.memory_space<hbm>>) dst(%arg6 : memref<64x128xi32, #tpu.memory_space<vmem>>)
      tpu.yield
    }) : () -> ()
    "tpu.region"() ({
      %run_scoped3A = tpu.sem_alloc : memref<!tpu.dma_semaphore, #tpu.memory_space<semaphore_mem>>
      %dma_start3A_75 = arith.constant 0 : i32
      %dma_start3A_76 = tpu.memref_slice %arg4[%multiple_of3A, %dma_start3A_75] : memref<2624x128xi32, #tpu.memory_space<hbm>> -> memref<64x128xi32, #tpu.memory_space<hbm>>
      %dma_start3A_77 = arith.constant 0 : i32
      %dma_start3A_78 = tpu.memref_slice %arg4[%multiple_of3A, %dma_start3A_77] : memref<2624x128xi32, #tpu.memory_space<hbm>> -> memref<64x128xi32, #tpu.memory_space<hbm>>
      tpu.enqueue_dma source(%dma_start3A_78 : memref<64x128xi32, #tpu.memory_space<hbm>>) target(%arg7 : memref<64x128xi32, #tpu.memory_space<vmem>>) target_semaphore(%run_scoped3A : memref<!tpu.dma_semaphore, #tpu.memory_space<semaphore_mem>>)
      %dma_wait3A_79 = arith.constant 0 : i32
      %dma_wait3A_80 = tpu.memref_slice %arg4[%multiple_of3A, %dma_wait3A_79] : memref<2624x128xi32, #tpu.memory_space<hbm>> -> memref<64x128xi32, #tpu.memory_space<hbm>>
      %dma_wait3A_81 = arith.constant 0 : i32
      %dma_wait3A_82 = tpu.memref_slice %arg4[%multiple_of3A, %dma_wait3A_81] : memref<2624x128xi32, #tpu.memory_space<hbm>> -> memref<64x128xi32, #tpu.memory_space<hbm>>
      tpu.wait_dma2 semaphore(%run_scoped3A : memref<!tpu.dma_semaphore, #tpu.memory_space<semaphore_mem>>) src(%dma_wait3A_82 : memref<64x128xi32, #tpu.memory_space<hbm>>) dst(%arg7 : memref<64x128xi32, #tpu.memory_space<vmem>>)
      tpu.yield
    }) : () -> ()
    %barrier3A = arith.constant 0 : index
    tpu.barrier barrier_id(%barrier3A)
    %dma_start3A = arith.constant 0 : i32
    %dma_start3A_22 = arith.constant 0 : i32
    %dma_start3A_23 = tpu.memref_slice %arg6[%dma_start3A, %dma_start3A_22] : memref<64x128xi32, #tpu.memory_space<vmem>> -> memref<1x128xi32, #tpu.memory_space<vmem>>
    %dma_start3A_24 = tpu.memref_squeeze %dma_start3A_23 : memref<1x128xi32, #tpu.memory_space<vmem>> -> memref<128xi32, #tpu.memory_space<vmem>>
    %dma_start3A_25 = arith.constant 0 : i32
    %dma_start3A_26 = arith.constant 0 : i32
    %dma_start3A_27 = tpu.memref_slice %arg2[%dma_start3A_25, %dma_start3A_26] : memref<10000x128xf32, #tpu.memory_space<hbm>> -> memref<10000x128xf32, #tpu.memory_space<hbm>>
    tpu.enqueue_indirect_dma source(%dma_start3A_27 : memref<10000x128xf32, #tpu.memory_space<hbm>>) target(%arg8 : memref<128x128xf32, #tpu.memory_space<vmem>>) offsets(%dma_start3A_24 : memref<128xi32, #tpu.memory_space<vmem>>) semaphore(%arg11 : memref<!tpu.dma_semaphore, #tpu.memory_space<semaphore_mem>>)
    %dma_start3A_28 = arith.constant 1 : i32
    %dma_start3A_29 = arith.constant 0 : i32
    %dma_start3A_30 = tpu.memref_slice %arg6[%dma_start3A_28, %dma_start3A_29] : memref<64x128xi32, #tpu.memory_space<vmem>> -> memref<1x128xi32, #tpu.memory_space<vmem>>
    %dma_start3A_31 = tpu.memref_squeeze %dma_start3A_30 : memref<1x128xi32, #tpu.memory_space<vmem>> -> memref<128xi32, #tpu.memory_space<vmem>>
    %dma_start3A_32 = arith.constant 0 : i32
    %dma_start3A_33 = arith.constant 0 : i32
    %dma_start3A_34 = tpu.memref_slice %arg2[%dma_start3A_32, %dma_start3A_33] : memref<10000x128xf32, #tpu.memory_space<hbm>> -> memref<10000x128xf32, #tpu.memory_space<hbm>>
    tpu.enqueue_indirect_dma source(%dma_start3A_34 : memref<10000x128xf32, #tpu.memory_space<hbm>>) target(%arg9 : memref<128x128xf32, #tpu.memory_space<vmem>>) offsets(%dma_start3A_31 : memref<128xi32, #tpu.memory_space<vmem>>) semaphore(%arg12 : memref<!tpu.dma_semaphore, #tpu.memory_space<semaphore_mem>>)
    %sub3A = arith.constant 0 : i32
    %sub3A_35 = arith.subi %select_n3A, %sub3A : i32
    %sub3A_36 = arith.constant 2 : i32
    %sub3A_37 = arith.constant 1 : i32
    %sub3A_38 = arith.subi %sub3A_36, %sub3A_37 : i32
    %add3A_39 = arith.addi %sub3A_35, %sub3A_38 : i32
    %div3A = arith.constant 2 : i32
    %div3A_40 = arith.divsi %add3A_39, %div3A : i32
    %while3A = arith.constant 2 : i32
    %while3A_41 = arith.constant 0 : i32
    %while3A_42 = arith.constant 0 : i32
    %while3A_43 = arith.subi %div3A_40, %while3A_42 : i32
    %while3A_44 = arith.addi %while3A_42, %while3A_43 : i32
    %while3A_45 = arith.constant 1 : i32
    %while3A_46 = arith.divsi %while3A_43, %while3A_45 : i32
    %while3A_47 = arith.muli %while3A_46, %while3A_45 : i32
    %while3A_48 = arith.addi %while3A_42, %while3A_47 : i32
    %while3A_49 = arith.constant 1 : i32
    scf.for %while3A_75 = %while3A_42 to %while3A_48 step %while3A_49  : i32 {
      %mul3A_76 = arith.muli %while3A_75, %while3A : i32
      %add3A_77 = arith.addi %while3A_41, %mul3A_76 : i32
      %rem3A_78 = arith.constant 64 : i32
      %rem3A_79 = arith.remsi %add3A_77, %rem3A_78 : i32
      %dma_wait3A_80 = arith.constant 0 : i32
      %dma_wait3A_81 = arith.constant 0 : i32
      %dma_wait3A_82 = tpu.memref_slice %arg6[%dma_wait3A_80, %dma_wait3A_81] : memref<64x128xi32, #tpu.memory_space<vmem>> -> memref<1x128xi32, #tpu.memory_space<vmem>>
      %dma_wait3A_83 = tpu.memref_squeeze %dma_wait3A_82 : memref<1x128xi32, #tpu.memory_space<vmem>> -> memref<128xi32, #tpu.memory_space<vmem>>
      %dma_wait3A_84 = arith.constant 0 : i32
      %dma_wait3A_85 = arith.constant 0 : i32
      %dma_wait3A_86 = tpu.memref_slice %arg2[%dma_wait3A_84, %dma_wait3A_85] : memref<10000x128xf32, #tpu.memory_space<hbm>> -> memref<10000x128xf32, #tpu.memory_space<hbm>>
      tpu.wait_indirect_dma semaphore(%arg11 : memref<!tpu.dma_semaphore, #tpu.memory_space<semaphore_mem>>) src(%dma_wait3A_86 : memref<10000x128xf32, #tpu.memory_space<hbm>>) dst(%arg8 : memref<128x128xf32, #tpu.memory_space<vmem>>)
      %dma_start3A_87 = arith.constant 0 : i32
      %dma_start3A_88 = tpu.memref_slice %arg7[%rem3A_79, %dma_start3A_87] : memref<64x128xi32, #tpu.memory_space<vmem>> -> memref<1x128xi32, #tpu.memory_space<vmem>>
      %dma_start3A_89 = tpu.memref_squeeze %dma_start3A_88 : memref<1x128xi32, #tpu.memory_space<vmem>> -> memref<128xi32, #tpu.memory_space<vmem>>
      %dma_start3A_90 = arith.constant 0 : i32
      %dma_start3A_91 = arith.constant 0 : i32
      %dma_start3A_92 = tpu.memref_slice %arg10[%dma_start3A_90, %dma_start3A_91] : memref<10112x128xf32, #tpu.memory_space<vmem_shared>> -> memref<10112x128xf32, #tpu.memory_space<vmem_shared>>
      tpu.enqueue_indirect_dma source(%arg8 : memref<128x128xf32, #tpu.memory_space<vmem>>) target(%dma_start3A_92 : memref<10112x128xf32, #tpu.memory_space<vmem_shared>>) offsets(%dma_start3A_89 : memref<128xi32, #tpu.memory_space<vmem>>) semaphore(%arg13 : memref<!tpu.dma_semaphore, #tpu.memory_space<semaphore_mem>>) {add = true}
      %dma_wait3A_93 = arith.constant 0 : i32
      %dma_wait3A_94 = arith.constant 0 : i32
      %dma_wait3A_95 = tpu.memref_slice %arg6[%dma_wait3A_93, %dma_wait3A_94] : memref<64x128xi32, #tpu.memory_space<vmem>> -> memref<1x128xi32, #tpu.memory_space<vmem>>
      %dma_wait3A_96 = tpu.memref_squeeze %dma_wait3A_95 : memref<1x128xi32, #tpu.memory_space<vmem>> -> memref<128xi32, #tpu.memory_space<vmem>>
      %dma_wait3A_97 = arith.constant 0 : i32
      %dma_wait3A_98 = arith.constant 0 : i32
      %dma_wait3A_99 = tpu.memref_slice %arg2[%dma_wait3A_97, %dma_wait3A_98] : memref<10000x128xf32, #tpu.memory_space<hbm>> -> memref<10000x128xf32, #tpu.memory_space<hbm>>
      tpu.wait_indirect_dma semaphore(%arg12 : memref<!tpu.dma_semaphore, #tpu.memory_space<semaphore_mem>>) src(%dma_wait3A_99 : memref<10000x128xf32, #tpu.memory_space<hbm>>) dst(%arg9 : memref<128x128xf32, #tpu.memory_space<vmem>>)
      %add3A_100 = arith.constant 1 : i32
      %add3A_101 = arith.addi %rem3A_79, %add3A_100 : i32
      %dma_start3A_102 = arith.constant 0 : i32
      %dma_start3A_103 = tpu.memref_slice %arg7[%add3A_101, %dma_start3A_102] : memref<64x128xi32, #tpu.memory_space<vmem>> -> memref<1x128xi32, #tpu.memory_space<vmem>>
      %dma_start3A_104 = tpu.memref_squeeze %dma_start3A_103 : memref<1x128xi32, #tpu.memory_space<vmem>> -> memref<128xi32, #tpu.memory_space<vmem>>
      %dma_start3A_105 = arith.constant 0 : i32
      %dma_start3A_106 = arith.constant 0 : i32
      %dma_start3A_107 = tpu.memref_slice %arg10[%dma_start3A_105, %dma_start3A_106] : memref<10112x128xf32, #tpu.memory_space<vmem_shared>> -> memref<10112x128xf32, #tpu.memory_space<vmem_shared>>
      tpu.enqueue_indirect_dma source(%arg9 : memref<128x128xf32, #tpu.memory_space<vmem>>) target(%dma_start3A_107 : memref<10112x128xf32, #tpu.memory_space<vmem_shared>>) offsets(%dma_start3A_104 : memref<128xi32, #tpu.memory_space<vmem>>) semaphore(%arg14 : memref<!tpu.dma_semaphore, #tpu.memory_space<semaphore_mem>>) {add = true}
      %add3A_108 = arith.constant 2 : i32
      %add3A_109 = arith.addi %add3A_77, %add3A_108 : i32
      %lt3A = arith.cmpi slt, %add3A_109, %select_n3A : i32
      %convert_element_type3A = arith.extui %lt3A : i1 to i32
      %cond3A = arith.constant 0 : i32
      %cond3A_110 = arith.cmpi ne, %convert_element_type3A, %cond3A : i32
      scf.if %cond3A_110 {
        %add3A_111 = arith.constant 2 : i32
        %add3A_112 = arith.addi %add3A_77, %add3A_111 : i32
        %rem3A_113 = arith.constant 64 : i32
        %rem3A_114 = arith.remsi %add3A_112, %rem3A_113 : i32
        %dma_wait3A_115 = arith.constant 0 : i32
        %dma_wait3A_116 = tpu.memref_slice %arg7[%rem3A_79, %dma_wait3A_115] : memref<64x128xi32, #tpu.memory_space<vmem>> -> memref<1x128xi32, #tpu.memory_space<vmem>>
        %dma_wait3A_117 = tpu.memref_squeeze %dma_wait3A_116 : memref<1x128xi32, #tpu.memory_space<vmem>> -> memref<128xi32, #tpu.memory_space<vmem>>
        %dma_wait3A_118 = arith.constant 0 : i32
        %dma_wait3A_119 = arith.constant 0 : i32
        %dma_wait3A_120 = tpu.memref_slice %arg10[%dma_wait3A_118, %dma_wait3A_119] : memref<10112x128xf32, #tpu.memory_space<vmem_shared>> -> memref<10112x128xf32, #tpu.memory_space<vmem_shared>>
        tpu.wait_indirect_dma semaphore(%arg13 : memref<!tpu.dma_semaphore, #tpu.memory_space<semaphore_mem>>) src(%arg8 : memref<128x128xf32, #tpu.memory_space<vmem>>) dst(%dma_wait3A_120 : memref<10112x128xf32, #tpu.memory_space<vmem_shared>>)
        %add3A_121 = arith.constant 1 : i32
        %add3A_122 = arith.addi %rem3A_79, %add3A_121 : i32
        %dma_wait3A_123 = arith.constant 0 : i32
        %dma_wait3A_124 = tpu.memref_slice %arg7[%add3A_122, %dma_wait3A_123] : memref<64x128xi32, #tpu.memory_space<vmem>> -> memref<1x128xi32, #tpu.memory_space<vmem>>
        %dma_wait3A_125 = tpu.memref_squeeze %dma_wait3A_124 : memref<1x128xi32, #tpu.memory_space<vmem>> -> memref<128xi32, #tpu.memory_space<vmem>>
        %dma_wait3A_126 = arith.constant 0 : i32
        %dma_wait3A_127 = arith.constant 0 : i32
        %dma_wait3A_128 = tpu.memref_slice %arg10[%dma_wait3A_126, %dma_wait3A_127] : memref<10112x128xf32, #tpu.memory_space<vmem_shared>> -> memref<10112x128xf32, #tpu.memory_space<vmem_shared>>
        tpu.wait_indirect_dma semaphore(%arg14 : memref<!tpu.dma_semaphore, #tpu.memory_space<semaphore_mem>>) src(%arg9 : memref<128x128xf32, #tpu.memory_space<vmem>>) dst(%dma_wait3A_128 : memref<10112x128xf32, #tpu.memory_space<vmem_shared>>)
        %eq3A_129 = arith.constant 0 : i32
        %eq3A_130 = arith.cmpi eq, %rem3A_114, %eq3A_129 : i32
        %convert_element_type3A_131 = arith.extui %eq3A_130 : i1 to i32
        %cond3A_132 = arith.constant 0 : i32
        %cond3A_133 = arith.cmpi ne, %convert_element_type3A_131, %cond3A_132 : i32
        scf.if %cond3A_133 {
          %add3A_148 = arith.addi %multiple_of3A, %add3A_77 : i32
          %add3A_149 = arith.constant 2 : i32
          %add3A_150 = arith.addi %add3A_148, %add3A_149 : i32
          %multiple_of3A_151 = tpu.assume_multiple %add3A_150, 8 : i32
          "tpu.region"() ({
            %run_scoped3A = tpu.sem_alloc : memref<!tpu.dma_semaphore, #tpu.memory_space<semaphore_mem>>
            %dma_start3A_152 = arith.constant 0 : i32
            %dma_start3A_153 = tpu.memref_slice %arg3[%multiple_of3A_151, %dma_start3A_152] : memref<2624x128xi32, #tpu.memory_space<hbm>> -> memref<64x128xi32, #tpu.memory_space<hbm>>
            %dma_start3A_154 = arith.constant 0 : i32
            %dma_start3A_155 = tpu.memref_slice %arg3[%multiple_of3A_151, %dma_start3A_154] : memref<2624x128xi32, #tpu.memory_space<hbm>> -> memref<64x128xi32, #tpu.memory_space<hbm>>
            tpu.enqueue_dma source(%dma_start3A_155 : memref<64x128xi32, #tpu.memory_space<hbm>>) target(%arg6 : memref<64x128xi32, #tpu.memory_space<vmem>>) target_semaphore(%run_scoped3A : memref<!tpu.dma_semaphore, #tpu.memory_space<semaphore_mem>>)
            %dma_wait3A_156 = arith.constant 0 : i32
            %dma_wait3A_157 = tpu.memref_slice %arg3[%multiple_of3A_151, %dma_wait3A_156] : memref<2624x128xi32, #tpu.memory_space<hbm>> -> memref<64x128xi32, #tpu.memory_space<hbm>>
            %dma_wait3A_158 = arith.constant 0 : i32
            %dma_wait3A_159 = tpu.memref_slice %arg3[%multiple_of3A_151, %dma_wait3A_158] : memref<2624x128xi32, #tpu.memory_space<hbm>> -> memref<64x128xi32, #tpu.memory_space<hbm>>
            tpu.wait_dma2 semaphore(%run_scoped3A : memref<!tpu.dma_semaphore, #tpu.memory_space<semaphore_mem>>) src(%dma_wait3A_159 : memref<64x128xi32, #tpu.memory_space<hbm>>) dst(%arg6 : memref<64x128xi32, #tpu.memory_space<vmem>>)
            tpu.yield
          }) : () -> ()
          "tpu.region"() ({
            %run_scoped3A = tpu.sem_alloc : memref<!tpu.dma_semaphore, #tpu.memory_space<semaphore_mem>>
            %dma_start3A_152 = arith.constant 0 : i32
            %dma_start3A_153 = tpu.memref_slice %arg4[%multiple_of3A_151, %dma_start3A_152] : memref<2624x128xi32, #tpu.memory_space<hbm>> -> memref<64x128xi32, #tpu.memory_space<hbm>>
            %dma_start3A_154 = arith.constant 0 : i32
            %dma_start3A_155 = tpu.memref_slice %arg4[%multiple_of3A_151, %dma_start3A_154] : memref<2624x128xi32, #tpu.memory_space<hbm>> -> memref<64x128xi32, #tpu.memory_space<hbm>>
            tpu.enqueue_dma source(%dma_start3A_155 : memref<64x128xi32, #tpu.memory_space<hbm>>) target(%arg7 : memref<64x128xi32, #tpu.memory_space<vmem>>) target_semaphore(%run_scoped3A : memref<!tpu.dma_semaphore, #tpu.memory_space<semaphore_mem>>)
            %dma_wait3A_156 = arith.constant 0 : i32
            %dma_wait3A_157 = tpu.memref_slice %arg4[%multiple_of3A_151, %dma_wait3A_156] : memref<2624x128xi32, #tpu.memory_space<hbm>> -> memref<64x128xi32, #tpu.memory_space<hbm>>
            %dma_wait3A_158 = arith.constant 0 : i32
            %dma_wait3A_159 = tpu.memref_slice %arg4[%multiple_of3A_151, %dma_wait3A_158] : memref<2624x128xi32, #tpu.memory_space<hbm>> -> memref<64x128xi32, #tpu.memory_space<hbm>>
            tpu.wait_dma2 semaphore(%run_scoped3A : memref<!tpu.dma_semaphore, #tpu.memory_space<semaphore_mem>>) src(%dma_wait3A_159 : memref<64x128xi32, #tpu.memory_space<hbm>>) dst(%arg7 : memref<64x128xi32, #tpu.memory_space<vmem>>)
            tpu.yield
          }) : () -> ()
        } else {
        }
        %dma_start3A_134 = arith.constant 0 : i32
        %dma_start3A_135 = tpu.memref_slice %arg6[%rem3A_114, %dma_start3A_134] : memref<64x128xi32, #tpu.memory_space<vmem>> -> memref<1x128xi32, #tpu.memory_space<vmem>>
        %dma_start3A_136 = tpu.memref_squeeze %dma_start3A_135 : memref<1x128xi32, #tpu.memory_space<vmem>> -> memref<128xi32, #tpu.memory_space<vmem>>
        %dma_start3A_137 = arith.constant 0 : i32
        %dma_start3A_138 = arith.constant 0 : i32
        %dma_start3A_139 = tpu.memref_slice %arg2[%dma_start3A_137, %dma_start3A_138] : memref<10000x128xf32, #tpu.memory_space<hbm>> -> memref<10000x128xf32, #tpu.memory_space<hbm>>
        tpu.enqueue_indirect_dma source(%dma_start3A_139 : memref<10000x128xf32, #tpu.memory_space<hbm>>) target(%arg8 : memref<128x128xf32, #tpu.memory_space<vmem>>) offsets(%dma_start3A_136 : memref<128xi32, #tpu.memory_space<vmem>>) semaphore(%arg11 : memref<!tpu.dma_semaphore, #tpu.memory_space<semaphore_mem>>)
        %add3A_140 = arith.constant 1 : i32
        %add3A_141 = arith.addi %rem3A_114, %add3A_140 : i32
        %dma_start3A_142 = arith.constant 0 : i32
        %dma_start3A_143 = tpu.memref_slice %arg6[%add3A_141, %dma_start3A_142] : memref<64x128xi32, #tpu.memory_space<vmem>> -> memref<1x128xi32, #tpu.memory_space<vmem>>
        %dma_start3A_144 = tpu.memref_squeeze %dma_start3A_143 : memref<1x128xi32, #tpu.memory_space<vmem>> -> memref<128xi32, #tpu.memory_space<vmem>>
        %dma_start3A_145 = arith.constant 0 : i32
        %dma_start3A_146 = arith.constant 0 : i32
        %dma_start3A_147 = tpu.memref_slice %arg2[%dma_start3A_145, %dma_start3A_146] : memref<10000x128xf32, #tpu.memory_space<hbm>> -> memref<10000x128xf32, #tpu.memory_space<hbm>>
        tpu.enqueue_indirect_dma source(%dma_start3A_147 : memref<10000x128xf32, #tpu.memory_space<hbm>>) target(%arg9 : memref<128x128xf32, #tpu.memory_space<vmem>>) offsets(%dma_start3A_144 : memref<128xi32, #tpu.memory_space<vmem>>) semaphore(%arg12 : memref<!tpu.dma_semaphore, #tpu.memory_space<semaphore_mem>>)
      } else {
      }
    }
    %while3A_50 = arith.constant 1 : i32
    scf.for %while3A_75 = %while3A_48 to %while3A_44 step %while3A_50  : i32 {
      %mul3A_76 = arith.muli %while3A_75, %while3A : i32
      %add3A_77 = arith.addi %while3A_41, %mul3A_76 : i32
      %rem3A_78 = arith.constant 64 : i32
      %rem3A_79 = arith.remsi %add3A_77, %rem3A_78 : i32
      %dma_wait3A_80 = arith.constant 0 : i32
      %dma_wait3A_81 = arith.constant 0 : i32
      %dma_wait3A_82 = tpu.memref_slice %arg6[%dma_wait3A_80, %dma_wait3A_81] : memref<64x128xi32, #tpu.memory_space<vmem>> -> memref<1x128xi32, #tpu.memory_space<vmem>>
      %dma_wait3A_83 = tpu.memref_squeeze %dma_wait3A_82 : memref<1x128xi32, #tpu.memory_space<vmem>> -> memref<128xi32, #tpu.memory_space<vmem>>
      %dma_wait3A_84 = arith.constant 0 : i32
      %dma_wait3A_85 = arith.constant 0 : i32
      %dma_wait3A_86 = tpu.memref_slice %arg2[%dma_wait3A_84, %dma_wait3A_85] : memref<10000x128xf32, #tpu.memory_space<hbm>> -> memref<10000x128xf32, #tpu.memory_space<hbm>>
      tpu.wait_indirect_dma semaphore(%arg11 : memref<!tpu.dma_semaphore, #tpu.memory_space<semaphore_mem>>) src(%dma_wait3A_86 : memref<10000x128xf32, #tpu.memory_space<hbm>>) dst(%arg8 : memref<128x128xf32, #tpu.memory_space<vmem>>)
      %dma_start3A_87 = arith.constant 0 : i32
      %dma_start3A_88 = tpu.memref_slice %arg7[%rem3A_79, %dma_start3A_87] : memref<64x128xi32, #tpu.memory_space<vmem>> -> memref<1x128xi32, #tpu.memory_space<vmem>>
      %dma_start3A_89 = tpu.memref_squeeze %dma_start3A_88 : memref<1x128xi32, #tpu.memory_space<vmem>> -> memref<128xi32, #tpu.memory_space<vmem>>
      %dma_start3A_90 = arith.constant 0 : i32
      %dma_start3A_91 = arith.constant 0 : i32
      %dma_start3A_92 = tpu.memref_slice %arg10[%dma_start3A_90, %dma_start3A_91] : memref<10112x128xf32, #tpu.memory_space<vmem_shared>> -> memref<10112x128xf32, #tpu.memory_space<vmem_shared>>
      tpu.enqueue_indirect_dma source(%arg8 : memref<128x128xf32, #tpu.memory_space<vmem>>) target(%dma_start3A_92 : memref<10112x128xf32, #tpu.memory_space<vmem_shared>>) offsets(%dma_start3A_89 : memref<128xi32, #tpu.memory_space<vmem>>) semaphore(%arg13 : memref<!tpu.dma_semaphore, #tpu.memory_space<semaphore_mem>>) {add = true}
      %dma_wait3A_93 = arith.constant 0 : i32
      %dma_wait3A_94 = arith.constant 0 : i32
      %dma_wait3A_95 = tpu.memref_slice %arg6[%dma_wait3A_93, %dma_wait3A_94] : memref<64x128xi32, #tpu.memory_space<vmem>> -> memref<1x128xi32, #tpu.memory_space<vmem>>
      %dma_wait3A_96 = tpu.memref_squeeze %dma_wait3A_95 : memref<1x128xi32, #tpu.memory_space<vmem>> -> memref<128xi32, #tpu.memory_space<vmem>>
      %dma_wait3A_97 = arith.constant 0 : i32
      %dma_wait3A_98 = arith.constant 0 : i32
      %dma_wait3A_99 = tpu.memref_slice %arg2[%dma_wait3A_97, %dma_wait3A_98] : memref<10000x128xf32, #tpu.memory_space<hbm>> -> memref<10000x128xf32, #tpu.memory_space<hbm>>
      tpu.wait_indirect_dma semaphore(%arg12 : memref<!tpu.dma_semaphore, #tpu.memory_space<semaphore_mem>>) src(%dma_wait3A_99 : memref<10000x128xf32, #tpu.memory_space<hbm>>) dst(%arg9 : memref<128x128xf32, #tpu.memory_space<vmem>>)
      %add3A_100 = arith.constant 1 : i32
      %add3A_101 = arith.addi %rem3A_79, %add3A_100 : i32
      %dma_start3A_102 = arith.constant 0 : i32
      %dma_start3A_103 = tpu.memref_slice %arg7[%add3A_101, %dma_start3A_102] : memref<64x128xi32, #tpu.memory_space<vmem>> -> memref<1x128xi32, #tpu.memory_space<vmem>>
      %dma_start3A_104 = tpu.memref_squeeze %dma_start3A_103 : memref<1x128xi32, #tpu.memory_space<vmem>> -> memref<128xi32, #tpu.memory_space<vmem>>
      %dma_start3A_105 = arith.constant 0 : i32
      %dma_start3A_106 = arith.constant 0 : i32
      %dma_start3A_107 = tpu.memref_slice %arg10[%dma_start3A_105, %dma_start3A_106] : memref<10112x128xf32, #tpu.memory_space<vmem_shared>> -> memref<10112x128xf32, #tpu.memory_space<vmem_shared>>
      tpu.enqueue_indirect_dma source(%arg9 : memref<128x128xf32, #tpu.memory_space<vmem>>) target(%dma_start3A_107 : memref<10112x128xf32, #tpu.memory_space<vmem_shared>>) offsets(%dma_start3A_104 : memref<128xi32, #tpu.memory_space<vmem>>) semaphore(%arg14 : memref<!tpu.dma_semaphore, #tpu.memory_space<semaphore_mem>>) {add = true}
      %add3A_108 = arith.constant 2 : i32
      %add3A_109 = arith.addi %add3A_77, %add3A_108 : i32
      %lt3A = arith.cmpi slt, %add3A_109, %select_n3A : i32
      %convert_element_type3A = arith.extui %lt3A : i1 to i32
      %cond3A = arith.constant 0 : i32
      %cond3A_110 = arith.cmpi ne, %convert_element_type3A, %cond3A : i32
      scf.if %cond3A_110 {
        %add3A_111 = arith.constant 2 : i32
        %add3A_112 = arith.addi %add3A_77, %add3A_111 : i32
        %rem3A_113 = arith.constant 64 : i32
        %rem3A_114 = arith.remsi %add3A_112, %rem3A_113 : i32
        %dma_wait3A_115 = arith.constant 0 : i32
        %dma_wait3A_116 = tpu.memref_slice %arg7[%rem3A_79, %dma_wait3A_115] : memref<64x128xi32, #tpu.memory_space<vmem>> -> memref<1x128xi32, #tpu.memory_space<vmem>>
        %dma_wait3A_117 = tpu.memref_squeeze %dma_wait3A_116 : memref<1x128xi32, #tpu.memory_space<vmem>> -> memref<128xi32, #tpu.memory_space<vmem>>
        %dma_wait3A_118 = arith.constant 0 : i32
        %dma_wait3A_119 = arith.constant 0 : i32
        %dma_wait3A_120 = tpu.memref_slice %arg10[%dma_wait3A_118, %dma_wait3A_119] : memref<10112x128xf32, #tpu.memory_space<vmem_shared>> -> memref<10112x128xf32, #tpu.memory_space<vmem_shared>>
        tpu.wait_indirect_dma semaphore(%arg13 : memref<!tpu.dma_semaphore, #tpu.memory_space<semaphore_mem>>) src(%arg8 : memref<128x128xf32, #tpu.memory_space<vmem>>) dst(%dma_wait3A_120 : memref<10112x128xf32, #tpu.memory_space<vmem_shared>>)
        %add3A_121 = arith.constant 1 : i32
        %add3A_122 = arith.addi %rem3A_79, %add3A_121 : i32
        %dma_wait3A_123 = arith.constant 0 : i32
        %dma_wait3A_124 = tpu.memref_slice %arg7[%add3A_122, %dma_wait3A_123] : memref<64x128xi32, #tpu.memory_space<vmem>> -> memref<1x128xi32, #tpu.memory_space<vmem>>
        %dma_wait3A_125 = tpu.memref_squeeze %dma_wait3A_124 : memref<1x128xi32, #tpu.memory_space<vmem>> -> memref<128xi32, #tpu.memory_space<vmem>>
        %dma_wait3A_126 = arith.constant 0 : i32
        %dma_wait3A_127 = arith.constant 0 : i32
        %dma_wait3A_128 = tpu.memref_slice %arg10[%dma_wait3A_126, %dma_wait3A_127] : memref<10112x128xf32, #tpu.memory_space<vmem_shared>> -> memref<10112x128xf32, #tpu.memory_space<vmem_shared>>
        tpu.wait_indirect_dma semaphore(%arg14 : memref<!tpu.dma_semaphore, #tpu.memory_space<semaphore_mem>>) src(%arg9 : memref<128x128xf32, #tpu.memory_space<vmem>>) dst(%dma_wait3A_128 : memref<10112x128xf32, #tpu.memory_space<vmem_shared>>)
        %eq3A_129 = arith.constant 0 : i32
        %eq3A_130 = arith.cmpi eq, %rem3A_114, %eq3A_129 : i32
        %convert_element_type3A_131 = arith.extui %eq3A_130 : i1 to i32
        %cond3A_132 = arith.constant 0 : i32
        %cond3A_133 = arith.cmpi ne, %convert_element_type3A_131, %cond3A_132 : i32
        scf.if %cond3A_133 {
          %add3A_148 = arith.addi %multiple_of3A, %add3A_77 : i32
          %add3A_149 = arith.constant 2 : i32
          %add3A_150 = arith.addi %add3A_148, %add3A_149 : i32
          %multiple_of3A_151 = tpu.assume_multiple %add3A_150, 8 : i32
          "tpu.region"() ({
            %run_scoped3A = tpu.sem_alloc : memref<!tpu.dma_semaphore, #tpu.memory_space<semaphore_mem>>
            %dma_start3A_152 = arith.constant 0 : i32
            %dma_start3A_153 = tpu.memref_slice %arg3[%multiple_of3A_151, %dma_start3A_152] : memref<2624x128xi32, #tpu.memory_space<hbm>> -> memref<64x128xi32, #tpu.memory_space<hbm>>
            %dma_start3A_154 = arith.constant 0 : i32
            %dma_start3A_155 = tpu.memref_slice %arg3[%multiple_of3A_151, %dma_start3A_154] : memref<2624x128xi32, #tpu.memory_space<hbm>> -> memref<64x128xi32, #tpu.memory_space<hbm>>
            tpu.enqueue_dma source(%dma_start3A_155 : memref<64x128xi32, #tpu.memory_space<hbm>>) target(%arg6 : memref<64x128xi32, #tpu.memory_space<vmem>>) target_semaphore(%run_scoped3A : memref<!tpu.dma_semaphore, #tpu.memory_space<semaphore_mem>>)
            %dma_wait3A_156 = arith.constant 0 : i32
            %dma_wait3A_157 = tpu.memref_slice %arg3[%multiple_of3A_151, %dma_wait3A_156] : memref<2624x128xi32, #tpu.memory_space<hbm>> -> memref<64x128xi32, #tpu.memory_space<hbm>>
            %dma_wait3A_158 = arith.constant 0 : i32
            %dma_wait3A_159 = tpu.memref_slice %arg3[%multiple_of3A_151, %dma_wait3A_158] : memref<2624x128xi32, #tpu.memory_space<hbm>> -> memref<64x128xi32, #tpu.memory_space<hbm>>
            tpu.wait_dma2 semaphore(%run_scoped3A : memref<!tpu.dma_semaphore, #tpu.memory_space<semaphore_mem>>) src(%dma_wait3A_159 : memref<64x128xi32, #tpu.memory_space<hbm>>) dst(%arg6 : memref<64x128xi32, #tpu.memory_space<vmem>>)
            tpu.yield
          }) : () -> ()
          "tpu.region"() ({
            %run_scoped3A = tpu.sem_alloc : memref<!tpu.dma_semaphore, #tpu.memory_space<semaphore_mem>>
            %dma_start3A_152 = arith.constant 0 : i32
            %dma_start3A_153 = tpu.memref_slice %arg4[%multiple_of3A_151, %dma_start3A_152] : memref<2624x128xi32, #tpu.memory_space<hbm>> -> memref<64x128xi32, #tpu.memory_space<hbm>>
            %dma_start3A_154 = arith.constant 0 : i32
            %dma_start3A_155 = tpu.memref_slice %arg4[%multiple_of3A_151, %dma_start3A_154] : memref<2624x128xi32, #tpu.memory_space<hbm>> -> memref<64x128xi32, #tpu.memory_space<hbm>>
            tpu.enqueue_dma source(%dma_start3A_155 : memref<64x128xi32, #tpu.memory_space<hbm>>) target(%arg7 : memref<64x128xi32, #tpu.memory_space<vmem>>) target_semaphore(%run_scoped3A : memref<!tpu.dma_semaphore, #tpu.memory_space<semaphore_mem>>)
            %dma_wait3A_156 = arith.constant 0 : i32
            %dma_wait3A_157 = tpu.memref_slice %arg4[%multiple_of3A_151, %dma_wait3A_156] : memref<2624x128xi32, #tpu.memory_space<hbm>> -> memref<64x128xi32, #tpu.memory_space<hbm>>
            %dma_wait3A_158 = arith.constant 0 : i32
            %dma_wait3A_159 = tpu.memref_slice %arg4[%multiple_of3A_151, %dma_wait3A_158] : memref<2624x128xi32, #tpu.memory_space<hbm>> -> memref<64x128xi32, #tpu.memory_space<hbm>>
            tpu.wait_dma2 semaphore(%run_scoped3A : memref<!tpu.dma_semaphore, #tpu.memory_space<semaphore_mem>>) src(%dma_wait3A_159 : memref<64x128xi32, #tpu.memory_space<hbm>>) dst(%arg7 : memref<64x128xi32, #tpu.memory_space<vmem>>)
            tpu.yield
          }) : () -> ()
        } else {
        }
        %dma_start3A_134 = arith.constant 0 : i32
        %dma_start3A_135 = tpu.memref_slice %arg6[%rem3A_114, %dma_start3A_134] : memref<64x128xi32, #tpu.memory_space<vmem>> -> memref<1x128xi32, #tpu.memory_space<vmem>>
        %dma_start3A_136 = tpu.memref_squeeze %dma_start3A_135 : memref<1x128xi32, #tpu.memory_space<vmem>> -> memref<128xi32, #tpu.memory_space<vmem>>
        %dma_start3A_137 = arith.constant 0 : i32
        %dma_start3A_138 = arith.constant 0 : i32
        %dma_start3A_139 = tpu.memref_slice %arg2[%dma_start3A_137, %dma_start3A_138] : memref<10000x128xf32, #tpu.memory_space<hbm>> -> memref<10000x128xf32, #tpu.memory_space<hbm>>
        tpu.enqueue_indirect_dma source(%dma_start3A_139 : memref<10000x128xf32, #tpu.memory_space<hbm>>) target(%arg8 : memref<128x128xf32, #tpu.memory_space<vmem>>) offsets(%dma_start3A_136 : memref<128xi32, #tpu.memory_space<vmem>>) semaphore(%arg11 : memref<!tpu.dma_semaphore, #tpu.memory_space<semaphore_mem>>)
        %add3A_140 = arith.constant 1 : i32
        %add3A_141 = arith.addi %rem3A_114, %add3A_140 : i32
        %dma_start3A_142 = arith.constant 0 : i32
        %dma_start3A_143 = tpu.memref_slice %arg6[%add3A_141, %dma_start3A_142] : memref<64x128xi32, #tpu.memory_space<vmem>> -> memref<1x128xi32, #tpu.memory_space<vmem>>
        %dma_start3A_144 = tpu.memref_squeeze %dma_start3A_143 : memref<1x128xi32, #tpu.memory_space<vmem>> -> memref<128xi32, #tpu.memory_space<vmem>>
        %dma_start3A_145 = arith.constant 0 : i32
        %dma_start3A_146 = arith.constant 0 : i32
        %dma_start3A_147 = tpu.memref_slice %arg2[%dma_start3A_145, %dma_start3A_146] : memref<10000x128xf32, #tpu.memory_space<hbm>> -> memref<10000x128xf32, #tpu.memory_space<hbm>>
        tpu.enqueue_indirect_dma source(%dma_start3A_147 : memref<10000x128xf32, #tpu.memory_space<hbm>>) target(%arg9 : memref<128x128xf32, #tpu.memory_space<vmem>>) offsets(%dma_start3A_144 : memref<128xi32, #tpu.memory_space<vmem>>) semaphore(%arg12 : memref<!tpu.dma_semaphore, #tpu.memory_space<semaphore_mem>>)
      } else {
      }
    }
    %sub3A_51 = arith.constant 2 : i32
    %sub3A_52 = arith.subi %select_n3A, %sub3A_51 : i32
    %rem3A = arith.constant 64 : i32
    %rem3A_53 = arith.remsi %sub3A_52, %rem3A : i32
    %dma_wait3A = arith.constant 0 : i32
    %dma_wait3A_54 = tpu.memref_slice %arg7[%rem3A_53, %dma_wait3A] : memref<64x128xi32, #tpu.memory_space<vmem>> -> memref<1x128xi32, #tpu.memory_space<vmem>>
    %dma_wait3A_55 = tpu.memref_squeeze %dma_wait3A_54 : memref<1x128xi32, #tpu.memory_space<vmem>> -> memref<128xi32, #tpu.memory_space<vmem>>
    %dma_wait3A_56 = arith.constant 0 : i32
    %dma_wait3A_57 = arith.constant 0 : i32
    %dma_wait3A_58 = tpu.memref_slice %arg10[%dma_wait3A_56, %dma_wait3A_57] : memref<10112x128xf32, #tpu.memory_space<vmem_shared>> -> memref<10112x128xf32, #tpu.memory_space<vmem_shared>>
    tpu.wait_indirect_dma semaphore(%arg13 : memref<!tpu.dma_semaphore, #tpu.memory_space<semaphore_mem>>) src(%arg8 : memref<128x128xf32, #tpu.memory_space<vmem>>) dst(%dma_wait3A_58 : memref<10112x128xf32, #tpu.memory_space<vmem_shared>>)
    %add3A_59 = arith.constant 1 : i32
    %add3A_60 = arith.addi %rem3A_53, %add3A_59 : i32
    %dma_wait3A_61 = arith.constant 0 : i32
    %dma_wait3A_62 = tpu.memref_slice %arg7[%add3A_60, %dma_wait3A_61] : memref<64x128xi32, #tpu.memory_space<vmem>> -> memref<1x128xi32, #tpu.memory_space<vmem>>
    %dma_wait3A_63 = tpu.memref_squeeze %dma_wait3A_62 : memref<1x128xi32, #tpu.memory_space<vmem>> -> memref<128xi32, #tpu.memory_space<vmem>>
    %dma_wait3A_64 = arith.constant 0 : i32
    %dma_wait3A_65 = arith.constant 0 : i32
    %dma_wait3A_66 = tpu.memref_slice %arg10[%dma_wait3A_64, %dma_wait3A_65] : memref<10112x128xf32, #tpu.memory_space<vmem_shared>> -> memref<10112x128xf32, #tpu.memory_space<vmem_shared>>
    tpu.wait_indirect_dma semaphore(%arg14 : memref<!tpu.dma_semaphore, #tpu.memory_space<semaphore_mem>>) src(%arg9 : memref<128x128xf32, #tpu.memory_space<vmem>>) dst(%dma_wait3A_66 : memref<10112x128xf32, #tpu.memory_space<vmem_shared>>)
    %barrier3A_67 = arith.constant 0 : index
    tpu.barrier barrier_id(%barrier3A_67)
    %mul3A_68 = arith.constant 632 : i32
    %mul3A_69 = arith.muli %arg1, %mul3A_68 : i32
    %mul3A_70 = arith.constant 10112 : i32
    %mul3A_71 = arith.muli %arg0, %mul3A_70 : i32
    %mul3A_72 = arith.constant 632 : i32
    %mul3A_73 = arith.muli %arg1, %mul3A_72 : i32
    %add3A_74 = arith.addi %mul3A_71, %mul3A_73 : i32
    "tpu.region"() ({
      %run_scoped3A = tpu.sem_alloc : memref<!tpu.dma_semaphore, #tpu.memory_space<semaphore_mem>>
      %dma_start3A_75 = arith.constant 0 : i32
      %dma_start3A_76 = tpu.memref_slice %arg5[%add3A_74, %dma_start3A_75] : memref<20224x128xf32, #tpu.memory_space<hbm>> -> memref<632x128xf32, #tpu.memory_space<hbm>>
      %dma_start3A_77 = arith.constant 0 : i32
      %dma_start3A_78 = tpu.memref_slice %arg10[%mul3A_69, %dma_start3A_77] : memref<10112x128xf32, #tpu.memory_space<vmem_shared>> -> memref<632x128xf32, #tpu.memory_space<vmem_shared>>
      tpu.enqueue_dma source(%dma_start3A_78 : memref<632x128xf32, #tpu.memory_space<vmem_shared>>) target(%dma_start3A_76 : memref<632x128xf32, #tpu.memory_space<hbm>>) target_semaphore(%run_scoped3A : memref<!tpu.dma_semaphore, #tpu.memory_space<semaphore_mem>>)
      %dma_wait3A_79 = arith.constant 0 : i32
      %dma_wait3A_80 = tpu.memref_slice %arg5[%add3A_74, %dma_wait3A_79] : memref<20224x128xf32, #tpu.memory_space<hbm>> -> memref<632x128xf32, #tpu.memory_space<hbm>>
      %dma_wait3A_81 = arith.constant 0 : i32
      %dma_wait3A_82 = tpu.memref_slice %arg10[%mul3A_69, %dma_wait3A_81] : memref<10112x128xf32, #tpu.memory_space<vmem_shared>> -> memref<632x128xf32, #tpu.memory_space<vmem_shared>>
      tpu.wait_dma2 semaphore(%run_scoped3A : memref<!tpu.dma_semaphore, #tpu.memory_space<semaphore_mem>>) src(%dma_wait3A_82 : memref<632x128xf32, #tpu.memory_space<vmem_shared>>) dst(%dma_wait3A_80 : memref<632x128xf32, #tpu.memory_space<hbm>>)
      tpu.yield
    }) : () -> ()
    return
  }
}

module attributes {stable_mosaic.version = 14 : i64} {
  func.func @_tc_first_body(%arg0: i32, %arg1: memref<2x1000x16xf32, #tpu.memory_space<vmem>>, %arg2: memref<1000x128xf32, #tpu.memory_space<vmem>>, %arg3: memref<128x128xf32, #tpu.memory_space<vmem>>, %arg4: memref<1000x128xf32, #tpu.memory_space<vmem>>, %arg5: memref<1000x16xf32, #tpu.memory_space<vmem>>) attributes {dimension_semantics = [#tpu.dimension_semantics<arbitrary>], iteration_bounds = array<i64: 10>, scalar_prefetch = 0 : i64, scratch_operands = 0 : i64, tpu.core_type = #tpu.core_type<tc>, window_params = [{transform_indices = @transform_0, window_bounds = array<i64: 2, 1000, 16>}, {transform_indices = @transform_1, window_bounds = array<i64: 1000, 128>}, {pipeline_mode = #tpu.pipeline_mode<synchronous>, transform_indices = @transform_2, window_bounds = array<i64: 128, 128>}, {transform_indices = @transform_3, window_bounds = array<i64: 1000, 128>}, {transform_indices = @transform_4, window_bounds = array<i64: 1000, 16>}]} {
    %get3A = arith.constant 0 : index
    %get3A_0 = arith.constant 0 : index
    %get3A_1 = arith.constant 0 : index
    %get3A_2 = vector.load %arg1[%get3A, %get3A_0, %get3A_1] : memref<2x1000x16xf32, #tpu.memory_space<vmem>>, vector<1x1000x16xf32>
    %get3A_3 = vector.shape_cast %get3A_2 : vector<1x1000x16xf32> to vector<1000x16xf32>
    %slice3A = vector.extract_strided_slice %get3A_3 {offsets = [0, 0], sizes = [1000, 1], strides = [1, 1]} : vector<1000x16xf32> to vector<1000x1xf32>
    %get3A_4 = arith.constant 1 : index
    %get3A_5 = arith.constant 0 : index
    %get3A_6 = arith.constant 0 : index
    %get3A_7 = vector.load %arg1[%get3A_4, %get3A_5, %get3A_6] : memref<2x1000x16xf32, #tpu.memory_space<vmem>>, vector<1x1000x16xf32>
    %get3A_8 = vector.shape_cast %get3A_7 : vector<1x1000x16xf32> to vector<1000x16xf32>
    %slice3A_9 = vector.extract_strided_slice %get3A_8 {offsets = [0, 0], sizes = [1000, 1], strides = [1, 1]} : vector<1000x16xf32> to vector<1000x1xf32>
    %add3A = arith.addf %slice3A, %slice3A_9 : vector<1000x1xf32>
    %add3A_10 = arith.constant 1.000000e+00 : f32
    %add3A_11 = vector.broadcast %add3A_10 : f32 to vector<1000x1xf32>
    %add3A_12 = arith.addf %add3A_11, %add3A : vector<1000x1xf32>
    %rsqrt3A = math.rsqrt %add3A_12 : vector<1000x1xf32>
    %get3A_13 = arith.constant 0 : index
    %get3A_14 = arith.constant 0 : index
    %get3A_15 = vector.load %arg2[%get3A_13, %get3A_14] : memref<1000x128xf32, #tpu.memory_space<vmem>>, vector<1000x128xf32>
    %mul3A = vector.broadcast %rsqrt3A : vector<1000x1xf32> to vector<1000x128xf32>
    %mul3A_16 = arith.mulf %get3A_15, %mul3A : vector<1000x128xf32>
    %get3A_17 = arith.constant 0 : index
    %get3A_18 = arith.constant 0 : index
    %get3A_19 = vector.load %arg3[%get3A_17, %get3A_18] : memref<128x128xf32, #tpu.memory_space<vmem>>, vector<128x128xf32>
    %dot_general3A = arith.constant dense<0.000000e+00> : vector<1000x128xf32>
    %dot_general3A_20 = tpu.matmul %mul3A_16, %get3A_19, %dot_general3A {dimension_numbers = #tpu.dot_dimension_numbers<[1], [0], [0], [1], [0, 0, 1, 1], [], []>, precision = #tpu.contract_precision<fp32>, transpose_lhs_hint = false} : vector<1000x128xf32>, vector<128x128xf32>, vector<1000x128xf32> -> vector<1000x128xf32>
    %swap3A = arith.constant 0 : index
    %swap3A_21 = arith.constant 0 : index
    %swap3A_22 = vector.load %arg4[%swap3A, %swap3A_21] : memref<1000x128xf32, #tpu.memory_space<vmem>>, vector<1000x128xf32>
    tpu.vector_store %arg4[%swap3A, %swap3A_21], %dot_general3A_20 {strides = array<i32>} : memref<1000x128xf32, #tpu.memory_space<vmem>>, vector<1000x128xf32>,
    %broadcast_in_dim3A = vector.shape_cast %rsqrt3A : vector<1000x1xf32> to vector<1000x1xf32>
    %broadcast_in_dim3A_23 = vector.broadcast %broadcast_in_dim3A : vector<1000x1xf32> to vector<1000x16xf32>
    %swap3A_24 = arith.constant 0 : index
    %swap3A_25 = arith.constant 0 : index
    %swap3A_26 = vector.load %arg5[%swap3A_24, %swap3A_25] : memref<1000x16xf32, #tpu.memory_space<vmem>>, vector<1000x16xf32>
    tpu.vector_store %arg5[%swap3A_24, %swap3A_25], %broadcast_in_dim3A_23 {strides = array<i32>} : memref<1000x16xf32, #tpu.memory_space<vmem>>, vector<1000x16xf32>,
    return
  }
  func.func @transform_0(%arg0: i32) -> (i32, i32, i32) {
    %c0_i32 = arith.constant 0 : i32
    %c0_i32_0 = arith.constant 0 : i32
    %c0_i32_1 = arith.constant 0 : i32
    return %c0_i32, %arg0, %c0_i32_0 : i32, i32, i32
  }
  func.func @transform_1(%arg0: i32) -> (i32, i32) {
    %c0_i32 = arith.constant 0 : i32
    %c0_i32_0 = arith.constant 0 : i32
    return %arg0, %c0_i32 : i32, i32
  }
  func.func @transform_2(%arg0: i32) -> (i32, i32) {
    %c0_i32 = arith.constant 0 : i32
    %c0_i32_0 = arith.constant 0 : i32
    %c0_i32_1 = arith.constant 0 : i32
    return %c0_i32, %c0_i32_0 : i32, i32
  }
  func.func @transform_3(%arg0: i32) -> (i32, i32) {
    %c0_i32 = arith.constant 0 : i32
    %c0_i32_0 = arith.constant 0 : i32
    return %arg0, %c0_i32 : i32, i32
  }
  func.func @transform_4(%arg0: i32) -> (i32, i32) {
    %c0_i32 = arith.constant 0 : i32
    %c0_i32_0 = arith.constant 0 : i32
    return %arg0, %c0_i32 : i32, i32
  }
}

module attributes {stable_mosaic.version = 14 : i64} {
  func.func @_tc_mid_body(%arg0: i32, %arg1: memref<2x1000x128xf32, #tpu.memory_space<vmem>>, %arg2: memref<1000x128xf32, #tpu.memory_space<vmem>>, %arg3: memref<1000x16xf32, #tpu.memory_space<vmem>>, %arg4: memref<1x128xf32, #tpu.memory_space<vmem>>, %arg5: memref<128x128xf32, #tpu.memory_space<vmem>>, %arg6: memref<1000x128xf32, #tpu.memory_space<vmem>>) attributes {dimension_semantics = [#tpu.dimension_semantics<arbitrary>], iteration_bounds = array<i64: 10>, scalar_prefetch = 0 : i64, scratch_operands = 0 : i64, tpu.core_type = #tpu.core_type<tc>, window_params = [{transform_indices = @transform_0, window_bounds = array<i64: 2, 1000, 128>}, {transform_indices = @transform_1, window_bounds = array<i64: 1000, 128>}, {transform_indices = @transform_2, window_bounds = array<i64: 1000, 16>}, {pipeline_mode = #tpu.pipeline_mode<synchronous>, transform_indices = @transform_3, window_bounds = array<i64: 1, 128>}, {pipeline_mode = #tpu.pipeline_mode<synchronous>, transform_indices = @transform_4, window_bounds = array<i64: 128, 128>}, {transform_indices = @transform_5, window_bounds = array<i64: 1000, 128>}]} {
    %get3A = arith.constant 0 : index
    %get3A_0 = arith.constant 0 : index
    %get3A_1 = vector.load %arg3[%get3A, %get3A_0] : memref<1000x16xf32, #tpu.memory_space<vmem>>, vector<1000x1xf32>
    %get3A_2 = arith.constant 0 : index
    %get3A_3 = arith.constant 0 : index
    %get3A_4 = arith.constant 0 : index
    %get3A_5 = vector.load %arg1[%get3A_2, %get3A_3, %get3A_4] : memref<2x1000x128xf32, #tpu.memory_space<vmem>>, vector<1x1000x128xf32>
    %get3A_6 = vector.shape_cast %get3A_5 : vector<1x1000x128xf32> to vector<1000x128xf32>
    %get3A_7 = arith.constant 1 : index
    %get3A_8 = arith.constant 0 : index
    %get3A_9 = arith.constant 0 : index
    %get3A_10 = vector.load %arg1[%get3A_7, %get3A_8, %get3A_9] : memref<2x1000x128xf32, #tpu.memory_space<vmem>>, vector<1x1000x128xf32>
    %get3A_11 = vector.shape_cast %get3A_10 : vector<1x1000x128xf32> to vector<1000x128xf32>
    %add3A = arith.addf %get3A_6, %get3A_11 : vector<1000x128xf32>
    %get3A_12 = arith.constant 0 : index
    %get3A_13 = arith.constant 0 : index
    %get3A_14 = vector.load %arg2[%get3A_12, %get3A_13] : memref<1000x128xf32, #tpu.memory_space<vmem>>, vector<1000x128xf32>
    %add3A_15 = arith.addf %add3A, %get3A_14 : vector<1000x128xf32>
    %mul3A = vector.broadcast %get3A_1 : vector<1000x1xf32> to vector<1000x128xf32>
    %mul3A_16 = arith.mulf %add3A_15, %mul3A : vector<1000x128xf32>
    %get3A_17 = arith.constant 0 : index
    %get3A_18 = arith.constant 0 : index
    %get3A_19 = vector.load %arg4[%get3A_17, %get3A_18] : memref<1x128xf32, #tpu.memory_space<vmem>>, vector<1x128xf32>
    %add3A_20 = vector.broadcast %get3A_19 : vector<1x128xf32> to vector<1000x128xf32>
    %add3A_21 = arith.addf %mul3A_16, %add3A_20 : vector<1000x128xf32>
    %max3A = arith.constant 0.000000e+00 : f32
    %max3A_22 = vector.broadcast %max3A : f32 to vector<1000x128xf32>
    %max3A_23 = arith.maximumf %add3A_21, %max3A_22 : vector<1000x128xf32>
    %mul3A_24 = vector.broadcast %get3A_1 : vector<1000x1xf32> to vector<1000x128xf32>
    %mul3A_25 = arith.mulf %max3A_23, %mul3A_24 : vector<1000x128xf32>
    %get3A_26 = arith.constant 0 : index
    %get3A_27 = arith.constant 0 : index
    %get3A_28 = vector.load %arg5[%get3A_26, %get3A_27] : memref<128x128xf32, #tpu.memory_space<vmem>>, vector<128x128xf32>
    %dot_general3A = arith.constant dense<0.000000e+00> : vector<1000x128xf32>
    %dot_general3A_29 = tpu.matmul %mul3A_25, %get3A_28, %dot_general3A {dimension_numbers = #tpu.dot_dimension_numbers<[1], [0], [0], [1], [0, 0, 1, 1], [], []>, precision = #tpu.contract_precision<fp32>, transpose_lhs_hint = false} : vector<1000x128xf32>, vector<128x128xf32>, vector<1000x128xf32> -> vector<1000x128xf32>
    %swap3A = arith.constant 0 : index
    %swap3A_30 = arith.constant 0 : index
    %swap3A_31 = vector.load %arg6[%swap3A, %swap3A_30] : memref<1000x128xf32, #tpu.memory_space<vmem>>, vector<1000x128xf32>
    tpu.vector_store %arg6[%swap3A, %swap3A_30], %dot_general3A_29 {strides = array<i32>} : memref<1000x128xf32, #tpu.memory_space<vmem>>, vector<1000x128xf32>,
    return
  }
  func.func @transform_0(%arg0: i32) -> (i32, i32, i32) {
    %c0_i32 = arith.constant 0 : i32
    %c0_i32_0 = arith.constant 0 : i32
    %c0_i32_1 = arith.constant 0 : i32
    return %c0_i32, %arg0, %c0_i32_0 : i32, i32, i32
  }
  func.func @transform_1(%arg0: i32) -> (i32, i32) {
    %c0_i32 = arith.constant 0 : i32
    %c0_i32_0 = arith.constant 0 : i32
    return %arg0, %c0_i32 : i32, i32
  }
  func.func @transform_2(%arg0: i32) -> (i32, i32) {
    %c0_i32 = arith.constant 0 : i32
    %c0_i32_0 = arith.constant 0 : i32
    return %arg0, %c0_i32 : i32, i32
  }
  func.func @transform_3(%arg0: i32) -> (i32, i32) {
    %c0_i32 = arith.constant 0 : i32
    %c0_i32_0 = arith.constant 0 : i32
    %c0_i32_1 = arith.constant 0 : i32
    return %c0_i32, %c0_i32_0 : i32, i32
  }
  func.func @transform_4(%arg0: i32) -> (i32, i32) {
    %c0_i32 = arith.constant 0 : i32
    %c0_i32_0 = arith.constant 0 : i32
    %c0_i32_1 = arith.constant 0 : i32
    return %c0_i32, %c0_i32_0 : i32, i32
  }
  func.func @transform_5(%arg0: i32) -> (i32, i32) {
    %c0_i32 = arith.constant 0 : i32
    %c0_i32_0 = arith.constant 0 : i32
    return %arg0, %c0_i32 : i32, i32
  }
}

module attributes {stable_mosaic.version = 14 : i64} {
  func.func @_tc_last_body(%arg0: i32, %arg1: memref<2x1000x128xf32, #tpu.memory_space<vmem>>, %arg2: memref<1000x128xf32, #tpu.memory_space<vmem>>, %arg3: memref<1000x16xf32, #tpu.memory_space<vmem>>, %arg4: memref<1x128xf32, #tpu.memory_space<vmem>>, %arg5: memref<1000x128xf32, #tpu.memory_space<vmem>>, %arg6: memref<1000x128xf32, #tpu.memory_space<vmem>>) attributes {dimension_semantics = [#tpu.dimension_semantics<arbitrary>], iteration_bounds = array<i64: 10>, scalar_prefetch = 0 : i64, scratch_operands = 0 : i64, tpu.core_type = #tpu.core_type<tc>, window_params = [{transform_indices = @transform_0, window_bounds = array<i64: 2, 1000, 128>}, {transform_indices = @transform_1, window_bounds = array<i64: 1000, 128>}, {transform_indices = @transform_2, window_bounds = array<i64: 1000, 16>}, {pipeline_mode = #tpu.pipeline_mode<synchronous>, transform_indices = @transform_3, window_bounds = array<i64: 1, 128>}, {transform_indices = @transform_4, window_bounds = array<i64: 1000, 128>}, {transform_indices = @transform_5, window_bounds = array<i64: 1000, 128>}]} {
    %get3A = arith.constant 0 : index
    %get3A_0 = arith.constant 0 : index
    %get3A_1 = vector.load %arg3[%get3A, %get3A_0] : memref<1000x16xf32, #tpu.memory_space<vmem>>, vector<1000x1xf32>
    %get3A_2 = arith.constant 0 : index
    %get3A_3 = arith.constant 0 : index
    %get3A_4 = arith.constant 0 : index
    %get3A_5 = vector.load %arg1[%get3A_2, %get3A_3, %get3A_4] : memref<2x1000x128xf32, #tpu.memory_space<vmem>>, vector<1x1000x128xf32>
    %get3A_6 = vector.shape_cast %get3A_5 : vector<1x1000x128xf32> to vector<1000x128xf32>
    %get3A_7 = arith.constant 1 : index
    %get3A_8 = arith.constant 0 : index
    %get3A_9 = arith.constant 0 : index
    %get3A_10 = vector.load %arg1[%get3A_7, %get3A_8, %get3A_9] : memref<2x1000x128xf32, #tpu.memory_space<vmem>>, vector<1x1000x128xf32>
    %get3A_11 = vector.shape_cast %get3A_10 : vector<1x1000x128xf32> to vector<1000x128xf32>
    %add3A = arith.addf %get3A_6, %get3A_11 : vector<1000x128xf32>
    %get3A_12 = arith.constant 0 : index
    %get3A_13 = arith.constant 0 : index
    %get3A_14 = vector.load %arg2[%get3A_12, %get3A_13] : memref<1000x128xf32, #tpu.memory_space<vmem>>, vector<1000x128xf32>
    %add3A_15 = arith.addf %add3A, %get3A_14 : vector<1000x128xf32>
    %mul3A = vector.broadcast %get3A_1 : vector<1000x1xf32> to vector<1000x128xf32>
    %mul3A_16 = arith.mulf %add3A_15, %mul3A : vector<1000x128xf32>
    %get3A_17 = arith.constant 0 : index
    %get3A_18 = arith.constant 0 : index
    %get3A_19 = vector.load %arg4[%get3A_17, %get3A_18] : memref<1x128xf32, #tpu.memory_space<vmem>>, vector<1x128xf32>
    %add3A_20 = vector.broadcast %get3A_19 : vector<1x128xf32> to vector<1000x128xf32>
    %add3A_21 = arith.addf %mul3A_16, %add3A_20 : vector<1000x128xf32>
    %max3A = arith.constant 0.000000e+00 : f32
    %max3A_22 = vector.broadcast %max3A : f32 to vector<1000x128xf32>
    %max3A_23 = arith.maximumf %add3A_21, %max3A_22 : vector<1000x128xf32>
    %reduce_max3A = arith.constant dense<0xFF800000> : vector<1000xf32>
    %reduce_max3A_24 = vector.multi_reduction <maximumf>, %max3A_23, %reduce_max3A [1] : vector<1000x128xf32> to vector<1000xf32>
    %broadcast_in_dim3A = vector.shape_cast %reduce_max3A_24 : vector<1000xf32> to vector<1000x1xf32>
    %sub3A = vector.broadcast %broadcast_in_dim3A : vector<1000x1xf32> to vector<1000x128xf32>
    %sub3A_25 = arith.subf %max3A_23, %sub3A : vector<1000x128xf32>
    %sub3A_26 = vector.broadcast %broadcast_in_dim3A : vector<1000x1xf32> to vector<1000x128xf32>
    %sub3A_27 = arith.subf %max3A_23, %sub3A_26 : vector<1000x128xf32>
    %exp3A = math.exp %sub3A_27 : vector<1000x128xf32>
    %reduce_sum3A = arith.constant dense<0.000000e+00> : vector<1000xf32>
    %reduce_sum3A_28 = vector.multi_reduction <add>, %exp3A, %reduce_sum3A [1] : vector<1000x128xf32> to vector<1000xf32>
    %broadcast_in_dim3A_29 = vector.shape_cast %reduce_sum3A_28 : vector<1000xf32> to vector<1000x1xf32>
    %log3A = math.log %broadcast_in_dim3A_29 : vector<1000x1xf32>
    %sub3A_30 = vector.broadcast %log3A : vector<1000x1xf32> to vector<1000x128xf32>
    %sub3A_31 = arith.subf %sub3A_25, %sub3A_30 : vector<1000x128xf32>
    %swap3A = arith.constant 0 : index
    %swap3A_32 = arith.constant 0 : index
    %swap3A_33 = vector.load %arg5[%swap3A, %swap3A_32] : memref<1000x128xf32, #tpu.memory_space<vmem>>, vector<1000x128xf32>
    tpu.vector_store %arg5[%swap3A, %swap3A_32], %sub3A_31 {strides = array<i32>} : memref<1000x128xf32, #tpu.memory_space<vmem>>, vector<1000x128xf32>,
    %swap3A_34 = arith.constant 0 : index
    %swap3A_35 = arith.constant 0 : index
    %swap3A_36 = vector.load %arg6[%swap3A_34, %swap3A_35] : memref<1000x128xf32, #tpu.memory_space<vmem>>, vector<1000x128xf32>
    tpu.vector_store %arg6[%swap3A_34, %swap3A_35], %max3A_23 {strides = array<i32>} : memref<1000x128xf32, #tpu.memory_space<vmem>>, vector<1000x128xf32>,
    return
  }
  func.func @transform_0(%arg0: i32) -> (i32, i32, i32) {
    %c0_i32 = arith.constant 0 : i32
    %c0_i32_0 = arith.constant 0 : i32
    %c0_i32_1 = arith.constant 0 : i32
    return %c0_i32, %arg0, %c0_i32_0 : i32, i32, i32
  }
  func.func @transform_1(%arg0: i32) -> (i32, i32) {
    %c0_i32 = arith.constant 0 : i32
    %c0_i32_0 = arith.constant 0 : i32
    return %arg0, %c0_i32 : i32, i32
  }
  func.func @transform_2(%arg0: i32) -> (i32, i32) {
    %c0_i32 = arith.constant 0 : i32
    %c0_i32_0 = arith.constant 0 : i32
    return %arg0, %c0_i32 : i32, i32
  }
  func.func @transform_3(%arg0: i32) -> (i32, i32) {
    %c0_i32 = arith.constant 0 : i32
    %c0_i32_0 = arith.constant 0 : i32
    %c0_i32_1 = arith.constant 0 : i32
    return %c0_i32, %c0_i32_0 : i32, i32
  }
  func.func @transform_4(%arg0: i32) -> (i32, i32) {
    %c0_i32 = arith.constant 0 : i32
    %c0_i32_0 = arith.constant 0 : i32
    return %arg0, %c0_i32 : i32, i32
  }
  func.func @transform_5(%arg0: i32) -> (i32, i32) {
    %c0_i32 = arith.constant 0 : i32
    %c0_i32_0 = arith.constant 0 : i32
    return %arg0, %c0_i32 : i32, i32
  }
}

</mosaic_0001>

<sc_bundles>
// kernel: kernel.11.cloned.1.call-start
scs
__scs_entry_jumppad:
0x0: {  	(pc) =	sbr.rel $0x88, $3  }
0x1: {  	(tag) =	ssettag $0x0;
	lr =	simm.s32 $0x1  }
0x2: {  	[smem:$0x3F9B] =	sst lr;
	_ =	strace $0xD0000000  }
0x3: {  	_ = 	snop  }
0x4: {  	_ = 	snop  }
0x5: {  	_ = 	snop  }
0x6: {  	_ = 	snop  }
0x7: {  	_ = 	snop  }
__scs_overlays_trampoline_lowered:
0x8: {  	[smem:$0x3FAA] =	sst s0  }
0x9: {  	[smem:$0x3FAB] =	sst s1  }
0xa: {  	[smem:$0x3FAC] =	sst s2  }
0xb: {  	[smem:$0x3FAD] =	sst s3  }
0xc: {  	[smem:$0x3FAE] =	sst s4  }
0xd: {  	[smem:$0x3FAF] =	sst s5  }
0xe: {  	[smem:$0x3FB0] =	sst s6  }
0xf: {  	[smem:$0x3FB1] =	sst s7  }
0x10: {  	[smem:$0x3FB2] =	sst s8  }
0x11: {  	[smem:$0x3FB3] =	sst s9;
	s0 =	simm.s32 @!p0 $0x0  }
0x12: {  	s1 =	sld [smem:$0x3F99];
	s0 =	simm.s32 @p0 $0x1  }
0x13: {  	[smem:$0x3FB4] =	sst s0;
	s0 =	simm.s32 @!p1 $0x0  }
0x14: {  	s2 =	sld [smem:$0x3F98];
	s0 =	simm.s32 @p1 $0x1  }
0x15: {  	[smem:$0x3FB5] =	sst s0;
	s0 =	simm.s32 @!p2 $0x0  }
0x16: {  	s3 =	sld [smem:$0x3FDB];
	s0 =	simm.s32 @p2 $0x1  }
0x17: {  	s4 =	simm.s32 $0x1BF5;
	[smem:$0x3FB7] =	sst s0  }
0x18: {  	s0 =	sld [smem:$0x3F9A];
	_ =	swait.ge [sflag:s4], $0x0  }
0x19: {  	s7 =	sld [smem:$0x3F9B]  }
0x1a: {  	s8 =	sadd.s32 $0xFFFFE003, lr  }
0x1b: {  	s9 =	sadd.s32 $0xFFFFFEF7, lr;
	s5 =	simm.s32 $0xFFFFFFFF;
	p2 =	slt.u32 s8, $0xFFFFF086  }
0x1c: {  	p1 =	slt.u32 s9, $0xF7A;
	s5 =	simm.s32 @!p2 $0x0  }
0x1d: {  	s5 =	simm.s32 @p1 $0x1;
	p0 =	seq.s32 s7, s2  }
0x1e: {  	s7 =	smul.u32 @!p0 $0xF7A, s2;
	p2 =	seq.s32 @!p0 s5, $0x0  }
0x1f: {  	s9 =	smul.u32 $0xF7A, s1;
	s8 =	simm.s32 @!p0 $0x1BF5;
	p2 =	por !p2, p0  }
0x20: {  	[sflag:s8] =	ssyncset.s32 @!p0 $0xFFFFF086;
	s6 =	sadd.s32 @!p0 s3, s7;
	s7 =	simm.s32 @!p0 $0x108  }
0x21: {  	s3 =	sadd.s32 s3, s9;
	s6 =	sadd.s32 @!p0 $0x88, s6;
	s7 =	simm.s32 @p2 $0x1082  }
0x22: {  	[simem:s7], [sflag:s8] =	dma.local @!p0 [hbm:s6], $0xF7A  }
0x23: {  	s9 =	sor.u32 $0xD0000000, s2;
	s6 =	simm.s32 $0x108;
	_ =	swait.ge @!p0 [sflag:s8], $0x0  }
0x24: {  	s3 =	sadd.s32 $0x88, s3;
	s6 =	simm.s32 @!p1 $0x1082;
	[sflag:s4] =	ssyncset.s32 $0xFFFFF086  }
0x25: {  	[simem:s6], [sflag:s4] =	dma.local [hbm:s3], $0xF7A  }
0x26: {  	[smem:$0x3F9B] =	sst s1;
	(tag) =	ssettag s2;
	_ =	strace s9  }
0x27: {  	s1 =	sld [smem:$0x3FAB]  }
0x28: {  	s2 =	sld [smem:$0x3FAC]  }
0x29: {  	s4 =	sld [smem:$0x3FAE]  }
0x2a: {  	p0 =	seq.s32 s5, $0x0;
	s5 =	sld [smem:$0x3FAF]  }
0x2b: {  	s6 =	sld [smem:$0x3FB0]  }
0x2c: {  	s7 =	sld [smem:$0x3FB1]  }
0x2d: {  	s3 =	simm.s32 $0x108;
	s8 =	sld [smem:$0x3FB2]  }
0x2e: {  	s3 =	simm.s32 @!p0 $0x1082;
	s9 =	sld [smem:$0x3FB3]  }
0x2f: {  	lr =	sadd.s32 s0, s3;
	s0 =	sld [smem:$0x3FAA]  }
0x30: {  	s3 =	sld [smem:$0x3FAD]  }
0x31: {  	[smem:$0x3FB6] =	sst s10  }
0x32: {  	s10 =	sld [smem:$0x3FB4];
	_ =	sdelay $0x3  }
0x33: {  	p0 =	seq.s32 s10, $0x1;
	s10 =	sld [smem:$0x3FB6];
	_ =	sdelay $0x3  }
0x34: {  	[smem:$0x3FB6] =	sst s10  }
0x35: {  	s10 =	sld [smem:$0x3FB5];
	_ =	sdelay $0x3  }
0x36: {  	p1 =	seq.s32 s10, $0x1;
	s10 =	sld [smem:$0x3FB6];
	_ =	sdelay $0x3  }
0x37: {  	[smem:$0x3FB6] =	sst s10  }
0x38: {  	s10 =	sld [smem:$0x3FB7]  }
0x39: {  	_ = 	snop;
	(pc) =	sbr.ind lr, $3  }
0x3a: {  	_ = 	snop  }
0x3b: {  	_ = 	snop  }
0x3c: {  	p2 =	seq.s32 s10, $0x1;
	s10 =	sld [smem:$0x3FB6]  }
0x3d: {  	_ =	shalt  }
0x3e: {  	_ =	shalt  }
0x3f: {  	_ =	shalt  }
0x40: {  	_ =	shalt  }
0x41: {  	_ =	shalt  }
0x42: {  	_ =	shalt  }
0x43: {  	_ =	shalt  }
0x44: {  	_ =	shalt  }
0x45: {  	_ =	shalt  }
0x46: {  	_ =	shalt  }
0x47: {  	_ =	shalt  }
0x48: {  	_ =	shalt  }
0x49: {  	_ =	shalt  }
0x4a: {  	_ =	shalt  }
0x4b: {  	_ =	shalt  }
0x4c: {  	_ =	shalt  }
0x4d: {  	_ =	shalt  }
0x4e: {  	_ =	shalt  }
0x4f: {  	_ =	shalt  }
0x50: {  	_ =	shalt  }
0x51: {  	_ =	shalt  }
0x52: {  	_ =	shalt  }
0x53: {  	_ =	shalt  }
0x54: {  	_ =	shalt  }
0x55: {  	_ =	shalt  }
0x56: {  	_ =	shalt  }
0x57: {  	_ =	shalt  }
0x58: {  	_ =	shalt  }
0x59: {  	_ =	shalt  }
0x5a: {  	_ =	shalt  }
0x5b: {  	_ =	shalt  }
0x5c: {  	_ =	shalt  }
0x5d: {  	_ =	shalt  }
0x5e: {  	_ =	shalt  }
0x5f: {  	_ =	shalt  }
0x60: {  	_ =	shalt  }
0x61: {  	_ =	shalt  }
0x62: {  	_ =	shalt  }
0x63: {  	_ =	shalt  }
0x64: {  	_ =	shalt  }
0x65: {  	_ =	shalt  }
0x66: {  	_ =	shalt  }
0x67: {  	_ =	shalt  }
0x68: {  	_ =	shalt  }
0x69: {  	_ =	shalt  }
0x6a: {  	_ =	shalt  }
0x6b: {  	_ =	shalt  }
0x6c: {  	_ =	shalt  }
0x6d: {  	_ =	shalt  }
0x6e: {  	_ =	shalt  }
0x6f: {  	_ =	shalt  }
0x70: {  	_ =	shalt  }
0x71: {  	_ =	shalt  }
0x72: {  	_ =	shalt  }
0x73: {  	_ =	shalt  }
0x74: {  	_ =	shalt  }
0x75: {  	_ =	shalt  }
0x76: {  	_ =	shalt  }
0x77: {  	_ =	shalt  }
0x78: {  	_ =	shalt  }
0x79: {  	_ =	shalt  }
0x7a: {  	_ =	shalt  }
0x7b: {  	_ =	shalt  }
0x7c: {  	_ =	shalt  }
0x7d: {  	_ =	shalt  }
0x7e: {  	_ =	shalt  }
0x7f: {  	_ =	shalt  }
0x80: {  	_ =	shalt  }
0x81: {  	_ =	shalt  }
0x82: {  	_ =	shalt  }
0x83: {  	_ =	shalt  }
0x84: {  	_ =	shalt  }
0x85: {  	_ =	shalt  }
0x86: {  	_ =	shalt  }
0x87: {  	_ =	shalt  }
.Lfunc_end0:
.L_simem_size_0:
called_computation.1_lowered:
.L_overlay_start_0:
0x88: {  	s2 =	sld [smem:$0x3FD9]  }
0x89: {  	s3 =	sld [smem:$0x3FFE];
	_ =	sdelay $0x1  }
0x8a: {  	s1 =	srdreg.scid  }
0x8b: {  	s0 =	sand.u32 $0x1, s1  }
0x8c: {  	s14 =	sshll.u32 s0, $0xA;
	s2 =	sadd.s32 s3, s2  }
0x8d: {  	s2 =	sadd.s32 s2, s14  }
0x8e: {  	[smem:$0x3FC2] =	sst s2  }
0x8f: {  	_ = 	snop  }
0x90: {  	s2 =	sld [smem:$0x3FD0];
	_ =	sdelay $0x2  }
0x91: {  	s15 =	simm.s32 $0xA;
	s4 =	simm.s32 $0x10  }
0x92: {  	[smem:s4], [sflag:s15] =	dma.local [hbm:s2], $0x1  }
0x93: {  	_ =	swait.eq [sflag:s15], $0x1  }
0x94: {  	[sflag:s15] =	ssyncset.done $0x0  }
0x95: {  	s16 =	sld [smem:$0x10];
	[sflag:s15] =	ssyncadd.s32 $0xFFFFFFFF  }
0x96: {  	s17 =	sld [smem:$0x11];
	(tm) =	ssettm $0x1  }
0x97: {  	s18 =	sld [smem:$0x3FFB];
	_ =	sdelay $0x3  }
0x98: {  	_ =	strace s18  }
0x99: {  	s4 =	sld [smem:$0x3FFC];
	_ =	sdelay $0x3  }
0x9a: {  	_ =	strace s4  }
0x9b: {  	s4 =	sld [smem:$0x3FFD];
	_ =	sdelay $0x3  }
0x9c: {  	_ =	strace s4  }
0x9d: {  	_ =	strace $0x8FFFFFFF  }
0x9e: {  	s19 =	sld [smem:$0x3FDB];
	_ =	sdelay $0x1  }
0x9f: {  	s5 =	simm.s32 $_scs_section_size  }
0xa0: {  	s6 =	simm.s32 $_size__tile_overlayer_lowered;
	s7 =	simm.s32 $_tile_overlayer_lowered  }
0xa1: {  	s22 =	simm.s32 $0x1BFF;
	s21 =	sshll.u32 s7, $0x1;
	s4 =	sadd.s32 s5, s19  }
0xa2: {  	s8 =	simm.s32 $0x0;
	s20 =	sshll.u32 s6, $0x1;
	s6 =	sadd.s32 s21, s4  }
0xa3: {  	[timem:s8], [sflag:s22] =	dma.local [hbm:s6], s20  }
0xa4: {  	_ =	swait.ge [sflag:s22], s20  }
0xa5: {  	s5 =	ssub.s32 $0x0, s20;
	[sflag:s22] =	ssyncset.done $0x0  }
0xa6: {  	[sflag:s22] =	ssyncadd.s32 s5;
	_ =	sdelay $0x1  }
0xa7: {  	s23 =	simm.s32 $0x1B8B  }
0xa8: {  	_ =	swait.ge [sflag:s23], $0x1  }
0xa9: {  	[sflag:s23] =	ssyncset.done $0x0  }
0xaa: {  	s25 =	simm.s32 $0x1B8E;
	s24 =	sld [smem:$0x3FFE];
	[sflag:s23] =	ssyncadd.s32 $0xFFFFFFFF  }
0xab: {  	s26 =	simm.s32 $execute0_lowered;
	[smem:$0x3FD2] =	sst s25  }
0xac: {  	s6 =	sshll.u32 s26, $0x1;
	_ =	strace $0x80000049;
	[dreg:$0x1] =	wrdreg $0xFFFFFFFF  }
0xad: {  	s28 =	simm.s32 $_size_execute0_lowered;
	s4 =	sadd.s32 s4, s6;
	[dreg:$0x0] =	wrdreg $0x0  }
0xae: {  	s6 =	sshll.u32 s28, $0x1;
	[dreg:$0x2] =	wrdreg s4  }
0xaf: {  	[dreg:$0x3] =	wrdreg s6  }
0xb0: {  	[dreg:$0x4] =	wrdreg $0xC0  }
0xb1: {  	_ =	task [dreg:s8], $0x5FFFF  }
0xb2: {  	[dreg:$0x1] =	wrdreg $0xFFFFFFFF  }
0xb3: {  	[dreg:$0x0] =	wrdreg $0x60  }
0xb4: {  	[dreg:$0x2] =	wrdreg s17  }
0xb5: {  	[dreg:$0x3] =	wrdreg s24  }
0xb6: {  	[dreg:$0x4] =	wrdreg s16  }
0xb7: {  	[dreg:$0x5] =	wrdreg $0xC0000  }
0xb8: {  	[dreg:$0x6] =	wrdreg $0x9  }
0xb9: {  	_ =	task.clear_ibuf [dreg:s8], $0x7FFFF;
	_ =	strace $0x90000049  }
0xba: {  	s29 =	simm.s32 $0x9;
	_ =	strace $0x8000004B  }
0xbb: {  	_ =	swait.ge [sflag:s29], $0x1  }
0xbc: {  	[sflag:s29] =	ssyncadd.s32 $0xFFFFFFFF  }
0xbd: {  	_ =	strace $0x9000004B  }
0xbe: {  	_ =	sfence  }
0xbf: {  	s30 =	sld [smem:$0x0];
	_ =	sdelay $0x2  }
0xc0: {  	s31 =	sshll.u32 s1, $0xD;
	s1 =	sshrl.u32 s1, $0x2  }
0xc1: {  	s3 =	sand.u32 $0x4000, s31;
	s1 =	sadd.s32 s1, s30  }
0xc2: {  	s0 =	sor.u32 s3, s0;
	s1 =	sshll.u32 s1, $0x11  }
0xc3: {  	s0 =	sor.u32 s1, s0  }
0xc4: {  	s0 =	sadd.s32 $0x8F2B, s0  }
0xc5: {  	[sflag:s0] =	ssyncadd.remote.s32 $0x1  }
0xc6: {  	_ =	sfence.sel $0xFFFF  }
0xc7: {  	[dreg:$0x0] =	wrdreg $0xFFFFFFFF;
	(pc) =	sbr.abs _section_cstart, $3  }
0xc8: {  	[dreg:$0x1] =	wrdreg $0xFFFFFFFF  }
0xc9: {  	_ =	task.clear_ibuf [dreg:s8], $0x2FFFF;
	_ =	strace $0x9FFFFFFF  }
0xca: {  	(tm) =	ssettm $0x7FFFFFFF  }
0xcb: {  	_ =	shalt  }
tec
execute0_lowered:
.L_overlay_start_1:
0x0: {  	(tag) =	ssettag $0x1  }
0x1: {  	s1 =	rddreg [dreg:$0x0]  }
0x2: {  	s7 =	rddreg [dreg:$0x1]  }
0x3: {  	s3 =	rddreg [dreg:$0x2]  }
0x4: {  	s2 =	srdreg.scid;
	s0 =	stileid.u32  }
0x5: {  	s4 =	rddreg [dreg:$0x3];
	s5 =	simm.s32 $0x0;
	s19 =	simm.s32 $0x5  }
0x6: {  	s21 =	simm.s32 $0x80;
	s22 =	simm.s32 $0x8000;
	s23 =	simm.s32 $0x1  }
0x7: {  	s24 =	simm.s32 $0x2;
	s25 =	simm.s32 $0x3;
	s26 =	simm.s32 $0x4  }
0x8: {  	s8 =	sand.u32 $0x1, s2;
	s9 =	smul.u32 $0x2780, s0;
	[smem:$0x7FF] =	sst s5  }
0x9: {  	s6 =	sadd.s32 $0xC800, s7;
	s11 =	sshll.u32 s0, $0x3;
	s13 =	smul.u32 $0x4F000, s0  }
0xa: {  	s10 =	smul.u32 $0x27800, s8;
	_ =	strace $0x8000004A;
	s28 =	ssub.s32 $0x2, s8  }
0xb: {  	p0 =	seq.s32 s8, $0x0;
	s29 =	sshrl.u32 s28, $0x1;
	s30 =	sshrl.u32 s13, $0x2  }
0xc: {  	s9 =	sadd.s32 s9, s10;
	s14 =	ssub.s32 s28, s29;
	s10 =	sor.u32 $0x980, s11  }
0xd: {  	s8 =	sadd.s32 s30, s4;
	s12 =	sadd.s32 s9, s7;
	s9 =	smul.u32 $0x98, s0  }
0xe: {  	s7 =	simm.s32 $0x98;
	s31 =	sadd.s32 $0x10000, s8;
	s13 =	smax.u32 s14, $0x1  }
0xf: {  	s14 =	sadd.s32 $0x4000, s8;
	s15 =	sadd.s32 $0x8000, s8;
	s7 =	simm.s32 @!p0 $0x8  }
0x10: {  	[dreg:$0x6] =	wrdreg s31;
	s10 =	smov.u32 @p0 s9;
	s16 =	sshll.u32 s7, $0x9  }
0x11: {  	s12 =	sadd.s32 $0x16C00, s12;
	s17 =	sshll.u32 s10, $0x4;
	s18 =	sadd.s32 $0xFFFFFC00, s16  }
0x12: {  	s16 =	sadd.s32 $0xC000, s8;
	s10 =	sadd.s32 s6, s17;
	s11 =	sadd.s32 s3, s17  }
0x13: {  	v0 =	vimm.f32 $0.0e+00;
	[dreg:$0x5] =	wrdreg s18;
	s17 =	sor.u32 $0x20, s17;
	s18 =	simm.s32 $0x4000  }
.LBB2_1:
0x14: {  	s28 =	simm.s32 $0x0;
	s29 =	simm.s32 $0x200  }
.LBB2_2:
0x15: {  	p0 =	sne.s32 s29, $0xFE00;
	[tilespmem:s28+$0x4070] =	vst v0  }
0x16: {  	[tilespmem:s28+$0x4000] =	vst v0  }
0x17: {  	[tilespmem:s28+$0x4010] =	vst v0  }
.Ltmp0:
0x18: {  	[tilespmem:s28+$0x4020] =	vst v0;
	(pc) =	sbr.rel @p0 .LBB2_2-.Ltmp0, $4  }
0x19: {  	[tilespmem:s28+$0x4030] =	vst v0  }
0x1a: {  	[tilespmem:s28+$0x4040] =	vst v0  }
0x1b: {  	[tilespmem:s28+$0x4050] =	vst v0  }
0x1c: {  	[tilespmem:s28+$0x4060] =	vst v0;
	s28 =	sshra.s32 s29, $0x2;
	s29 =	sadd.s32 $0x200, s29  }
0x1d: {  	[tilespmem:s28+$0x4070] =	vst v0  }
0x1e: {  	[tilespmem:s28+$0x4000] =	vst v0  }
0x1f: {  	[tilespmem:s28+$0x4010] =	vst v0  }
0x20: {  	[tilespmem:s28+$0x4020] =	vst v0  }
0x21: {  	[tilespmem:s28+$0x4030] =	vst v0  }
0x22: {  	[tilespmem:s28+$0x4040] =	vst v0  }
0x23: {  	[tilespmem:s28+$0x4050] =	vst v0  }
0x24: {  	[tilespmem:s28+$0x4060] =	vst v0  }
0x25: {  	[spmem:s8] =	stream.linear.scatter [tilespmem:s18], [sflag:$0x5], $0x4000, $0x38;
	[tilespmem:$0x1FC00] =	vst v63  }
0x26: {  	_ =	swait.ge [sflag:s19], $0x4000  }
0x27: {  	[sflag:s19] =	ssyncset.done $0x0  }
0x28: {  	[sflag:s19] =	ssyncadd.s32 $0xFFFFC000  }
0x29: {  	[spmem:s14] =	stream.linear.scatter [tilespmem:s18], [sflag:$0x5], $0x4000, $0x38;
	[tilespmem:$0x1FC00] =	vst v63  }
0x2a: {  	_ =	swait.ge [sflag:s19], $0x4000  }
0x2b: {  	[sflag:s19] =	ssyncset.done $0x0  }
0x2c: {  	[sflag:s19] =	ssyncadd.s32 $0xFFFFC000  }
0x2d: {  	[spmem:s15] =	stream.linear.scatter [tilespmem:s18], [sflag:$0x5], $0x4000, $0x38;
	[tilespmem:$0x1FC00] =	vst v63  }
0x2e: {  	_ =	swait.ge [sflag:s19], $0x4000  }
0x2f: {  	[sflag:s19] =	ssyncset.done $0x0  }
0x30: {  	[sflag:s19] =	ssyncadd.s32 $0xFFFFC000  }
0x31: {  	[spmem:s16] =	stream.linear.scatter [tilespmem:s18], [sflag:$0x5], $0x4000, $0x38;
	[tilespmem:$0x1FC00] =	vst v63  }
0x32: {  	_ =	swait.ge [sflag:s19], $0x4000  }
0x33: {  	[sflag:s19] =	ssyncset.done $0x0  }
0x34: {  	s0 =	rddreg [dreg:$0x6];
	[sflag:s19] =	ssyncadd.s32 $0xFFFFC000  }
0x35: {  	[spmem:s0] =	stream.linear.scatter [tilespmem:s18], [sflag:$0x5], $0x3C00, $0x38;
	[tilespmem:$0x1FC00] =	vst v63  }
0x36: {  	_ =	swait.ge [sflag:s19], $0x3C00  }
0x37: {  	[sflag:s19] =	ssyncset.done $0x0  }
0x38: {  	s30 =	simm.s32 $0x0;
	[sflag:s19] =	ssyncadd.s32 $0xFFFFC400  }
0x39: {  	[tilespmem:s30], [sflag:$0x5] =	stream.linear.gather [hbm4b:s10+s30], $0x2000, $0x38;
	[tilespmem:$0x1FC00] =	vst v63  }
0x3a: {  	_ =	swait.ge [sflag:s19], $0x2000  }
0x3b: {  	[sflag:s19] =	ssyncset.done $0x0  }
0x3c: {  	s31 =	simm.s32 $0x2000;
	[sflag:s19] =	ssyncadd.s32 $0xFFFFE000  }
0x3d: {  	[tilespmem:s31], [sflag:$0x5] =	stream.linear.gather [hbm4b:s11+s30], $0x2000, $0x38;
	[tilespmem:$0x1FC00] =	vst v63  }
0x3e: {  	_ =	swait.ge [sflag:s19], $0x2000  }
0x3f: {  	[sflag:s19] =	ssyncset.done $0x0  }
0x40: {  	[sflag:s19] =	ssyncadd.s32 $0xFFFFE000  }
0x41: {  	[bflag:$0x0] =	sbarrier.arrive $0xFFFF  }
0x42: {  	[tilespmem:s18], [sflag:$0x1] =	stream.indirect.gather [hbm4b:s1+s21], $0x80, s30, s21, $0xb8;
	[tilespmem:$0x1FC00] =	vst v63  }
0x43: {  	s29 =	simm.s32 $0x2;
	s28 =	smov.u32 s17  }
0x44: {  	[tilespmem:s22], [sflag:$0x2] =	stream.indirect.gather [hbm4b:s1+s21], $0x80, s21, s21, $0xb8;
	[tilespmem:$0x1FC00] =	vst v63  }
.LBB2_4:
0x45: {  	_ =	swait.ge [sflag:s23], $0x4000;
	s31 =	sshrl.u32 s30, $0x2  }
0x46: {  	[sflag:s23] =	ssyncset.done $0x0;
	s31 =	sand.u32 $0x1F00, s31  }
0x47: {  	[sflag:s23] =	ssyncadd.s32 $0xFFFFC000;
	s2 =	sor.u32 $0x2000, s31  }
0x48: {  	[spmem:s4] =	stream.indirect.scatter.add.f32 [tilespmem:s18], [sflag:$0x3], $0x80, s2, s21, $0xb8;
	[tilespmem:$0x1FC00] =	vst v63  }
0x49: {  	_ =	swait.ge [sflag:s24], $0x4000  }
0x4a: {  	p0 =	sge.u32 s29, s7;
	[sflag:s24] =	ssyncset.done $0x0  }
0x4b: {  	s20 =	sor.u32 $0x2080, s31;
	s2 =	simm.s32 @!p0 $0x3;
	[sflag:s24] =	ssyncadd.s32 $0xFFFFC000  }
0x4c: {  	[spmem:s4] =	stream.indirect.scatter.add.f32 [tilespmem:s22], [sflag:$0x4], $0x80, s20, s21, $0xb8;
	[tilespmem:$0x1FC00] =	vst v63  }
0x4d: {  	_ =	swait.ge @!p0 [sflag:s2], $0x4000  }
0x4e: {  	s31 =	sand.u32 @!p0 $0x3E, s29;
	[sflag:s2] =	ssyncset.done @!p0 $0x0  }
0x4f: {  	p1 =	sne.s32 @!p0 s31, $0x0;
	[sflag:s2] =	ssyncadd.s32 @!p0 $0xFFFFC000;
	s2 =	simm.s32 @!p0 $0x4  }
0x50: {  	p1 =	por p1, p0;
	_ =	swait.ge @!p0 [sflag:s2], $0x4000  }
0x51: {  	s0 =	sand.u32 @!p1 $0x1FFFFF80, s28;
	[sflag:s2] =	ssyncset.done @!p0 $0x0  }
0x52: {  	s20 =	simm.s32 @!p1 $0x0;
	[sflag:s2] =	ssyncadd.s32 @!p0 $0xFFFFC000;
	s2 =	sadd.s32 @!p1 s6, s0  }
0x53: {  	[tilespmem:s20], [sflag:$0x5] =	stream.linear.gather @!p1 [hbm4b:s2+s20], $0x2000, $0x38;
	[tilespmem:$0x1FC00] =	vst v63  }
0x54: {  	s2 =	simm.s32 @!p1 $0x5  }
0x55: {  	_ =	swait.ge @!p1 [sflag:s2], $0x2000  }
0x56: {  	[sflag:s2] =	ssyncset.done @!p1 $0x0  }
0x57: {  	s9 =	simm.s32 @!p1 $0x2000;
	s0 =	sadd.s32 @!p1 s3, s0;
	[sflag:s2] =	ssyncadd.s32 @!p1 $0xFFFFE000  }
0x58: {  	[tilespmem:s9], [sflag:$0x5] =	stream.linear.gather @!p1 [hbm4b:s0+s20], $0x2000, $0x38;
	[tilespmem:$0x1FC00] =	vst v63  }
0x59: {  	_ =	swait.ge @!p1 [sflag:s2], $0x2000  }
0x5a: {  	s30 =	sadd.s32 $0x400, s30;
	s0 =	sshll.u32 @!p0 s31, $0x7;
	[sflag:s2] =	ssyncset.done @!p1 $0x0  }
0x5b: {  	s9 =	simm.s32 @!p0 $0x4000;
	[sflag:s2] =	ssyncadd.s32 @!p1 $0xFFFFE000;
	s2 =	simm.s32 @!p0 $0x80  }
0x5c: {  	[tilespmem:s9], [sflag:$0x1] =	stream.indirect.gather @!p0 [hbm4b:s1+s2], $0x80, s0, s2, $0xb8;
	[tilespmem:$0x1FC00] =	vst v63  }
0x5d: {  	s31 =	rddreg [dreg:$0x5];
	s0 =	sadd.s32 @!p0 $0x80, s0;
	s9 =	simm.s32 @!p0 $0x8000  }
0x5e: {  	[tilespmem:s9], [sflag:$0x2] =	stream.indirect.gather @!p0 [hbm4b:s1+s2], $0x80, s0, s2, $0xb8;
	[tilespmem:$0x1FC00] =	vst v63  }
0x5f: {  	p0 =	sne.s32 s31, s30  }
.Ltmp1:
0x60: {  	_ = 	snop;
	(pc) =	sbr.rel @p0 .LBB2_4-.Ltmp1, $2  }
0x61: {  	_ =	sdelay $0x2  }
0x62: {  	s29 =	sadd.s32 $0x2, s29;
	s28 =	sadd.s32 $0x20, s28  }
0x63: {  	_ =	swait.ge [sflag:s23], $0x4000;
	s0 =	sshrl.u32 s30, $0x2  }
0x64: {  	[sflag:s23] =	ssyncset.done $0x0;
	s0 =	sand.u32 $0x1F00, s0  }
0x65: {  	[sflag:s23] =	ssyncadd.s32 $0xFFFFC000;
	s2 =	sor.u32 $0x2000, s0  }
0x66: {  	[spmem:s4] =	stream.indirect.scatter.add.f32 [tilespmem:s18], [sflag:$0x3], $0x80, s2, s21, $0xb8;
	[tilespmem:$0x1FC00] =	vst v63  }
0x67: {  	_ =	swait.ge [sflag:s24], $0x4000  }
0x68: {  	[sflag:s24] =	ssyncset.done $0x0  }
0x69: {  	p0 =	sge.u32 s29, s7;
	s0 =	sor.u32 $0x2080, s0;
	[sflag:s24] =	ssyncadd.s32 $0xFFFFC000  }
0x6a: {  	[spmem:s4] =	stream.indirect.scatter.add.f32 [tilespmem:s22], [sflag:$0x4], $0x80, s0, s21, $0xb8;
	[tilespmem:$0x1FC00] =	vst v63  }
0x6b: {  	s0 =	simm.s32 @!p0 $0x3  }
0x6c: {  	_ =	swait.ge @!p0 [sflag:s0], $0x4000  }
0x6d: {  	s2 =	sand.u32 @!p0 $0x3E, s29;
	[sflag:s0] =	ssyncset.done @!p0 $0x0  }
0x6e: {  	p1 =	sne.s32 @!p0 s2, $0x0;
	[sflag:s0] =	ssyncadd.s32 @!p0 $0xFFFFC000;
	s0 =	simm.s32 @!p0 $0x4  }
0x6f: {  	p1 =	por p1, p0;
	_ =	swait.ge @!p0 [sflag:s0], $0x4000  }
0x70: {  	s9 =	sand.u32 @!p1 $0x1FFFFF80, s28;
	[sflag:s0] =	ssyncset.done @!p0 $0x0  }
0x71: {  	s20 =	simm.s32 @!p1 $0x0;
	[sflag:s0] =	ssyncadd.s32 @!p0 $0xFFFFC000;
	s0 =	sadd.s32 @!p1 s6, s9  }
0x72: {  	[tilespmem:s20], [sflag:$0x5] =	stream.linear.gather @!p1 [hbm4b:s0+s20], $0x2000, $0x38;
	[tilespmem:$0x1FC00] =	vst v63  }
0x73: {  	s0 =	simm.s32 @!p1 $0x5  }
0x74: {  	_ =	swait.ge @!p1 [sflag:s0], $0x2000  }
0x75: {  	[sflag:s0] =	ssyncset.done @!p1 $0x0  }
0x76: {  	s28 =	simm.s32 @!p1 $0x2000;
	s9 =	sadd.s32 @!p1 s3, s9;
	[sflag:s0] =	ssyncadd.s32 @!p1 $0xFFFFE000  }
0x77: {  	[tilespmem:s28], [sflag:$0x5] =	stream.linear.gather @!p1 [hbm4b:s9+s20], $0x2000, $0x38;
	[tilespmem:$0x1FC00] =	vst v63  }
0x78: {  	_ =	swait.ge @!p1 [sflag:s0], $0x2000  }
0x79: {  	s9 =	simm.s32 @!p0 $0x4000;
	[sflag:s0] =	ssyncset.done @!p1 $0x0  }
0x7a: {  	[sflag:s0] =	ssyncadd.s32 @!p1 $0xFFFFE000;
	s0 =	sshll.u32 @!p0 s2, $0x7;
	s2 =	simm.s32 @!p0 $0x80  }
0x7b: {  	[tilespmem:s9], [sflag:$0x1] =	stream.indirect.gather @!p0 [hbm4b:s1+s2], $0x80, s0, s2, $0xb8;
	[tilespmem:$0x1FC00] =	vst v63  }
0x7c: {  	s0 =	sadd.s32 @!p0 $0x80, s0;
	s9 =	simm.s32 @!p0 $0x8000  }
0x7d: {  	[tilespmem:s9], [sflag:$0x2] =	stream.indirect.gather @!p0 [hbm4b:s1+s2], $0x80, s0, s2, $0xb8;
	[tilespmem:$0x1FC00] =	vst v63  }
0x7e: {  	_ =	swait.ge [sflag:s25], $0x4000  }
0x7f: {  	[sflag:s25] =	ssyncset.done $0x0  }
0x80: {  	[sflag:s25] =	ssyncadd.s32 $0xFFFFC000  }
0x81: {  	s30 =	stileid.u32;
	_ =	swait.ge [sflag:s26], $0x4000  }
0x82: {  	s31 =	sshrl.u32 s8, $0x3;
	s5 =	sadd.s32 $0x1, s5;
	[sflag:s26] =	ssyncset.done $0x0  }
0x83: {  	s0 =	sshll.u32 s30, $0x6;
	p0 =	sne.s32 s5, s13;
	[sflag:s26] =	ssyncadd.s32 $0xFFFFC000  }
.Ltmp2:
0x84: {  	s0 =	sor.u32 $0x1C05, s0;
	[bflag:$0x0] =	sbarrier.arrive $0xFFFF;
	(pc) =	sbr.rel @p0 .LBB2_1-.Ltmp2, $4  }
0x85: {  	[hbm:s12], [sflag:s0] =	dma.local [spmem:s31], $0x2780  }
0x86: {  	_ =	swait.ge [sflag:s19], $0x2780  }
0x87: {  	[sflag:s19] =	ssyncset.done $0x0  }
0x88: {  	[sflag:s19] =	ssyncadd.s32 $0xFFFFD880  }
0x89: {  	_ =	sfence.sel $0x180000  }
0x8a: {  	[bflag:$0x0] =	sbarrier.arrive $0xFFFF  }
0x8b: {  	_ =	strace $0x9000004A  }
0x8c: {  	s0 =	stileid.u32;
	[bflag:$0x2] =	sbarrier.arrive $0xFFFF  }
0x8d: {  	p0 =	sne.s32 s0, $0x0;
	s0 =	rddreg [dreg:$0x4]  }
0x8e: {  	s0 =	sadd.s32 @!p0 $0x100000, s0  }
0x8f: {  	[sflag:s0] =	ssyncadd.tile.s32 @!p0 $0x1;
	_ =	shalt  }
.Lfunc_end2:
_tile_overlayer_lowered:
.L_overlay_start_2:
0x90: {  	(tag) =	ssettag $0x2  }
0x91: {  	s0 =	rddreg [dreg:$0x0];
	s2 =	stileid.u32  }
0x92: {  	s1 =	rddreg [dreg:$0x1];
	p0 =	sne.s32 s2, $0x0  }
0x93: {  	s3 =	rddreg [dreg:$0x2];
	[bflag:$0x3] =	sbarrier.arrive $0xFFFF;
	s2 =	simm.s32 @!p0 $0x1C05  }
0x94: {  	[timem:s3], [sflag:s2] =	dma.local @!p0 [hbm:s0], s1  }
0x95: {  	s0 =	simm.s32 @!p0 $0x5  }
0x96: {  	_ =	swait.ge @!p0 [sflag:s0], s1  }
0x97: {  	s1 =	ssub.s32 @!p0 $0x0, s1;
	[sflag:s0] =	ssyncset.done @!p0 $0x0  }
0x98: {  	[sflag:s0] =	ssyncadd.s32 @!p0 s1  }
0x99: {  	[bflag:$0x3] =	sbarrier.arrive $0xFFFF  }
0x9a: {  	_ =	shalt  }

// kernel: kernel.14.cloned.1.call-start
scs
__scs_entry_jumppad:
0x0: {  	(pc) =	sbr.rel $0x88, $3  }
0x1: {  	(tag) =	ssettag $0x0;
	lr =	simm.s32 $0x1  }
0x2: {  	[smem:$0x3F9B] =	sst lr;
	_ =	strace $0xD0000000  }
0x3: {  	_ = 	snop  }
0x4: {  	_ = 	snop  }
0x5: {  	_ = 	snop  }
0x6: {  	_ = 	snop  }
0x7: {  	_ = 	snop  }
__scs_overlays_trampoline_lowered:
0x8: {  	[smem:$0x3FAA] =	sst s0  }
0x9: {  	[smem:$0x3FAB] =	sst s1  }
0xa: {  	[smem:$0x3FAC] =	sst s2  }
0xb: {  	[smem:$0x3FAD] =	sst s3  }
0xc: {  	[smem:$0x3FAE] =	sst s4  }
0xd: {  	[smem:$0x3FAF] =	sst s5  }
0xe: {  	[smem:$0x3FB0] =	sst s6  }
0xf: {  	[smem:$0x3FB1] =	sst s7  }
0x10: {  	[smem:$0x3FB2] =	sst s8  }
0x11: {  	[smem:$0x3FB3] =	sst s9;
	s0 =	simm.s32 @!p0 $0x0  }
0x12: {  	s1 =	sld [smem:$0x3F99];
	s0 =	simm.s32 @p0 $0x1  }
0x13: {  	[smem:$0x3FB4] =	sst s0;
	s0 =	simm.s32 @!p1 $0x0  }
0x14: {  	s2 =	sld [smem:$0x3F98];
	s0 =	simm.s32 @p1 $0x1  }
0x15: {  	[smem:$0x3FB5] =	sst s0;
	s0 =	simm.s32 @!p2 $0x0  }
0x16: {  	s3 =	sld [smem:$0x3FDB];
	s0 =	simm.s32 @p2 $0x1  }
0x17: {  	s4 =	simm.s32 $0x1BF5;
	[smem:$0x3FB7] =	sst s0  }
0x18: {  	s0 =	sld [smem:$0x3F9A];
	_ =	swait.ge [sflag:s4], $0x0  }
0x19: {  	s7 =	sld [smem:$0x3F9B]  }
0x1a: {  	s8 =	sadd.s32 $0xFFFFE003, lr  }
0x1b: {  	s9 =	sadd.s32 $0xFFFFFEF7, lr;
	s5 =	simm.s32 $0xFFFFFFFF;
	p2 =	slt.u32 s8, $0xFFFFF086  }
0x1c: {  	p1 =	slt.u32 s9, $0xF7A;
	s5 =	simm.s32 @!p2 $0x0  }
0x1d: {  	s5 =	simm.s32 @p1 $0x1;
	p0 =	seq.s32 s7, s2  }
0x1e: {  	s7 =	smul.u32 @!p0 $0xF7A, s2;
	p2 =	seq.s32 @!p0 s5, $0x0  }
0x1f: {  	s9 =	smul.u32 $0xF7A, s1;
	s8 =	simm.s32 @!p0 $0x1BF5;
	p2 =	por !p2, p0  }
0x20: {  	[sflag:s8] =	ssyncset.s32 @!p0 $0xFFFFF086;
	s6 =	sadd.s32 @!p0 s3, s7;
	s7 =	simm.s32 @!p0 $0x108  }
0x21: {  	s3 =	sadd.s32 s3, s9;
	s6 =	sadd.s32 @!p0 $0x88, s6;
	s7 =	simm.s32 @p2 $0x1082  }
0x22: {  	[simem:s7], [sflag:s8] =	dma.local @!p0 [hbm:s6], $0xF7A  }
0x23: {  	s9 =	sor.u32 $0xD0000000, s2;
	s6 =	simm.s32 $0x108;
	_ =	swait.ge @!p0 [sflag:s8], $0x0  }
0x24: {  	s3 =	sadd.s32 $0x88, s3;
	s6 =	simm.s32 @!p1 $0x1082;
	[sflag:s4] =	ssyncset.s32 $0xFFFFF086  }
0x25: {  	[simem:s6], [sflag:s4] =	dma.local [hbm:s3], $0xF7A  }
0x26: {  	[smem:$0x3F9B] =	sst s1;
	(tag) =	ssettag s2;
	_ =	strace s9  }
0x27: {  	s1 =	sld [smem:$0x3FAB]  }
0x28: {  	s2 =	sld [smem:$0x3FAC]  }
0x29: {  	s4 =	sld [smem:$0x3FAE]  }
0x2a: {  	p0 =	seq.s32 s5, $0x0;
	s5 =	sld [smem:$0x3FAF]  }
0x2b: {  	s6 =	sld [smem:$0x3FB0]  }
0x2c: {  	s7 =	sld [smem:$0x3FB1]  }
0x2d: {  	s3 =	simm.s32 $0x108;
	s8 =	sld [smem:$0x3FB2]  }
0x2e: {  	s3 =	simm.s32 @!p0 $0x1082;
	s9 =	sld [smem:$0x3FB3]  }
0x2f: {  	lr =	sadd.s32 s0, s3;
	s0 =	sld [smem:$0x3FAA]  }
0x30: {  	s3 =	sld [smem:$0x3FAD]  }
0x31: {  	[smem:$0x3FB6] =	sst s10  }
0x32: {  	s10 =	sld [smem:$0x3FB4];
	_ =	sdelay $0x3  }
0x33: {  	p0 =	seq.s32 s10, $0x1;
	s10 =	sld [smem:$0x3FB6];
	_ =	sdelay $0x3  }
0x34: {  	[smem:$0x3FB6] =	sst s10  }
0x35: {  	s10 =	sld [smem:$0x3FB5];
	_ =	sdelay $0x3  }
0x36: {  	p1 =	seq.s32 s10, $0x1;
	s10 =	sld [smem:$0x3FB6];
	_ =	sdelay $0x3  }
0x37: {  	[smem:$0x3FB6] =	sst s10  }
0x38: {  	s10 =	sld [smem:$0x3FB7]  }
0x39: {  	_ = 	snop;
	(pc) =	sbr.ind lr, $3  }
0x3a: {  	_ = 	snop  }
0x3b: {  	_ = 	snop  }
0x3c: {  	p2 =	seq.s32 s10, $0x1;
	s10 =	sld [smem:$0x3FB6]  }
0x3d: {  	_ =	shalt  }
0x3e: {  	_ =	shalt  }
0x3f: {  	_ =	shalt  }
0x40: {  	_ =	shalt  }
0x41: {  	_ =	shalt  }
0x42: {  	_ =	shalt  }
0x43: {  	_ =	shalt  }
0x44: {  	_ =	shalt  }
0x45: {  	_ =	shalt  }
0x46: {  	_ =	shalt  }
0x47: {  	_ =	shalt  }
0x48: {  	_ =	shalt  }
0x49: {  	_ =	shalt  }
0x4a: {  	_ =	shalt  }
0x4b: {  	_ =	shalt  }
0x4c: {  	_ =	shalt  }
0x4d: {  	_ =	shalt  }
0x4e: {  	_ =	shalt  }
0x4f: {  	_ =	shalt  }
0x50: {  	_ =	shalt  }
0x51: {  	_ =	shalt  }
0x52: {  	_ =	shalt  }
0x53: {  	_ =	shalt  }
0x54: {  	_ =	shalt  }
0x55: {  	_ =	shalt  }
0x56: {  	_ =	shalt  }
0x57: {  	_ =	shalt  }
0x58: {  	_ =	shalt  }
0x59: {  	_ =	shalt  }
0x5a: {  	_ =	shalt  }
0x5b: {  	_ =	shalt  }
0x5c: {  	_ =	shalt  }
0x5d: {  	_ =	shalt  }
0x5e: {  	_ =	shalt  }
0x5f: {  	_ =	shalt  }
0x60: {  	_ =	shalt  }
0x61: {  	_ =	shalt  }
0x62: {  	_ =	shalt  }
0x63: {  	_ =	shalt  }
0x64: {  	_ =	shalt  }
0x65: {  	_ =	shalt  }
0x66: {  	_ =	shalt  }
0x67: {  	_ =	shalt  }
0x68: {  	_ =	shalt  }
0x69: {  	_ =	shalt  }
0x6a: {  	_ =	shalt  }
0x6b: {  	_ =	shalt  }
0x6c: {  	_ =	shalt  }
0x6d: {  	_ =	shalt  }
0x6e: {  	_ =	shalt  }
0x6f: {  	_ =	shalt  }
0x70: {  	_ =	shalt  }
0x71: {  	_ =	shalt  }
0x72: {  	_ =	shalt  }
0x73: {  	_ =	shalt  }
0x74: {  	_ =	shalt  }
0x75: {  	_ =	shalt  }
0x76: {  	_ =	shalt  }
0x77: {  	_ =	shalt  }
0x78: {  	_ =	shalt  }
0x79: {  	_ =	shalt  }
0x7a: {  	_ =	shalt  }
0x7b: {  	_ =	shalt  }
0x7c: {  	_ =	shalt  }
0x7d: {  	_ =	shalt  }
0x7e: {  	_ =	shalt  }
0x7f: {  	_ =	shalt  }
0x80: {  	_ =	shalt  }
0x81: {  	_ =	shalt  }
0x82: {  	_ =	shalt  }
0x83: {  	_ =	shalt  }
0x84: {  	_ =	shalt  }
0x85: {  	_ =	shalt  }
0x86: {  	_ =	shalt  }
0x87: {  	_ =	shalt  }
.Lfunc_end0:
.L_simem_size_0:
called_computation.2_lowered:
.L_overlay_start_0:
0x88: {  	s2 =	sld [smem:$0x3FD9]  }
0x89: {  	s3 =	sld [smem:$0x3FFE];
	_ =	sdelay $0x1  }
0x8a: {  	s1 =	srdreg.scid  }
0x8b: {  	s0 =	sand.u32 $0x1, s1  }
0x8c: {  	s14 =	sshll.u32 s0, $0xA;
	s2 =	sadd.s32 s3, s2  }
0x8d: {  	s2 =	sadd.s32 s2, s14  }
0x8e: {  	[smem:$0x3FC2] =	sst s2  }
0x8f: {  	_ = 	snop  }
0x90: {  	s2 =	sld [smem:$0x3FD0];
	_ =	sdelay $0x2  }
0x91: {  	s15 =	simm.s32 $0xA;
	s4 =	simm.s32 $0x10  }
0x92: {  	[smem:s4], [sflag:s15] =	dma.local [hbm:s2], $0x1  }
0x93: {  	_ =	swait.eq [sflag:s15], $0x1  }
0x94: {  	[sflag:s15] =	ssyncset.done $0x0  }
0x95: {  	s16 =	sld [smem:$0x10];
	[sflag:s15] =	ssyncadd.s32 $0xFFFFFFFF  }
0x96: {  	s17 =	sld [smem:$0x11];
	(tm) =	ssettm $0x1  }
0x97: {  	s18 =	sld [smem:$0x3FFB];
	_ =	sdelay $0x3  }
0x98: {  	_ =	strace s18  }
0x99: {  	s4 =	sld [smem:$0x3FFC];
	_ =	sdelay $0x3  }
0x9a: {  	_ =	strace s4  }
0x9b: {  	s4 =	sld [smem:$0x3FFD];
	_ =	sdelay $0x3  }
0x9c: {  	_ =	strace s4  }
0x9d: {  	_ =	strace $0x8FFFFFFF  }
0x9e: {  	s19 =	sld [smem:$0x3FDB];
	_ =	sdelay $0x1  }
0x9f: {  	s5 =	simm.s32 $_scs_section_size  }
0xa0: {  	s6 =	simm.s32 $_size__tile_overlayer_lowered;
	s7 =	simm.s32 $_tile_overlayer_lowered  }
0xa1: {  	s22 =	simm.s32 $0x1BFF;
	s21 =	sshll.u32 s7, $0x1;
	s4 =	sadd.s32 s5, s19  }
0xa2: {  	s8 =	simm.s32 $0x0;
	s20 =	sshll.u32 s6, $0x1;
	s6 =	sadd.s32 s21, s4  }
0xa3: {  	[timem:s8], [sflag:s22] =	dma.local [hbm:s6], s20  }
0xa4: {  	_ =	swait.ge [sflag:s22], s20  }
0xa5: {  	s5 =	ssub.s32 $0x0, s20;
	[sflag:s22] =	ssyncset.done $0x0  }
0xa6: {  	[sflag:s22] =	ssyncadd.s32 s5;
	_ =	sdelay $0x1  }
0xa7: {  	s23 =	simm.s32 $0x1B8B  }
0xa8: {  	_ =	swait.ge [sflag:s23], $0x1  }
0xa9: {  	[sflag:s23] =	ssyncset.done $0x0  }
0xaa: {  	s25 =	simm.s32 $0x1B8E;
	s24 =	sld [smem:$0x3FFE];
	[sflag:s23] =	ssyncadd.s32 $0xFFFFFFFF  }
0xab: {  	s26 =	simm.s32 $execute0_lowered;
	[smem:$0x3FD2] =	sst s25  }
0xac: {  	s6 =	sshll.u32 s26, $0x1;
	_ =	strace $0x8000004C;
	[dreg:$0x1] =	wrdreg $0xFFFFFFFF  }
0xad: {  	s28 =	simm.s32 $_size_execute0_lowered;
	s4 =	sadd.s32 s4, s6;
	[dreg:$0x0] =	wrdreg $0x0  }
0xae: {  	s6 =	sshll.u32 s28, $0x1;
	[dreg:$0x2] =	wrdreg s4  }
0xaf: {  	[dreg:$0x3] =	wrdreg s6  }
0xb0: {  	[dreg:$0x4] =	wrdreg $0xC0  }
0xb1: {  	_ =	task [dreg:s8], $0x5FFFF  }
0xb2: {  	[dreg:$0x1] =	wrdreg $0xFFFFFFFF  }
0xb3: {  	[dreg:$0x0] =	wrdreg $0x60  }
0xb4: {  	[dreg:$0x2] =	wrdreg s17  }
0xb5: {  	[dreg:$0x3] =	wrdreg s24  }
0xb6: {  	[dreg:$0x4] =	wrdreg s16  }
0xb7: {  	[dreg:$0x5] =	wrdreg $0xC0000  }
0xb8: {  	[dreg:$0x6] =	wrdreg $0x9  }
0xb9: {  	_ =	task.clear_ibuf [dreg:s8], $0x7FFFF;
	_ =	strace $0x9000004C  }
0xba: {  	s29 =	simm.s32 $0x9;
	_ =	strace $0x8000004E  }
0xbb: {  	_ =	swait.ge [sflag:s29], $0x1  }
0xbc: {  	[sflag:s29] =	ssyncadd.s32 $0xFFFFFFFF  }
0xbd: {  	_ =	strace $0x9000004E  }
0xbe: {  	_ =	sfence  }
0xbf: {  	s30 =	sld [smem:$0x0];
	_ =	sdelay $0x2  }
0xc0: {  	s31 =	sshll.u32 s1, $0xD;
	s1 =	sshrl.u32 s1, $0x2  }
0xc1: {  	s3 =	sand.u32 $0x4000, s31;
	s1 =	sadd.s32 s1, s30  }
0xc2: {  	s0 =	sor.u32 s3, s0;
	s1 =	sshll.u32 s1, $0x11  }
0xc3: {  	s0 =	sor.u32 s1, s0  }
0xc4: {  	s0 =	sadd.s32 $0x8F2B, s0  }
0xc5: {  	[sflag:s0] =	ssyncadd.remote.s32 $0x1  }
0xc6: {  	_ =	sfence.sel $0xFFFF  }
0xc7: {  	[dreg:$0x0] =	wrdreg $0xFFFFFFFF;
	(pc) =	sbr.abs _section_cstart, $3  }
0xc8: {  	[dreg:$0x1] =	wrdreg $0xFFFFFFFF  }
0xc9: {  	_ =	task.clear_ibuf [dreg:s8], $0x2FFFF;
	_ =	strace $0x9FFFFFFF  }
0xca: {  	(tm) =	ssettm $0x7FFFFFFF  }
0xcb: {  	_ =	shalt  }
tec
execute0_lowered:
.L_overlay_start_1:
0x0: {  	(tag) =	ssettag $0x1  }
0x1: {  	s1 =	rddreg [dreg:$0x0]  }
0x2: {  	s7 =	rddreg [dreg:$0x1]  }
0x3: {  	s3 =	rddreg [dreg:$0x2]  }
0x4: {  	s2 =	srdreg.scid;
	s0 =	stileid.u32  }
0x5: {  	s4 =	rddreg [dreg:$0x3];
	s5 =	simm.s32 $0x0;
	s19 =	simm.s32 $0x5  }
0x6: {  	s21 =	simm.s32 $0x80;
	s22 =	simm.s32 $0x8000;
	s23 =	simm.s32 $0x1  }
0x7: {  	s24 =	simm.s32 $0x2;
	s25 =	simm.s32 $0x3;
	s26 =	simm.s32 $0x4  }
0x8: {  	s8 =	sand.u32 $0x1, s2;
	s9 =	smul.u32 $0x2780, s0;
	[smem:$0x7FF] =	sst s5  }
0x9: {  	s6 =	sadd.s32 $0xC800, s7;
	s11 =	sshll.u32 s0, $0x3;
	s13 =	smul.u32 $0x4F000, s0  }
0xa: {  	s10 =	smul.u32 $0x27800, s8;
	_ =	strace $0x8000004D;
	s28 =	ssub.s32 $0x2, s8  }
0xb: {  	p0 =	seq.s32 s8, $0x0;
	s29 =	sshrl.u32 s28, $0x1;
	s30 =	sshrl.u32 s13, $0x2  }
0xc: {  	s9 =	sadd.s32 s9, s10;
	s14 =	ssub.s32 s28, s29;
	s10 =	sor.u32 $0x980, s11  }
0xd: {  	s8 =	sadd.s32 s30, s4;
	s12 =	sadd.s32 s9, s7;
	s9 =	smul.u32 $0x98, s0  }
0xe: {  	s7 =	simm.s32 $0x98;
	s31 =	sadd.s32 $0x10000, s8;
	s13 =	smax.u32 s14, $0x1  }
0xf: {  	s14 =	sadd.s32 $0x4000, s8;
	s15 =	sadd.s32 $0x8000, s8;
	s7 =	simm.s32 @!p0 $0x8  }
0x10: {  	[dreg:$0x6] =	wrdreg s31;
	s10 =	smov.u32 @p0 s9;
	s16 =	sshll.u32 s7, $0x9  }
0x11: {  	s12 =	sadd.s32 $0x16C00, s12;
	s17 =	sshll.u32 s10, $0x4;
	s18 =	sadd.s32 $0xFFFFFC00, s16  }
0x12: {  	s16 =	sadd.s32 $0xC000, s8;
	s10 =	sadd.s32 s6, s17;
	s11 =	sadd.s32 s3, s17  }
0x13: {  	v0 =	vimm.f32 $0.0e+00;
	[dreg:$0x5] =	wrdreg s18;
	s17 =	sor.u32 $0x20, s17;
	s18 =	simm.s32 $0x4000  }
.LBB2_1:
0x14: {  	s28 =	simm.s32 $0x0;
	s29 =	simm.s32 $0x200  }
.LBB2_2:
0x15: {  	p0 =	sne.s32 s29, $0xFE00;
	[tilespmem:s28+$0x4070] =	vst v0  }
0x16: {  	[tilespmem:s28+$0x4000] =	vst v0  }
0x17: {  	[tilespmem:s28+$0x4010] =	vst v0  }
.Ltmp0:
0x18: {  	[tilespmem:s28+$0x4020] =	vst v0;
	(pc) =	sbr.rel @p0 .LBB2_2-.Ltmp0, $4  }
0x19: {  	[tilespmem:s28+$0x4030] =	vst v0  }
0x1a: {  	[tilespmem:s28+$0x4040] =	vst v0  }
0x1b: {  	[tilespmem:s28+$0x4050] =	vst v0  }
0x1c: {  	[tilespmem:s28+$0x4060] =	vst v0;
	s28 =	sshra.s32 s29, $0x2;
	s29 =	sadd.s32 $0x200, s29  }
0x1d: {  	[tilespmem:s28+$0x4070] =	vst v0  }
0x1e: {  	[tilespmem:s28+$0x4000] =	vst v0  }
0x1f: {  	[tilespmem:s28+$0x4010] =	vst v0  }
0x20: {  	[tilespmem:s28+$0x4020] =	vst v0  }
0x21: {  	[tilespmem:s28+$0x4030] =	vst v0  }
0x22: {  	[tilespmem:s28+$0x4040] =	vst v0  }
0x23: {  	[tilespmem:s28+$0x4050] =	vst v0  }
0x24: {  	[tilespmem:s28+$0x4060] =	vst v0  }
0x25: {  	[spmem:s8] =	stream.linear.scatter [tilespmem:s18], [sflag:$0x5], $0x4000, $0x38;
	[tilespmem:$0x1FC00] =	vst v63  }
0x26: {  	_ =	swait.ge [sflag:s19], $0x4000  }
0x27: {  	[sflag:s19] =	ssyncset.done $0x0  }
0x28: {  	[sflag:s19] =	ssyncadd.s32 $0xFFFFC000  }
0x29: {  	[spmem:s14] =	stream.linear.scatter [tilespmem:s18], [sflag:$0x5], $0x4000, $0x38;
	[tilespmem:$0x1FC00] =	vst v63  }
0x2a: {  	_ =	swait.ge [sflag:s19], $0x4000  }
0x2b: {  	[sflag:s19] =	ssyncset.done $0x0  }
0x2c: {  	[sflag:s19] =	ssyncadd.s32 $0xFFFFC000  }
0x2d: {  	[spmem:s15] =	stream.linear.scatter [tilespmem:s18], [sflag:$0x5], $0x4000, $0x38;
	[tilespmem:$0x1FC00] =	vst v63  }
0x2e: {  	_ =	swait.ge [sflag:s19], $0x4000  }
0x2f: {  	[sflag:s19] =	ssyncset.done $0x0  }
0x30: {  	[sflag:s19] =	ssyncadd.s32 $0xFFFFC000  }
0x31: {  	[spmem:s16] =	stream.linear.scatter [tilespmem:s18], [sflag:$0x5], $0x4000, $0x38;
	[tilespmem:$0x1FC00] =	vst v63  }
0x32: {  	_ =	swait.ge [sflag:s19], $0x4000  }
0x33: {  	[sflag:s19] =	ssyncset.done $0x0  }
0x34: {  	s0 =	rddreg [dreg:$0x6];
	[sflag:s19] =	ssyncadd.s32 $0xFFFFC000  }
0x35: {  	[spmem:s0] =	stream.linear.scatter [tilespmem:s18], [sflag:$0x5], $0x3C00, $0x38;
	[tilespmem:$0x1FC00] =	vst v63  }
0x36: {  	_ =	swait.ge [sflag:s19], $0x3C00  }
0x37: {  	[sflag:s19] =	ssyncset.done $0x0  }
0x38: {  	s30 =	simm.s32 $0x0;
	[sflag:s19] =	ssyncadd.s32 $0xFFFFC400  }
0x39: {  	[tilespmem:s30], [sflag:$0x5] =	stream.linear.gather [hbm4b:s10+s30], $0x2000, $0x38;
	[tilespmem:$0x1FC00] =	vst v63  }
0x3a: {  	_ =	swait.ge [sflag:s19], $0x2000  }
0x3b: {  	[sflag:s19] =	ssyncset.done $0x0  }
0x3c: {  	s31 =	simm.s32 $0x2000;
	[sflag:s19] =	ssyncadd.s32 $0xFFFFE000  }
0x3d: {  	[tilespmem:s31], [sflag:$0x5] =	stream.linear.gather [hbm4b:s11+s30], $0x2000, $0x38;
	[tilespmem:$0x1FC00] =	vst v63  }
0x3e: {  	_ =	swait.ge [sflag:s19], $0x2000  }
0x3f: {  	[sflag:s19] =	ssyncset.done $0x0  }
0x40: {  	[sflag:s19] =	ssyncadd.s32 $0xFFFFE000  }
0x41: {  	[bflag:$0x0] =	sbarrier.arrive $0xFFFF  }
0x42: {  	[tilespmem:s18], [sflag:$0x1] =	stream.indirect.gather [hbm4b:s1+s21], $0x80, s30, s21, $0xb8;
	[tilespmem:$0x1FC00] =	vst v63  }
0x43: {  	s29 =	simm.s32 $0x2;
	s28 =	smov.u32 s17  }
0x44: {  	[tilespmem:s22], [sflag:$0x2] =	stream.indirect.gather [hbm4b:s1+s21], $0x80, s21, s21, $0xb8;
	[tilespmem:$0x1FC00] =	vst v63  }
.LBB2_4:
0x45: {  	_ =	swait.ge [sflag:s23], $0x4000;
	s31 =	sshrl.u32 s30, $0x2  }
0x46: {  	[sflag:s23] =	ssyncset.done $0x0;
	s31 =	sand.u32 $0x1F00, s31  }
0x47: {  	[sflag:s23] =	ssyncadd.s32 $0xFFFFC000;
	s2 =	sor.u32 $0x2000, s31  }
0x48: {  	[spmem:s4] =	stream.indirect.scatter.add.f32 [tilespmem:s18], [sflag:$0x3], $0x80, s2, s21, $0xb8;
	[tilespmem:$0x1FC00] =	vst v63  }
0x49: {  	_ =	swait.ge [sflag:s24], $0x4000  }
0x4a: {  	p0 =	sge.u32 s29, s7;
	[sflag:s24] =	ssyncset.done $0x0  }
0x4b: {  	s20 =	sor.u32 $0x2080, s31;
	s2 =	simm.s32 @!p0 $0x3;
	[sflag:s24] =	ssyncadd.s32 $0xFFFFC000  }
0x4c: {  	[spmem:s4] =	stream.indirect.scatter.add.f32 [tilespmem:s22], [sflag:$0x4], $0x80, s20, s21, $0xb8;
	[tilespmem:$0x1FC00] =	vst v63  }
0x4d: {  	_ =	swait.ge @!p0 [sflag:s2], $0x4000  }
0x4e: {  	s31 =	sand.u32 @!p0 $0x3E, s29;
	[sflag:s2] =	ssyncset.done @!p0 $0x0  }
0x4f: {  	p1 =	sne.s32 @!p0 s31, $0x0;
	[sflag:s2] =	ssyncadd.s32 @!p0 $0xFFFFC000;
	s2 =	simm.s32 @!p0 $0x4  }
0x50: {  	p1 =	por p1, p0;
	_ =	swait.ge @!p0 [sflag:s2], $0x4000  }
0x51: {  	s0 =	sand.u32 @!p1 $0x1FFFFF80, s28;
	[sflag:s2] =	ssyncset.done @!p0 $0x0  }
0x52: {  	s20 =	simm.s32 @!p1 $0x0;
	[sflag:s2] =	ssyncadd.s32 @!p0 $0xFFFFC000;
	s2 =	sadd.s32 @!p1 s6, s0  }
0x53: {  	[tilespmem:s20], [sflag:$0x5] =	stream.linear.gather @!p1 [hbm4b:s2+s20], $0x2000, $0x38;
	[tilespmem:$0x1FC00] =	vst v63  }
0x54: {  	s2 =	simm.s32 @!p1 $0x5  }
0x55: {  	_ =	swait.ge @!p1 [sflag:s2], $0x2000  }
0x56: {  	[sflag:s2] =	ssyncset.done @!p1 $0x0  }
0x57: {  	s9 =	simm.s32 @!p1 $0x2000;
	s0 =	sadd.s32 @!p1 s3, s0;
	[sflag:s2] =	ssyncadd.s32 @!p1 $0xFFFFE000  }
0x58: {  	[tilespmem:s9], [sflag:$0x5] =	stream.linear.gather @!p1 [hbm4b:s0+s20], $0x2000, $0x38;
	[tilespmem:$0x1FC00] =	vst v63  }
0x59: {  	_ =	swait.ge @!p1 [sflag:s2], $0x2000  }
0x5a: {  	s30 =	sadd.s32 $0x400, s30;
	s0 =	sshll.u32 @!p0 s31, $0x7;
	[sflag:s2] =	ssyncset.done @!p1 $0x0  }
0x5b: {  	s9 =	simm.s32 @!p0 $0x4000;
	[sflag:s2] =	ssyncadd.s32 @!p1 $0xFFFFE000;
	s2 =	simm.s32 @!p0 $0x80  }
0x5c: {  	[tilespmem:s9], [sflag:$0x1] =	stream.indirect.gather @!p0 [hbm4b:s1+s2], $0x80, s0, s2, $0xb8;
	[tilespmem:$0x1FC00] =	vst v63  }
0x5d: {  	s31 =	rddreg [dreg:$0x5];
	s0 =	sadd.s32 @!p0 $0x80, s0;
	s9 =	simm.s32 @!p0 $0x8000  }
0x5e: {  	[tilespmem:s9], [sflag:$0x2] =	stream.indirect.gather @!p0 [hbm4b:s1+s2], $0x80, s0, s2, $0xb8;
	[tilespmem:$0x1FC00] =	vst v63  }
0x5f: {  	p0 =	sne.s32 s31, s30  }
.Ltmp1:
0x60: {  	_ = 	snop;
	(pc) =	sbr.rel @p0 .LBB2_4-.Ltmp1, $2  }
0x61: {  	_ =	sdelay $0x2  }
0x62: {  	s29 =	sadd.s32 $0x2, s29;
	s28 =	sadd.s32 $0x20, s28  }
0x63: {  	_ =	swait.ge [sflag:s23], $0x4000;
	s0 =	sshrl.u32 s30, $0x2  }
0x64: {  	[sflag:s23] =	ssyncset.done $0x0;
	s0 =	sand.u32 $0x1F00, s0  }
0x65: {  	[sflag:s23] =	ssyncadd.s32 $0xFFFFC000;
	s2 =	sor.u32 $0x2000, s0  }
0x66: {  	[spmem:s4] =	stream.indirect.scatter.add.f32 [tilespmem:s18], [sflag:$0x3], $0x80, s2, s21, $0xb8;
	[tilespmem:$0x1FC00] =	vst v63  }
0x67: {  	_ =	swait.ge [sflag:s24], $0x4000  }
0x68: {  	[sflag:s24] =	ssyncset.done $0x0  }
0x69: {  	p0 =	sge.u32 s29, s7;
	s0 =	sor.u32 $0x2080, s0;
	[sflag:s24] =	ssyncadd.s32 $0xFFFFC000  }
0x6a: {  	[spmem:s4] =	stream.indirect.scatter.add.f32 [tilespmem:s22], [sflag:$0x4], $0x80, s0, s21, $0xb8;
	[tilespmem:$0x1FC00] =	vst v63  }
0x6b: {  	s0 =	simm.s32 @!p0 $0x3  }
0x6c: {  	_ =	swait.ge @!p0 [sflag:s0], $0x4000  }
0x6d: {  	s2 =	sand.u32 @!p0 $0x3E, s29;
	[sflag:s0] =	ssyncset.done @!p0 $0x0  }
0x6e: {  	p1 =	sne.s32 @!p0 s2, $0x0;
	[sflag:s0] =	ssyncadd.s32 @!p0 $0xFFFFC000;
	s0 =	simm.s32 @!p0 $0x4  }
0x6f: {  	p1 =	por p1, p0;
	_ =	swait.ge @!p0 [sflag:s0], $0x4000  }
0x70: {  	s9 =	sand.u32 @!p1 $0x1FFFFF80, s28;
	[sflag:s0] =	ssyncset.done @!p0 $0x0  }
0x71: {  	s20 =	simm.s32 @!p1 $0x0;
	[sflag:s0] =	ssyncadd.s32 @!p0 $0xFFFFC000;
	s0 =	sadd.s32 @!p1 s6, s9  }
0x72: {  	[tilespmem:s20], [sflag:$0x5] =	stream.linear.gather @!p1 [hbm4b:s0+s20], $0x2000, $0x38;
	[tilespmem:$0x1FC00] =	vst v63  }
0x73: {  	s0 =	simm.s32 @!p1 $0x5  }
0x74: {  	_ =	swait.ge @!p1 [sflag:s0], $0x2000  }
0x75: {  	[sflag:s0] =	ssyncset.done @!p1 $0x0  }
0x76: {  	s28 =	simm.s32 @!p1 $0x2000;
	s9 =	sadd.s32 @!p1 s3, s9;
	[sflag:s0] =	ssyncadd.s32 @!p1 $0xFFFFE000  }
0x77: {  	[tilespmem:s28], [sflag:$0x5] =	stream.linear.gather @!p1 [hbm4b:s9+s20], $0x2000, $0x38;
	[tilespmem:$0x1FC00] =	vst v63  }
0x78: {  	_ =	swait.ge @!p1 [sflag:s0], $0x2000  }
0x79: {  	s9 =	simm.s32 @!p0 $0x4000;
	[sflag:s0] =	ssyncset.done @!p1 $0x0  }
0x7a: {  	[sflag:s0] =	ssyncadd.s32 @!p1 $0xFFFFE000;
	s0 =	sshll.u32 @!p0 s2, $0x7;
	s2 =	simm.s32 @!p0 $0x80  }
0x7b: {  	[tilespmem:s9], [sflag:$0x1] =	stream.indirect.gather @!p0 [hbm4b:s1+s2], $0x80, s0, s2, $0xb8;
	[tilespmem:$0x1FC00] =	vst v63  }
0x7c: {  	s0 =	sadd.s32 @!p0 $0x80, s0;
	s9 =	simm.s32 @!p0 $0x8000  }
0x7d: {  	[tilespmem:s9], [sflag:$0x2] =	stream.indirect.gather @!p0 [hbm4b:s1+s2], $0x80, s0, s2, $0xb8;
	[tilespmem:$0x1FC00] =	vst v63  }
0x7e: {  	_ =	swait.ge [sflag:s25], $0x4000  }
0x7f: {  	[sflag:s25] =	ssyncset.done $0x0  }
0x80: {  	[sflag:s25] =	ssyncadd.s32 $0xFFFFC000  }
0x81: {  	s30 =	stileid.u32;
	_ =	swait.ge [sflag:s26], $0x4000  }
0x82: {  	s31 =	sshrl.u32 s8, $0x3;
	s5 =	sadd.s32 $0x1, s5;
	[sflag:s26] =	ssyncset.done $0x0  }
0x83: {  	s0 =	sshll.u32 s30, $0x6;
	p0 =	sne.s32 s5, s13;
	[sflag:s26] =	ssyncadd.s32 $0xFFFFC000  }
.Ltmp2:
0x84: {  	s0 =	sor.u32 $0x1C05, s0;
	[bflag:$0x0] =	sbarrier.arrive $0xFFFF;
	(pc) =	sbr.rel @p0 .LBB2_1-.Ltmp2, $4  }
0x85: {  	[hbm:s12], [sflag:s0] =	dma.local [spmem:s31], $0x2780  }
0x86: {  	_ =	swait.ge [sflag:s19], $0x2780  }
0x87: {  	[sflag:s19] =	ssyncset.done $0x0  }
0x88: {  	[sflag:s19] =	ssyncadd.s32 $0xFFFFD880  }
0x89: {  	_ =	sfence.sel $0x180000  }
0x8a: {  	[bflag:$0x0] =	sbarrier.arrive $0xFFFF  }
0x8b: {  	_ =	strace $0x9000004D  }
0x8c: {  	s0 =	stileid.u32;
	[bflag:$0x2] =	sbarrier.arrive $0xFFFF  }
0x8d: {  	p0 =	sne.s32 s0, $0x0;
	s0 =	rddreg [dreg:$0x4]  }
0x8e: {  	s0 =	sadd.s32 @!p0 $0x100000, s0  }
0x8f: {  	[sflag:s0] =	ssyncadd.tile.s32 @!p0 $0x1;
	_ =	shalt  }
.Lfunc_end2:
_tile_overlayer_lowered:
.L_overlay_start_2:
0x90: {  	(tag) =	ssettag $0x2  }
0x91: {  	s0 =	rddreg [dreg:$0x0];
	s2 =	stileid.u32  }
0x92: {  	s1 =	rddreg [dreg:$0x1];
	p0 =	sne.s32 s2, $0x0  }
0x93: {  	s3 =	rddreg [dreg:$0x2];
	[bflag:$0x3] =	sbarrier.arrive $0xFFFF;
	s2 =	simm.s32 @!p0 $0x1C05  }
0x94: {  	[timem:s3], [sflag:s2] =	dma.local @!p0 [hbm:s0], s1  }
0x95: {  	s0 =	simm.s32 @!p0 $0x5  }
0x96: {  	_ =	swait.ge @!p0 [sflag:s0], s1  }
0x97: {  	s1 =	ssub.s32 @!p0 $0x0, s1;
	[sflag:s0] =	ssyncset.done @!p0 $0x0  }
0x98: {  	[sflag:s0] =	ssyncadd.s32 @!p0 s1  }
0x99: {  	[bflag:$0x3] =	sbarrier.arrive $0xFFFF  }
0x9a: {  	_ =	shalt  }

// kernel: kernel.8.cloned.1.call-start
scs
__scs_entry_jumppad:
0x0: {  	(pc) =	sbr.rel $0x88, $3  }
0x1: {  	(tag) =	ssettag $0x0;
	lr =	simm.s32 $0x1  }
0x2: {  	[smem:$0x3F9B] =	sst lr;
	_ =	strace $0xD0000000  }
0x3: {  	_ = 	snop  }
0x4: {  	_ = 	snop  }
0x5: {  	_ = 	snop  }
0x6: {  	_ = 	snop  }
0x7: {  	_ = 	snop  }
__scs_overlays_trampoline_lowered:
0x8: {  	[smem:$0x3FAA] =	sst s0  }
0x9: {  	[smem:$0x3FAB] =	sst s1  }
0xa: {  	[smem:$0x3FAC] =	sst s2  }
0xb: {  	[smem:$0x3FAD] =	sst s3  }
0xc: {  	[smem:$0x3FAE] =	sst s4  }
0xd: {  	[smem:$0x3FAF] =	sst s5  }
0xe: {  	[smem:$0x3FB0] =	sst s6  }
0xf: {  	[smem:$0x3FB1] =	sst s7  }
0x10: {  	[smem:$0x3FB2] =	sst s8  }
0x11: {  	[smem:$0x3FB3] =	sst s9;
	s0 =	simm.s32 @!p0 $0x0  }
0x12: {  	s1 =	sld [smem:$0x3F99];
	s0 =	simm.s32 @p0 $0x1  }
0x13: {  	[smem:$0x3FB4] =	sst s0;
	s0 =	simm.s32 @!p1 $0x0  }
0x14: {  	s2 =	sld [smem:$0x3F98];
	s0 =	simm.s32 @p1 $0x1  }
0x15: {  	[smem:$0x3FB5] =	sst s0;
	s0 =	simm.s32 @!p2 $0x0  }
0x16: {  	s3 =	sld [smem:$0x3FDB];
	s0 =	simm.s32 @p2 $0x1  }
0x17: {  	s4 =	simm.s32 $0x1BF5;
	[smem:$0x3FB7] =	sst s0  }
0x18: {  	s0 =	sld [smem:$0x3F9A];
	_ =	swait.ge [sflag:s4], $0x0  }
0x19: {  	s7 =	sld [smem:$0x3F9B]  }
0x1a: {  	s8 =	sadd.s32 $0xFFFFE003, lr  }
0x1b: {  	s9 =	sadd.s32 $0xFFFFFEF7, lr;
	s5 =	simm.s32 $0xFFFFFFFF;
	p2 =	slt.u32 s8, $0xFFFFF086  }
0x1c: {  	p1 =	slt.u32 s9, $0xF7A;
	s5 =	simm.s32 @!p2 $0x0  }
0x1d: {  	s5 =	simm.s32 @p1 $0x1;
	p0 =	seq.s32 s7, s2  }
0x1e: {  	s7 =	smul.u32 @!p0 $0xF7A, s2;
	p2 =	seq.s32 @!p0 s5, $0x0  }
0x1f: {  	s9 =	smul.u32 $0xF7A, s1;
	s8 =	simm.s32 @!p0 $0x1BF5;
	p2 =	por !p2, p0  }
0x20: {  	[sflag:s8] =	ssyncset.s32 @!p0 $0xFFFFF086;
	s6 =	sadd.s32 @!p0 s3, s7;
	s7 =	simm.s32 @!p0 $0x108  }
0x21: {  	s3 =	sadd.s32 s3, s9;
	s6 =	sadd.s32 @!p0 $0x88, s6;
	s7 =	simm.s32 @p2 $0x1082  }
0x22: {  	[simem:s7], [sflag:s8] =	dma.local @!p0 [hbm:s6], $0xF7A  }
0x23: {  	s9 =	sor.u32 $0xD0000000, s2;
	s6 =	simm.s32 $0x108;
	_ =	swait.ge @!p0 [sflag:s8], $0x0  }
0x24: {  	s3 =	sadd.s32 $0x88, s3;
	s6 =	simm.s32 @!p1 $0x1082;
	[sflag:s4] =	ssyncset.s32 $0xFFFFF086  }
0x25: {  	[simem:s6], [sflag:s4] =	dma.local [hbm:s3], $0xF7A  }
0x26: {  	[smem:$0x3F9B] =	sst s1;
	(tag) =	ssettag s2;
	_ =	strace s9  }
0x27: {  	s1 =	sld [smem:$0x3FAB]  }
0x28: {  	s2 =	sld [smem:$0x3FAC]  }
0x29: {  	s4 =	sld [smem:$0x3FAE]  }
0x2a: {  	p0 =	seq.s32 s5, $0x0;
	s5 =	sld [smem:$0x3FAF]  }
0x2b: {  	s6 =	sld [smem:$0x3FB0]  }
0x2c: {  	s7 =	sld [smem:$0x3FB1]  }
0x2d: {  	s3 =	simm.s32 $0x108;
	s8 =	sld [smem:$0x3FB2]  }
0x2e: {  	s3 =	simm.s32 @!p0 $0x1082;
	s9 =	sld [smem:$0x3FB3]  }
0x2f: {  	lr =	sadd.s32 s0, s3;
	s0 =	sld [smem:$0x3FAA]  }
0x30: {  	s3 =	sld [smem:$0x3FAD]  }
0x31: {  	[smem:$0x3FB6] =	sst s10  }
0x32: {  	s10 =	sld [smem:$0x3FB4];
	_ =	sdelay $0x3  }
0x33: {  	p0 =	seq.s32 s10, $0x1;
	s10 =	sld [smem:$0x3FB6];
	_ =	sdelay $0x3  }
0x34: {  	[smem:$0x3FB6] =	sst s10  }
0x35: {  	s10 =	sld [smem:$0x3FB5];
	_ =	sdelay $0x3  }
0x36: {  	p1 =	seq.s32 s10, $0x1;
	s10 =	sld [smem:$0x3FB6];
	_ =	sdelay $0x3  }
0x37: {  	[smem:$0x3FB6] =	sst s10  }
0x38: {  	s10 =	sld [smem:$0x3FB7]  }
0x39: {  	_ = 	snop;
	(pc) =	sbr.ind lr, $3  }
0x3a: {  	_ = 	snop  }
0x3b: {  	_ = 	snop  }
0x3c: {  	p2 =	seq.s32 s10, $0x1;
	s10 =	sld [smem:$0x3FB6]  }
0x3d: {  	_ =	shalt  }
0x3e: {  	_ =	shalt  }
0x3f: {  	_ =	shalt  }
0x40: {  	_ =	shalt  }
0x41: {  	_ =	shalt  }
0x42: {  	_ =	shalt  }
0x43: {  	_ =	shalt  }
0x44: {  	_ =	shalt  }
0x45: {  	_ =	shalt  }
0x46: {  	_ =	shalt  }
0x47: {  	_ =	shalt  }
0x48: {  	_ =	shalt  }
0x49: {  	_ =	shalt  }
0x4a: {  	_ =	shalt  }
0x4b: {  	_ =	shalt  }
0x4c: {  	_ =	shalt  }
0x4d: {  	_ =	shalt  }
0x4e: {  	_ =	shalt  }
0x4f: {  	_ =	shalt  }
0x50: {  	_ =	shalt  }
0x51: {  	_ =	shalt  }
0x52: {  	_ =	shalt  }
0x53: {  	_ =	shalt  }
0x54: {  	_ =	shalt  }
0x55: {  	_ =	shalt  }
0x56: {  	_ =	shalt  }
0x57: {  	_ =	shalt  }
0x58: {  	_ =	shalt  }
0x59: {  	_ =	shalt  }
0x5a: {  	_ =	shalt  }
0x5b: {  	_ =	shalt  }
0x5c: {  	_ =	shalt  }
0x5d: {  	_ =	shalt  }
0x5e: {  	_ =	shalt  }
0x5f: {  	_ =	shalt  }
0x60: {  	_ =	shalt  }
0x61: {  	_ =	shalt  }
0x62: {  	_ =	shalt  }
0x63: {  	_ =	shalt  }
0x64: {  	_ =	shalt  }
0x65: {  	_ =	shalt  }
0x66: {  	_ =	shalt  }
0x67: {  	_ =	shalt  }
0x68: {  	_ =	shalt  }
0x69: {  	_ =	shalt  }
0x6a: {  	_ =	shalt  }
0x6b: {  	_ =	shalt  }
0x6c: {  	_ =	shalt  }
0x6d: {  	_ =	shalt  }
0x6e: {  	_ =	shalt  }
0x6f: {  	_ =	shalt  }
0x70: {  	_ =	shalt  }
0x71: {  	_ =	shalt  }
0x72: {  	_ =	shalt  }
0x73: {  	_ =	shalt  }
0x74: {  	_ =	shalt  }
0x75: {  	_ =	shalt  }
0x76: {  	_ =	shalt  }
0x77: {  	_ =	shalt  }
0x78: {  	_ =	shalt  }
0x79: {  	_ =	shalt  }
0x7a: {  	_ =	shalt  }
0x7b: {  	_ =	shalt  }
0x7c: {  	_ =	shalt  }
0x7d: {  	_ =	shalt  }
0x7e: {  	_ =	shalt  }
0x7f: {  	_ =	shalt  }
0x80: {  	_ =	shalt  }
0x81: {  	_ =	shalt  }
0x82: {  	_ =	shalt  }
0x83: {  	_ =	shalt  }
0x84: {  	_ =	shalt  }
0x85: {  	_ =	shalt  }
0x86: {  	_ =	shalt  }
0x87: {  	_ =	shalt  }
.Lfunc_end0:
.L_simem_size_0:
called_computation_lowered:
.L_overlay_start_0:
0x88: {  	s2 =	sld [smem:$0x3FD9]  }
0x89: {  	s3 =	sld [smem:$0x3FFE];
	_ =	sdelay $0x1  }
0x8a: {  	s1 =	srdreg.scid  }
0x8b: {  	s0 =	sand.u32 $0x1, s1  }
0x8c: {  	s14 =	sshll.u32 s0, $0xA;
	s2 =	sadd.s32 s3, s2  }
0x8d: {  	s2 =	sadd.s32 s2, s14  }
0x8e: {  	[smem:$0x3FC2] =	sst s2  }
0x8f: {  	_ = 	snop  }
0x90: {  	s2 =	sld [smem:$0x3FD0];
	_ =	sdelay $0x2  }
0x91: {  	s15 =	simm.s32 $0xA;
	s4 =	simm.s32 $0x10  }
0x92: {  	[smem:s4], [sflag:s15] =	dma.local [hbm:s2], $0x1  }
0x93: {  	_ =	swait.eq [sflag:s15], $0x1  }
0x94: {  	[sflag:s15] =	ssyncset.done $0x0  }
0x95: {  	[sflag:s15] =	ssyncadd.s32 $0xFFFFFFFF  }
0x96: {  	s16 =	sld [smem:$0x11];
	(tm) =	ssettm $0x1  }
0x97: {  	s17 =	sld [smem:$0x3FFB];
	_ =	sdelay $0x3  }
0x98: {  	_ =	strace s17  }
0x99: {  	s3 =	sld [smem:$0x3FFC];
	_ =	sdelay $0x3  }
0x9a: {  	_ =	strace s3  }
0x9b: {  	s3 =	sld [smem:$0x3FFD];
	_ =	sdelay $0x3  }
0x9c: {  	_ =	strace s3  }
0x9d: {  	_ =	strace $0x8FFFFFFF  }
0x9e: {  	s18 =	sld [smem:$0x3FDB];
	_ =	sdelay $0x1  }
0x9f: {  	s19 =	simm.s32 $_scs_section_size  }
0xa0: {  	s5 =	simm.s32 $_size__tile_overlayer_lowered;
	s6 =	simm.s32 $_tile_overlayer_lowered  }
0xa1: {  	s22 =	simm.s32 $0x1BFF;
	s21 =	sshll.u32 s6, $0x1;
	s3 =	sadd.s32 s19, s18  }
0xa2: {  	s7 =	simm.s32 $0x0;
	s20 =	sshll.u32 s5, $0x1;
	s5 =	sadd.s32 s21, s3  }
0xa3: {  	[timem:s7], [sflag:s22] =	dma.local [hbm:s5], s20  }
0xa4: {  	_ =	swait.ge [sflag:s22], s20  }
0xa5: {  	s4 =	ssub.s32 $0x0, s20;
	[sflag:s22] =	ssyncset.done $0x0  }
0xa6: {  	[sflag:s22] =	ssyncadd.s32 s4;
	_ =	sdelay $0x1  }
0xa7: {  	s23 =	simm.s32 $0x1B8B  }
0xa8: {  	_ =	swait.ge [sflag:s23], $0x1  }
0xa9: {  	[sflag:s23] =	ssyncset.done $0x0  }
0xaa: {  	s25 =	simm.s32 $0x1B8E;
	s24 =	sld [smem:$0x3FFE];
	[sflag:s23] =	ssyncadd.s32 $0xFFFFFFFF  }
0xab: {  	s26 =	simm.s32 $execute0_lowered;
	[smem:$0x3FD2] =	sst s25  }
0xac: {  	s5 =	sshll.u32 s26, $0x1;
	_ =	strace $0x80000046;
	[dreg:$0x1] =	wrdreg $0xFFFFFFFF  }
0xad: {  	s28 =	simm.s32 $_size_execute0_lowered;
	s3 =	sadd.s32 s3, s5;
	[dreg:$0x0] =	wrdreg $0x0  }
0xae: {  	s5 =	sshll.u32 s28, $0x1;
	[dreg:$0x2] =	wrdreg s3  }
0xaf: {  	[dreg:$0x3] =	wrdreg s5  }
0xb0: {  	[dreg:$0x4] =	wrdreg $0xC0  }
0xb1: {  	_ =	task [dreg:s7], $0x5FFFF  }
0xb2: {  	[dreg:$0x1] =	wrdreg $0xFFFFFFFF  }
0xb3: {  	[dreg:$0x0] =	wrdreg $0x60  }
0xb4: {  	[dreg:$0x2] =	wrdreg s16  }
0xb5: {  	[dreg:$0x3] =	wrdreg s24  }
0xb6: {  	[dreg:$0x4] =	wrdreg $0xD4000  }
0xb7: {  	[dreg:$0x5] =	wrdreg $0x9  }
0xb8: {  	_ =	task.clear_ibuf [dreg:s7], $0x6FFFF;
	_ =	strace $0x90000046  }
0xb9: {  	s29 =	simm.s32 $0x9;
	_ =	strace $0x80000048  }
0xba: {  	_ =	swait.ge [sflag:s29], $0x1  }
0xbb: {  	[sflag:s29] =	ssyncadd.s32 $0xFFFFFFFF  }
0xbc: {  	_ =	strace $0x90000048  }
0xbd: {  	_ =	sfence  }
0xbe: {  	s30 =	sld [smem:$0x0];
	_ =	sdelay $0x2  }
0xbf: {  	s31 =	sshll.u32 s1, $0xD;
	s1 =	sshrl.u32 s1, $0x2  }
0xc0: {  	s3 =	sand.u32 $0x4000, s31;
	s1 =	sadd.s32 s1, s30  }
0xc1: {  	s0 =	sor.u32 s3, s0;
	s1 =	sshll.u32 s1, $0x11  }
0xc2: {  	s0 =	sor.u32 s1, s0  }
0xc3: {  	s0 =	sadd.s32 $0x8F2B, s0  }
0xc4: {  	[sflag:s0] =	ssyncadd.remote.s32 $0x1  }
0xc5: {  	_ =	sfence.sel $0xFFFF  }
0xc6: {  	[dreg:$0x0] =	wrdreg $0xFFFFFFFF;
	(pc) =	sbr.abs _section_cstart, $3  }
0xc7: {  	[dreg:$0x1] =	wrdreg $0xFFFFFFFF  }
0xc8: {  	_ =	task.clear_ibuf [dreg:s7], $0x2FFFF;
	_ =	strace $0x9FFFFFFF  }
0xc9: {  	(tm) =	ssettm $0x7FFFFFFF  }
tec
execute0_lowered:
.L_overlay_start_1:
0x0: {  	(tag) =	ssettag $0x1  }
0x1: {  	s0 =	rddreg [dreg:$0x0]  }
0x2: {  	s1 =	rddreg [dreg:$0x1];
	s2 =	srdreg.scid  }
0x3: {  	s5 =	rddreg [dreg:$0x2];
	s25 =	stileid.u32  }
0x4: {  	s6 =	simm.s32 $0x0;
	s23 =	simm.s32 $0x1;
	s24 =	simm.s32 $0x2800  }
0x5: {  	s30 =	simm.s32 $0x8800;
	s31 =	simm.s32 $0x8C00;
	s2 =	sand.u32 $0x1, s2  }
0x6: {  	s4 =	sshll.u32 s25, $0xA;
	[smem:$0x7FF] =	sst s6;
	s7 =	smul.u32 $0xA000, s25  }
0x7: {  	p0 =	sgt.u32 s25, $0x9;
	s3 =	smul.u32 $0x2800, s2;
	s28 =	sshll.u32 s2, $0x4  }
0x8: {  	_ =	strace $0x80000047;
	s2 =	ssub.s32 $0x2, s2;
	s6 =	sor.u32 s25, s28  }
0x9: {  	s29 =	sshrl.u32 s2, $0x1;
	s7 =	sshrl.u32 s7, $0x2;
	s3 =	sadd.s32 s4, s3  }
0xa: {  	s6 =	smul.u32 $0x500, s6;
	s2 =	ssub.s32 s2, s29;
	s3 =	sshll.u32 s3, $0x1  }
0xb: {  	s22 =	smax.u32 s2, $0x1;
	s1 =	sadd.s32 s3, s1;
	s3 =	sadd.s32 s4, s5  }
0xc: {  	s4 =	sadd.s32 s0, s6;
	s5 =	sadd.s32 s7, s5;
	s0 =	simm.s32 $0x9400  }
0xd: {  	s6 =	sadd.s32 $0x2800, s3;
	s7 =	sadd.s32 $0x5000, s3;
	s8 =	sadd.s32 $0x7800, s3  }
.Ltmp0:
0xe: {  	s9 =	sadd.s32 $0xA000, s3;
	s10 =	sadd.s32 $0xC800, s3;
	(pc) =	sbr.rel .LBB2_1-.Ltmp0, $4  }
0xf: {  	s11 =	sadd.s32 $0xF000, s3;
	s12 =	sadd.s32 $0x11800, s3;
	s13 =	sadd.s32 $0x14000, s3  }
0x10: {  	s14 =	sadd.s32 $0x16800, s3;
	s15 =	sadd.s32 $0x19000, s3;
	s16 =	sadd.s32 $0x1B800, s3  }
0x11: {  	s17 =	sadd.s32 $0x1E000, s3;
	s18 =	sadd.s32 $0x20800, s3;
	s19 =	sadd.s32 $0x23000, s3  }
0x12: {  	v0 =	vimm.f32 $0.0e+00;
	v1 =	vimm.f32 $1.000000000e+00;
	s20 =	sadd.s32 $0x25800, s3;
	s21 =	sadd.s32 $0x2800, s1;
	s1 =	simm.s32 $0x0  }
.LBB2_13:
0x13: {  	s1 =	sadd.s32 $0x1, s1  }
0x14: {  	p1 =	sne.s32 s1, s22  }
.Ltmp1:
0x15: {  	_ = 	snop;
	(pc) =	sbr.rel @!p1 .LBB2_14-.Ltmp1, $1  }
0x16: {  	_ =	sdelay $0x3  }
.LBB2_1:
0x17: {  	s2 =	simm.s32 $0x0;
	s25 =	simm.s32 $0x1000  }
.LBB2_2:
0x18: {  	p1 =	sne.s32 s25, $0x9000;
	[tilespmem:s2+$0x2BF0] =	vst v0  }
0x19: {  	[tilespmem:s2+$0x2800] =	vst v0  }
0x1a: {  	[tilespmem:s2+$0x2810] =	vst v0  }
0x1b: {  	[tilespmem:s2+$0x2820] =	vst v0  }
0x1c: {  	[tilespmem:s2+$0x2830] =	vst v0  }
0x1d: {  	[tilespmem:s2+$0x2840] =	vst v0  }
0x1e: {  	[tilespmem:s2+$0x2850] =	vst v0  }
0x1f: {  	[tilespmem:s2+$0x2860] =	vst v0  }
0x20: {  	[tilespmem:s2+$0x2870] =	vst v0  }
0x21: {  	[tilespmem:s2+$0x2880] =	vst v0  }
0x22: {  	[tilespmem:s2+$0x2890] =	vst v0  }
0x23: {  	[tilespmem:s2+$0x28A0] =	vst v0  }
0x24: {  	[tilespmem:s2+$0x28B0] =	vst v0  }
0x25: {  	[tilespmem:s2+$0x28C0] =	vst v0  }
0x26: {  	[tilespmem:s2+$0x28D0] =	vst v0  }
0x27: {  	[tilespmem:s2+$0x28E0] =	vst v0  }
0x28: {  	[tilespmem:s2+$0x28F0] =	vst v0  }
0x29: {  	[tilespmem:s2+$0x2900] =	vst v0  }
0x2a: {  	[tilespmem:s2+$0x2910] =	vst v0  }
0x2b: {  	[tilespmem:s2+$0x2920] =	vst v0  }
0x2c: {  	[tilespmem:s2+$0x2930] =	vst v0  }
0x2d: {  	[tilespmem:s2+$0x2940] =	vst v0  }
0x2e: {  	[tilespmem:s2+$0x2950] =	vst v0  }
0x2f: {  	[tilespmem:s2+$0x2960] =	vst v0  }
0x30: {  	[tilespmem:s2+$0x2970] =	vst v0  }
0x31: {  	[tilespmem:s2+$0x2980] =	vst v0  }
0x32: {  	[tilespmem:s2+$0x2990] =	vst v0  }
0x33: {  	[tilespmem:s2+$0x29A0] =	vst v0  }
0x34: {  	[tilespmem:s2+$0x29B0] =	vst v0  }
0x35: {  	[tilespmem:s2+$0x29C0] =	vst v0  }
0x36: {  	[tilespmem:s2+$0x29D0] =	vst v0  }
0x37: {  	[tilespmem:s2+$0x29E0] =	vst v0  }
0x38: {  	[tilespmem:s2+$0x29F0] =	vst v0  }
0x39: {  	[tilespmem:s2+$0x2A00] =	vst v0  }
0x3a: {  	[tilespmem:s2+$0x2A10] =	vst v0  }
0x3b: {  	[tilespmem:s2+$0x2A20] =	vst v0  }
0x3c: {  	[tilespmem:s2+$0x2A30] =	vst v0  }
0x3d: {  	[tilespmem:s2+$0x2A40] =	vst v0  }
0x3e: {  	[tilespmem:s2+$0x2A50] =	vst v0  }
0x3f: {  	[tilespmem:s2+$0x2A60] =	vst v0  }
0x40: {  	[tilespmem:s2+$0x2A70] =	vst v0  }
0x41: {  	[tilespmem:s2+$0x2A80] =	vst v0  }
0x42: {  	[tilespmem:s2+$0x2A90] =	vst v0  }
0x43: {  	[tilespmem:s2+$0x2AA0] =	vst v0  }
0x44: {  	[tilespmem:s2+$0x2AB0] =	vst v0  }
0x45: {  	[tilespmem:s2+$0x2AC0] =	vst v0  }
0x46: {  	[tilespmem:s2+$0x2AD0] =	vst v0  }
0x47: {  	[tilespmem:s2+$0x2AE0] =	vst v0  }
0x48: {  	[tilespmem:s2+$0x2AF0] =	vst v0  }
0x49: {  	[tilespmem:s2+$0x2B00] =	vst v0  }
0x4a: {  	[tilespmem:s2+$0x2B10] =	vst v0  }
0x4b: {  	[tilespmem:s2+$0x2B20] =	vst v0  }
0x4c: {  	[tilespmem:s2+$0x2B30] =	vst v0  }
0x4d: {  	[tilespmem:s2+$0x2B40] =	vst v0  }
0x4e: {  	[tilespmem:s2+$0x2B50] =	vst v0  }
0x4f: {  	[tilespmem:s2+$0x2B60] =	vst v0  }
0x50: {  	[tilespmem:s2+$0x2B70] =	vst v0  }
0x51: {  	[tilespmem:s2+$0x2B80] =	vst v0  }
0x52: {  	[tilespmem:s2+$0x2B90] =	vst v0  }
.Ltmp2:
0x53: {  	[tilespmem:s2+$0x2BA0] =	vst v0;
	(pc) =	sbr.rel @p1 .LBB2_2-.Ltmp2, $4  }
0x54: {  	[tilespmem:s2+$0x2BB0] =	vst v0  }
0x55: {  	[tilespmem:s2+$0x2BC0] =	vst v0  }
0x56: {  	[tilespmem:s2+$0x2BD0] =	vst v0  }
0x57: {  	[tilespmem:s2+$0x2BE0] =	vst v0;
	s2 =	sshra.s32 s25, $0x2;
	s25 =	sadd.s32 $0x1000, s25  }
0x58: {  	[tilespmem:s2+$0x2BF0] =	vst v0  }
0x59: {  	[tilespmem:s2+$0x2800] =	vst v0  }
0x5a: {  	[tilespmem:s2+$0x2810] =	vst v0  }
0x5b: {  	[tilespmem:s2+$0x2820] =	vst v0  }
0x5c: {  	[tilespmem:s2+$0x2830] =	vst v0  }
0x5d: {  	[tilespmem:s2+$0x2840] =	vst v0  }
0x5e: {  	[tilespmem:s2+$0x2850] =	vst v0  }
0x5f: {  	[tilespmem:s2+$0x2860] =	vst v0  }
0x60: {  	[tilespmem:s2+$0x2870] =	vst v0  }
0x61: {  	[tilespmem:s2+$0x2880] =	vst v0  }
0x62: {  	[tilespmem:s2+$0x2890] =	vst v0  }
0x63: {  	[tilespmem:s2+$0x28A0] =	vst v0  }
0x64: {  	[tilespmem:s2+$0x28B0] =	vst v0  }
0x65: {  	[tilespmem:s2+$0x28C0] =	vst v0  }
0x66: {  	[tilespmem:s2+$0x28D0] =	vst v0  }
0x67: {  	[tilespmem:s2+$0x28E0] =	vst v0  }
0x68: {  	[tilespmem:s2+$0x28F0] =	vst v0  }
0x69: {  	[tilespmem:s2+$0x2900] =	vst v0  }
0x6a: {  	[tilespmem:s2+$0x2910] =	vst v0  }
0x6b: {  	[tilespmem:s2+$0x2920] =	vst v0  }
0x6c: {  	[tilespmem:s2+$0x2930] =	vst v0  }
0x6d: {  	[tilespmem:s2+$0x2940] =	vst v0  }
0x6e: {  	[tilespmem:s2+$0x2950] =	vst v0  }
0x6f: {  	[tilespmem:s2+$0x2960] =	vst v0  }
0x70: {  	[tilespmem:s2+$0x2970] =	vst v0  }
0x71: {  	[tilespmem:s2+$0x2980] =	vst v0  }
0x72: {  	[tilespmem:s2+$0x2990] =	vst v0  }
0x73: {  	[tilespmem:s2+$0x29A0] =	vst v0  }
0x74: {  	[tilespmem:s2+$0x29B0] =	vst v0  }
0x75: {  	[tilespmem:s2+$0x29C0] =	vst v0  }
0x76: {  	[tilespmem:s2+$0x29D0] =	vst v0  }
0x77: {  	[tilespmem:s2+$0x29E0] =	vst v0  }
0x78: {  	[tilespmem:s2+$0x29F0] =	vst v0  }
0x79: {  	[tilespmem:s2+$0x2A00] =	vst v0  }
0x7a: {  	[tilespmem:s2+$0x2A10] =	vst v0  }
0x7b: {  	[tilespmem:s2+$0x2A20] =	vst v0  }
0x7c: {  	[tilespmem:s2+$0x2A30] =	vst v0  }
0x7d: {  	[tilespmem:s2+$0x2A40] =	vst v0  }
0x7e: {  	[tilespmem:s2+$0x2A50] =	vst v0  }
0x7f: {  	[tilespmem:s2+$0x2A60] =	vst v0  }
0x80: {  	[tilespmem:s2+$0x2A70] =	vst v0  }
0x81: {  	[tilespmem:s2+$0x2A80] =	vst v0  }
0x82: {  	[tilespmem:s2+$0x2A90] =	vst v0  }
0x83: {  	[tilespmem:s2+$0x2AA0] =	vst v0  }
0x84: {  	[tilespmem:s2+$0x2AB0] =	vst v0  }
0x85: {  	[tilespmem:s2+$0x2AC0] =	vst v0  }
0x86: {  	[tilespmem:s2+$0x2AD0] =	vst v0  }
0x87: {  	[tilespmem:s2+$0x2AE0] =	vst v0  }
0x88: {  	[tilespmem:s2+$0x2AF0] =	vst v0  }
0x89: {  	[tilespmem:s2+$0x2B00] =	vst v0  }
0x8a: {  	[tilespmem:s2+$0x2B10] =	vst v0  }
0x8b: {  	[tilespmem:s2+$0x2B20] =	vst v0  }
0x8c: {  	[tilespmem:s2+$0x2B30] =	vst v0  }
0x8d: {  	[tilespmem:s2+$0x2B40] =	vst v0  }
0x8e: {  	[tilespmem:s2+$0x2B50] =	vst v0  }
0x8f: {  	[tilespmem:s2+$0x2B60] =	vst v0  }
0x90: {  	[tilespmem:s2+$0x2B70] =	vst v0  }
0x91: {  	[tilespmem:s2+$0x2B80] =	vst v0  }
0x92: {  	[tilespmem:s2+$0x2B90] =	vst v0  }
0x93: {  	[tilespmem:s2+$0x2BA0] =	vst v0  }
0x94: {  	[tilespmem:s2+$0x2BB0] =	vst v0  }
0x95: {  	[tilespmem:s2+$0x2BC0] =	vst v0  }
0x96: {  	[tilespmem:s2+$0x2BD0] =	vst v0  }
0x97: {  	[tilespmem:s2+$0x2BE0] =	vst v0;
	s29 =	simm.s32 $0x0  }
0x98: {  	[tilespmem:s29], [sflag:$0x1] =	stream.linear.gather [hbm4b:s4+s29], $0x2800, $0x38;
	[tilespmem:$0xFC00] =	vst v63  }
0x99: {  	_ =	swait.ge [sflag:s23], $0x2800  }
0x9a: {  	[sflag:s23] =	ssyncset.done $0x0  }
0x9b: {  	s25 =	simm.s32 $0x0;
	s2 =	simm.s32 $0x40;
	[sflag:s23] =	ssyncadd.s32 $0xFFFFD800  }
.LBB2_4:
0x9c: {  	p1 =	sne.s32 s2, $0x9FC0;
	v2 =	vld [tilespmem:s25+$0x0];
	_ =	sdelay $0x3  }
.Ltmp3:
0x9d: {  	(pc) =	sbr.rel @p1 .LBB2_4-.Ltmp3, $2  }
0x9e: {  	_ =	sdelay $0x2  }
0x9f: {  	s25 =	sshra.s32 s2, $0x2;
	s2 =	sadd.s32 $0x40, s2;
	[tilespmem:v2+s24+$0x0] =	vst.idx.add.f32.msk $0xffff, v1  }
0xa0: {  	v2 =	vld [tilespmem:s25+$0x0];
	_ =	sdelay $0x7  }
0xa1: {  	[tilespmem:v2+s24+$0x0] =	vst.idx.add.f32.msk $0xffff, v1  }
0xa2: {  	[spmem:s5] =	stream.linear.scatter [tilespmem:s24], [sflag:$0x1], $0x2800, $0x38;
	[tilespmem:$0xFC00] =	vst v63  }
.Ltmp4:
0xa3: {  	_ =	swait.ge [sflag:s23], $0x2800;
	(pc) =	sbr.rel @p0 .LBB2_13-.Ltmp4, $3  }
0xa4: {  	[sflag:s23] =	ssyncset.done $0x0  }
0xa5: {  	[sflag:s23] =	ssyncadd.s32 $0xFFFFD800  }
0xa6: {  	[bflag:$0x0] =	sbarrier.arrive $0xFFFF;
	_ =	sdelay $0x1  }
0xa7: {  	s2 =	simm.s32 $0x5000  }
0xa8: {  	[tilespmem:s2], [sflag:$0x1] =	stream.linear.gather [spmem:s3], $0x400, $0x38;
	[tilespmem:$0xFC00] =	vst v63  }
0xa9: {  	_ =	swait.ge [sflag:s23], $0x400  }
0xaa: {  	[sflag:s23] =	ssyncset.done $0x0  }
0xab: {  	s25 =	simm.s32 $0x5400;
	[sflag:s23] =	ssyncadd.s32 $0xFFFFFC00  }
0xac: {  	[tilespmem:s25], [sflag:$0x1] =	stream.linear.gather [spmem:s6], $0x400, $0x38;
	[tilespmem:$0xFC00] =	vst v63  }
0xad: {  	_ =	swait.ge [sflag:s23], $0x400  }
0xae: {  	[sflag:s23] =	ssyncset.done $0x0  }
0xaf: {  	s26 =	simm.s32 $0x5800;
	[sflag:s23] =	ssyncadd.s32 $0xFFFFFC00  }
0xb0: {  	[tilespmem:s26], [sflag:$0x1] =	stream.linear.gather [spmem:s7], $0x400, $0x38;
	[tilespmem:$0xFC00] =	vst v63  }
0xb1: {  	_ =	swait.ge [sflag:s23], $0x400  }
0xb2: {  	[sflag:s23] =	ssyncset.done $0x0  }
0xb3: {  	s28 =	simm.s32 $0x5C00;
	[sflag:s23] =	ssyncadd.s32 $0xFFFFFC00  }
0xb4: {  	[tilespmem:s28], [sflag:$0x1] =	stream.linear.gather [spmem:s8], $0x400, $0x38;
	[tilespmem:$0xFC00] =	vst v63  }
0xb5: {  	_ =	swait.ge [sflag:s23], $0x400  }
0xb6: {  	[sflag:s23] =	ssyncset.done $0x0  }
0xb7: {  	s29 =	simm.s32 $0x6000;
	[sflag:s23] =	ssyncadd.s32 $0xFFFFFC00  }
0xb8: {  	[tilespmem:s29], [sflag:$0x1] =	stream.linear.gather [spmem:s9], $0x400, $0x38;
	[tilespmem:$0xFC00] =	vst v63  }
0xb9: {  	_ =	swait.ge [sflag:s23], $0x400  }
0xba: {  	[sflag:s23] =	ssyncset.done $0x0  }
0xbb: {  	s25 =	simm.s32 $0x6400;
	[sflag:s23] =	ssyncadd.s32 $0xFFFFFC00  }
0xbc: {  	[tilespmem:s25], [sflag:$0x1] =	stream.linear.gather [spmem:s10], $0x400, $0x38;
	[tilespmem:$0xFC00] =	vst v63  }
0xbd: {  	_ =	swait.ge [sflag:s23], $0x400  }
0xbe: {  	[sflag:s23] =	ssyncset.done $0x0  }
0xbf: {  	s26 =	simm.s32 $0x6800;
	[sflag:s23] =	ssyncadd.s32 $0xFFFFFC00  }
0xc0: {  	[tilespmem:s26], [sflag:$0x1] =	stream.linear.gather [spmem:s11], $0x400, $0x38;
	[tilespmem:$0xFC00] =	vst v63  }
0xc1: {  	_ =	swait.ge [sflag:s23], $0x400  }
0xc2: {  	[sflag:s23] =	ssyncset.done $0x0  }
0xc3: {  	s28 =	simm.s32 $0x6C00;
	[sflag:s23] =	ssyncadd.s32 $0xFFFFFC00  }
0xc4: {  	[tilespmem:s28], [sflag:$0x1] =	stream.linear.gather [spmem:s12], $0x400, $0x38;
	[tilespmem:$0xFC00] =	vst v63  }
0xc5: {  	_ =	swait.ge [sflag:s23], $0x400  }
0xc6: {  	[sflag:s23] =	ssyncset.done $0x0  }
0xc7: {  	s2 =	simm.s32 $0x7000;
	[sflag:s23] =	ssyncadd.s32 $0xFFFFFC00  }
0xc8: {  	[tilespmem:s2], [sflag:$0x1] =	stream.linear.gather [spmem:s13], $0x400, $0x38;
	[tilespmem:$0xFC00] =	vst v63  }
0xc9: {  	_ =	swait.ge [sflag:s23], $0x400  }
0xca: {  	[sflag:s23] =	ssyncset.done $0x0  }
0xcb: {  	s25 =	simm.s32 $0x7400;
	[sflag:s23] =	ssyncadd.s32 $0xFFFFFC00  }
0xcc: {  	[tilespmem:s25], [sflag:$0x1] =	stream.linear.gather [spmem:s14], $0x400, $0x38;
	[tilespmem:$0xFC00] =	vst v63  }
0xcd: {  	_ =	swait.ge [sflag:s23], $0x400  }
0xce: {  	[sflag:s23] =	ssyncset.done $0x0  }
0xcf: {  	s29 =	simm.s32 $0x7800;
	[sflag:s23] =	ssyncadd.s32 $0xFFFFFC00  }
0xd0: {  	[tilespmem:s29], [sflag:$0x1] =	stream.linear.gather [spmem:s15], $0x400, $0x38;
	[tilespmem:$0xFC00] =	vst v63  }
0xd1: {  	_ =	swait.ge [sflag:s23], $0x400  }
0xd2: {  	[sflag:s23] =	ssyncset.done $0x0  }
0xd3: {  	s26 =	simm.s32 $0x7C00;
	[sflag:s23] =	ssyncadd.s32 $0xFFFFFC00  }
0xd4: {  	[tilespmem:s26], [sflag:$0x1] =	stream.linear.gather [spmem:s16], $0x400, $0x38;
	[tilespmem:$0xFC00] =	vst v63  }
0xd5: {  	_ =	swait.ge [sflag:s23], $0x400  }
0xd6: {  	[sflag:s23] =	ssyncset.done $0x0  }
0xd7: {  	s28 =	simm.s32 $0x8000;
	[sflag:s23] =	ssyncadd.s32 $0xFFFFFC00  }
0xd8: {  	[tilespmem:s28], [sflag:$0x1] =	stream.linear.gather [spmem:s17], $0x400, $0x38;
	[tilespmem:$0xFC00] =	vst v63  }
0xd9: {  	_ =	swait.ge [sflag:s23], $0x400  }
0xda: {  	[sflag:s23] =	ssyncset.done $0x0  }
0xdb: {  	s29 =	simm.s32 $0x8400;
	[sflag:s23] =	ssyncadd.s32 $0xFFFFFC00  }
0xdc: {  	[tilespmem:s29], [sflag:$0x1] =	stream.linear.gather [spmem:s18], $0x400, $0x38;
	[tilespmem:$0xFC00] =	vst v63  }
0xdd: {  	_ =	swait.ge [sflag:s23], $0x400  }
0xde: {  	[sflag:s23] =	ssyncset.done $0x0  }
0xdf: {  	[sflag:s23] =	ssyncadd.s32 $0xFFFFFC00  }
0xe0: {  	[tilespmem:s30], [sflag:$0x1] =	stream.linear.gather [spmem:s19], $0x400, $0x38;
	[tilespmem:$0xFC00] =	vst v63  }
0xe1: {  	_ =	swait.ge [sflag:s23], $0x400  }
0xe2: {  	[sflag:s23] =	ssyncset.done $0x0  }
0xe3: {  	[sflag:s23] =	ssyncadd.s32 $0xFFFFFC00  }
0xe4: {  	[tilespmem:s31], [sflag:$0x1] =	stream.linear.gather [spmem:s20], $0x400, $0x38;
	[tilespmem:$0xFC00] =	vst v63  }
0xe5: {  	_ =	swait.ge [sflag:s23], $0x400  }
0xe6: {  	[sflag:s23] =	ssyncset.done $0x0  }
0xe7: {  	s25 =	simm.s32 $0x0;
	s26 =	simm.s32 $0x9000;
	[sflag:s23] =	ssyncadd.s32 $0xFFFFFC00  }
.LBB2_7:
0xe8: {  	v3 =	vmov s2;
	_ =	sdelay $0x3  }
0xe9: {  	v2 =	vmov s26;
	s28 =	simm.s32 $0x0;
	s29 =	simm.s32 $0x40  }
.LBB2_8:
0xea: {  	p1 =	sne.s32 s29, $0x1C0;
	v4 =	vld.idx.msk [tilespmem:v3+s28+$0xFFFFE000 ss:$0x1], $0xffff;
	_ =	sdelay $0x1  }
0xeb: {  	v5 =	vld.idx.msk [tilespmem:v3+s28+$0xFFFFE400 ss:$0x1], $0xffff;
	_ =	sdelay $0x1  }
0xec: {  	v6 =	vld.idx.msk [tilespmem:v3+s28+$0xFFFFE800 ss:$0x1], $0xffff;
	_ =	sdelay $0x1  }
0xed: {  	v4 =	vadd.f32 $0.0e+00, v4;
	v7 =	vld.idx.msk [tilespmem:v3+s28+$0xFFFFEC00 ss:$0x1], $0xffff;
	_ =	sdelay $0x1  }
0xee: {  	v4 =	vadd.f32 v5, v4;
	v5 =	vld.idx.msk [tilespmem:v3+s28+$0xFFFFF000 ss:$0x1], $0xffff;
	_ =	sdelay $0x1  }
0xef: {  	v4 =	vadd.f32 v6, v4;
	v6 =	vld.idx.msk [tilespmem:v3+s28+$0xFFFFF400 ss:$0x1], $0xffff;
	_ =	sdelay $0x1  }
0xf0: {  	v4 =	vadd.f32 v7, v4;
	v7 =	vld.idx.msk [tilespmem:v3+s28+$0xFFFFF800 ss:$0x1], $0xffff;
	_ =	sdelay $0x1  }
0xf1: {  	v4 =	vadd.f32 v5, v4;
	v5 =	vld.idx.msk [tilespmem:v3+s28+$0xFFFFFC00 ss:$0x1], $0xffff;
	_ =	sdelay $0x1  }
0xf2: {  	v4 =	vadd.f32 v6, v4;
	v6 =	vld.idx.msk [tilespmem:v3+s28+$0x0 ss:$0x1], $0xffff;
	_ =	sdelay $0x1  }
0xf3: {  	v4 =	vadd.f32 v7, v4;
	v7 =	vld.idx.msk [tilespmem:v3+s28+$0x400 ss:$0x1], $0xffff;
	_ =	sdelay $0x1  }
0xf4: {  	v4 =	vadd.f32 v5, v4;
	v5 =	vld.idx.msk [tilespmem:v3+s28+$0x800 ss:$0x1], $0xffff;
	_ =	sdelay $0x1  }
0xf5: {  	v4 =	vadd.f32 v6, v4;
	v6 =	vld.idx.msk [tilespmem:v3+s28+$0xC00 ss:$0x1], $0xffff;
	_ =	sdelay $0x1  }
0xf6: {  	v4 =	vadd.f32 v7, v4;
	v7 =	vld.idx.msk [tilespmem:v3+s28+$0x1000 ss:$0x1], $0xffff;
	_ =	sdelay $0x1  }
0xf7: {  	v4 =	vadd.f32 v5, v4;
	v5 =	vld.idx.msk [tilespmem:v3+s28+$0x1400 ss:$0x1], $0xffff;
	_ =	sdelay $0x1  }
0xf8: {  	v4 =	vadd.f32 v6, v4;
	v6 =	vld.idx.msk [tilespmem:v3+s28+$0x1800 ss:$0x1], $0xffff;
	_ =	sdelay $0x1  }
0xf9: {  	v4 =	vadd.f32 v7, v4;
	v7 =	vld.idx.msk [tilespmem:v3+s28+$0x1C00 ss:$0x1], $0xffff;
	_ =	sdelay $0x1  }
0xfa: {  	v4 =	vadd.f32 v5, v4;
	_ =	sdelay $0x1  }
.Ltmp5:
0xfb: {  	v4 =	vadd.f32 v6, v4;
	(pc) =	sbr.rel @p1 .LBB2_8-.Ltmp5, $3  }
0xfc: {  	_ = 	snop  }
0xfd: {  	v4 =	vadd.f32 v7, v4;
	_ =	sdelay $0x1  }
0xfe: {  	[tilespmem:v2+s28+$0x0 ss:$0x1] =	vst.idx.msk $0xffff, v4;
	s28 =	sshra.s32 s29, $0x2;
	s29 =	sadd.s32 $0x40, s29  }
0xff: {  	_ =	sdelay $0x3  }
0x100: {  	v4 =	vld.idx.msk [tilespmem:v3+s28+$0xFFFFE000 ss:$0x1], $0xffff;
	_ =	sdelay $0x1  }
0x101: {  	v5 =	vld.idx.msk [tilespmem:v3+s28+$0xFFFFE400 ss:$0x1], $0xffff;
	_ =	sdelay $0x1  }
0x102: {  	v6 =	vld.idx.msk [tilespmem:v3+s28+$0xFFFFE800 ss:$0x1], $0xffff  }
0x103: {  	v4 =	vadd.f32 $0.0e+00, v4  }
0x104: {  	v7 =	vld.idx.msk [tilespmem:v3+s28+$0xFFFFEC00 ss:$0x1], $0xffff  }
0x105: {  	v4 =	vadd.f32 v5, v4  }
0x106: {  	v53 =	vld.idx.msk [tilespmem:v3+s28+$0xFFFFF000 ss:$0x1], $0xffff  }
0x107: {  	v4 =	vadd.f32 v6, v4  }
0x108: {  	v54 =	vld.idx.msk [tilespmem:v3+s28+$0xFFFFF400 ss:$0x1], $0xffff  }
0x109: {  	v4 =	vadd.f32 v7, v4  }
0x10a: {  	v55 =	vld.idx.msk [tilespmem:v3+s28+$0xFFFFF800 ss:$0x1], $0xffff  }
0x10b: {  	v4 =	vadd.f32 v53, v4  }
0x10c: {  	v56 =	vld.idx.msk [tilespmem:v3+s28+$0xFFFFFC00 ss:$0x1], $0xffff  }
0x10d: {  	v4 =	vadd.f32 v54, v4  }
0x10e: {  	v57 =	vld.idx.msk [tilespmem:v3+s28+$0x0 ss:$0x1], $0xffff  }
0x10f: {  	v4 =	vadd.f32 v55, v4  }
0x110: {  	v58 =	vld.idx.msk [tilespmem:v3+s28+$0x400 ss:$0x1], $0xffff  }
0x111: {  	v4 =	vadd.f32 v56, v4  }
0x112: {  	v59 =	vld.idx.msk [tilespmem:v3+s28+$0x800 ss:$0x1], $0xffff  }
0x113: {  	v4 =	vadd.f32 v57, v4  }
0x114: {  	v60 =	vld.idx.msk [tilespmem:v3+s28+$0xC00 ss:$0x1], $0xffff  }
0x115: {  	v4 =	vadd.f32 v58, v4  }
0x116: {  	v61 =	vld.idx.msk [tilespmem:v3+s28+$0x1000 ss:$0x1], $0xffff  }
0x117: {  	v4 =	vadd.f32 v59, v4  }
0x118: {  	v62 =	vld.idx.msk [tilespmem:v3+s28+$0x1400 ss:$0x1], $0xffff  }
0x119: {  	v4 =	vadd.f32 v60, v4  }
0x11a: {  	v63 =	vld.idx.msk [tilespmem:v3+s28+$0x1800 ss:$0x1], $0xffff  }
0x11b: {  	v4 =	vadd.f32 v61, v4  }
0x11c: {  	v3 =	vld.idx.msk [tilespmem:v3+s28+$0x1C00 ss:$0x1], $0xffff  }
0x11d: {  	s25 =	sadd.s32 $0x1, s25;
	v4 =	vadd.f32 v62, v4  }
0x11e: {  	p1 =	sne.s32 s25, $0x8  }
.Ltmp6:
0x11f: {  	v4 =	vadd.f32 v63, v4;
	(pc) =	sbr.rel @p1 .LBB2_7-.Ltmp6, $3  }
0x120: {  	_ = 	snop  }
0x121: {  	v3 =	vadd.f32 v3, v4;
	_ =	sdelay $0x1  }
0x122: {  	s26 =	sadd.s32 $0x80, s26;
	s2 =	sadd.s32 $0x80, s2;
	[tilespmem:v2+s28+$0x0 ss:$0x1] =	vst.idx.msk $0xffff, v3  }
0x123: {  	s2 =	simm.s32 $0x0  }
0x124: {  	v2 =	vld [tilespmem:s2+$0x9000];
	_ =	sdelay $0x4  }
0x125: {  	v3 =	vbroadcast v2, $0x0  }
0x126: {  	s2 =	simm.s32 $0x9480;
	v4 =	vbroadcast v2, $0x1  }
0x127: {  	v5 =	vbroadcast v2, $0x2;
	[tilespmem:s2+$0xFFFFFF80] =	vst v3  }
0x128: {  	v56 =	vbroadcast v2, $0x4;
	[tilespmem:s2+$0xFFFFFF90] =	vst v4  }
0x129: {  	v57 =	vbroadcast v2, $0x5;
	[tilespmem:s2+$0xFFFFFFA0] =	vst v5  }
0x12a: {  	v58 =	vbroadcast v2, $0x7;
	[tilespmem:s2+$0xFFFFFFC0] =	vst v56  }
0x12b: {  	v59 =	vbroadcast v2, $0x8;
	[tilespmem:s2+$0xFFFFFFD0] =	vst v57  }
0x12c: {  	v60 =	vbroadcast v2, $0xA;
	[tilespmem:s2+$0xFFFFFFF0] =	vst v58  }
0x12d: {  	v3 =	vbroadcast v2, $0x3;
	[tilespmem:s2+$0x0] =	vst v59  }
0x12e: {  	v61 =	vbroadcast v2, $0xB;
	[tilespmem:s2+$0x20] =	vst v60  }
0x12f: {  	[tilespmem:s2+$0xFFFFFFB0] =	vst v3;
	v3 =	vbroadcast v2, $0x6  }
0x130: {  	v62 =	vbroadcast v2, $0xD;
	[tilespmem:s2+$0x30] =	vst v61  }
0x131: {  	[tilespmem:s2+$0xFFFFFFE0] =	vst v3;
	v3 =	vbroadcast v2, $0x9  }
0x132: {  	v63 =	vbroadcast v2, $0xE;
	[tilespmem:s2+$0x50] =	vst v62  }
0x133: {  	[tilespmem:s2+$0x10] =	vst v3;
	v3 =	vbroadcast v2, $0xC  }
0x134: {  	[tilespmem:s2+$0x60] =	vst v63;
	v2 =	vbroadcast v2, $0xF  }
0x135: {  	[tilespmem:s2+$0x40] =	vst v3  }
0x136: {  	s26 =	simm.s32 $0x10;
	s25 =	simm.s32 $0x80;
	[tilespmem:s2+$0x70] =	vst v2  }
.LBB2_11:
0x137: {  	p1 =	sne.s32 s25, $0xFC0;
	v2 =	vld [tilespmem:s26+$0x9000];
	_ =	sdelay $0x4  }
0x138: {  	v3 =	vbroadcast v2, $0x0;
	v4 =	vbroadcast v2, $0x1  }
0x139: {  	s2 =	sadd.s32 $0x100, s2;
	v5 =	vbroadcast v2, $0x2;
	v6 =	vbroadcast v2, $0x3  }
0x13a: {  	v7 =	vbroadcast v2, $0x5;
	[tilespmem:s2+$0xFFFFFF80] =	vst v3;
	v3 =	vbroadcast v2, $0x4  }
0x13b: {  	v8 =	vbroadcast v2, $0x7;
	[tilespmem:s2+$0xFFFFFF90] =	vst v4;
	v4 =	vbroadcast v2, $0x6  }
0x13c: {  	v9 =	vbroadcast v2, $0x9;
	[tilespmem:s2+$0xFFFFFFA0] =	vst v5;
	v5 =	vbroadcast v2, $0x8  }
0x13d: {  	v10 =	vbroadcast v2, $0xB;
	[tilespmem:s2+$0xFFFFFFB0] =	vst v6;
	v6 =	vbroadcast v2, $0xA  }
0x13e: {  	v11 =	vbroadcast v2, $0xD;
	[tilespmem:s2+$0xFFFFFFC0] =	vst v3;
	v3 =	vbroadcast v2, $0xC  }
0x13f: {  	[tilespmem:s2+$0xFFFFFFD0] =	vst v7;
	v7 =	vbroadcast v2, $0xE;
	v2 =	vbroadcast v2, $0xF  }
0x140: {  	[tilespmem:s2+$0xFFFFFFE0] =	vst v4  }
0x141: {  	[tilespmem:s2+$0xFFFFFFF0] =	vst v8  }
0x142: {  	[tilespmem:s2+$0x0] =	vst v5  }
0x143: {  	[tilespmem:s2+$0x10] =	vst v9  }
0x144: {  	[tilespmem:s2+$0x20] =	vst v6  }
.Ltmp7:
0x145: {  	[tilespmem:s2+$0x30] =	vst v10;
	(pc) =	sbr.rel @p1 .LBB2_11-.Ltmp7, $4  }
0x146: {  	[tilespmem:s2+$0x40] =	vst v3  }
0x147: {  	[tilespmem:s2+$0x50] =	vst v11  }
0x148: {  	[tilespmem:s2+$0x60] =	vst v7  }
0x149: {  	s26 =	sshra.s32 s25, $0x2;
	s25 =	sadd.s32 $0x40, s25;
	[tilespmem:s2+$0x70] =	vst v2  }
0x14a: {  	v2 =	vld [tilespmem:s26+$0x9000];
	_ =	sdelay $0x4  }
0x14b: {  	v3 =	vbroadcast v2, $0x0  }
0x14c: {  	s2 =	sadd.s32 $0x100, s2;
	v4 =	vbroadcast v2, $0x1  }
0x14d: {  	v5 =	vbroadcast v2, $0x2;
	[tilespmem:s2+$0xFFFFFF80] =	vst v3  }
0x14e: {  	v56 =	vbroadcast v2, $0x4;
	[tilespmem:s2+$0xFFFFFF90] =	vst v4  }
0x14f: {  	v57 =	vbroadcast v2, $0x5;
	[tilespmem:s2+$0xFFFFFFA0] =	vst v5  }
0x150: {  	v58 =	vbroadcast v2, $0x7;
	[tilespmem:s2+$0xFFFFFFC0] =	vst v56  }
0x151: {  	v59 =	vbroadcast v2, $0x8;
	[tilespmem:s2+$0xFFFFFFD0] =	vst v57  }
0x152: {  	v60 =	vbroadcast v2, $0xA;
	[tilespmem:s2+$0xFFFFFFF0] =	vst v58  }
0x153: {  	v3 =	vbroadcast v2, $0x3;
	[tilespmem:s2+$0x0] =	vst v59  }
0x154: {  	v61 =	vbroadcast v2, $0xB;
	[tilespmem:s2+$0x20] =	vst v60  }
0x155: {  	[tilespmem:s2+$0xFFFFFFB0] =	vst v3;
	v3 =	vbroadcast v2, $0x6  }
0x156: {  	v62 =	vbroadcast v2, $0xD;
	[tilespmem:s2+$0x30] =	vst v61  }
0x157: {  	[tilespmem:s2+$0xFFFFFFE0] =	vst v3;
	v3 =	vbroadcast v2, $0x9  }
0x158: {  	v63 =	vbroadcast v2, $0xE;
	[tilespmem:s2+$0x50] =	vst v62  }
0x159: {  	[tilespmem:s2+$0x10] =	vst v3;
	v3 =	vbroadcast v2, $0xC  }
0x15a: {  	[tilespmem:s2+$0x60] =	vst v63;
	v2 =	vbroadcast v2, $0xF  }
0x15b: {  	[tilespmem:s2+$0x40] =	vst v3  }
.Ltmp8:
0x15c: {  	s29 =	simm.s32 $0x0;
	[tilespmem:s2+$0x70] =	vst v2;
	(pc) =	sbr.rel .LBB2_13-.Ltmp8, $4  }
0x15d: {  	[hbm4b:s21+s29] =	stream.linear.scatter [tilespmem:s0], [sflag:$0x1], $0x4000, $0x38;
	[tilespmem:$0xFC00] =	vst v63  }
0x15e: {  	_ =	swait.ge [sflag:s23], $0x4000  }
0x15f: {  	[sflag:s23] =	ssyncset.done $0x0  }
0x160: {  	[sflag:s23] =	ssyncadd.s32 $0xFFFFC000  }
.LBB2_14:
0x161: {  	_ =	sfence.sel $0x180000  }
0x162: {  	[bflag:$0x0] =	sbarrier.arrive $0xFFFF  }
0x163: {  	_ =	strace $0x90000047  }
0x164: {  	s0 =	stileid.u32;
	[bflag:$0x2] =	sbarrier.arrive $0xFFFF  }
0x165: {  	p0 =	sne.s32 s0, $0x0;
	s0 =	rddreg [dreg:$0x3]  }
0x166: {  	s0 =	sadd.s32 @!p0 $0x100000, s0  }
0x167: {  	[sflag:s0] =	ssyncadd.tile.s32 @!p0 $0x1;
	_ =	shalt  }
.Lfunc_end2:
_tile_overlayer_lowered:
.L_overlay_start_2:
0x168: {  	(tag) =	ssettag $0x2  }
0x169: {  	s0 =	rddreg [dreg:$0x0];
	s2 =	stileid.u32  }
0x16a: {  	s1 =	rddreg [dreg:$0x1];
	p0 =	sne.s32 s2, $0x0  }
0x16b: {  	s3 =	rddreg [dreg:$0x2];
	[bflag:$0x3] =	sbarrier.arrive $0xFFFF;
	s2 =	simm.s32 @!p0 $0x1C01  }
0x16c: {  	[timem:s3], [sflag:s2] =	dma.local @!p0 [hbm:s0], s1  }
0x16d: {  	s0 =	simm.s32 @!p0 $0x1  }
0x16e: {  	_ =	swait.ge @!p0 [sflag:s0], s1  }
0x16f: {  	s1 =	ssub.s32 @!p0 $0x0, s1;
	[sflag:s0] =	ssyncset.done @!p0 $0x0  }
0x170: {  	[sflag:s0] =	ssyncadd.s32 @!p0 s1  }
0x171: {  	[bflag:$0x3] =	sbarrier.arrive $0xFFFF  }
0x172: {  	_ =	shalt  }

</sc_bundles>
